<compile_context>
chip_gen: v7x
topology: tpu7x:2x2x1
jax: 0.10.2.dev20260603
libtpu: 0.0.44.dev20260713+nightly
codegen_flags: <defaults>
</compile_context>

<pallas_src>
import functools

import jax
import jax.numpy as jnp
import numpy as np
from jax import lax
from jax.experimental import pallas as pl
from jax.experimental.pallas import tpu as pltpu
from jax.experimental.pallas import tpu_sc as plsc

N = 10000
E = 320000
NC = 2
NS = 16
NW = NC * NS
EPW = E // NW
RPT = N // NS
CH = 125
NCH = EPW // CH
NBUF = 8
DEGW = 8

_mesh = plsc.VectorSubcoreMesh(core_axis_name="c", subcore_axis_name="s")


_SLAG = 4


def _deg_body(dst3_hbm, zeros_hbm, ones_hbm, degp_hbm, acc, dst_all, ones_v, ssem):
    c = lax.axis_index("c")
    s = lax.axis_index("s")
    rows0 = s * RPT
    w = s * NC + c
    d0 = pltpu.async_copy(zeros_hbm, acc.at[pl.ds(rows0, RPT)], ssem)
    d1 = pltpu.async_copy(ones_hbm, ones_v, ssem)
    d2 = pltpu.async_copy(dst3_hbm.at[w], dst_all, ssem)
    d0.wait()
    d1.wait()
    d2.wait()
    plsc.subcore_barrier()

    def body(j, carry):
        desc = pltpu.async_copy(ones_v, acc.at[dst_all.at[j]], ssem, add=True)

        @pl.when(j >= _SLAG)
        def _():
            desc.wait()

        return carry

    lax.fori_loop(0, NCH, body, 0)
    for _ in range(_SLAG):
        pltpu.make_async_copy(ones_v, acc.at[dst_all.at[0]], ssem).wait()
    plsc.subcore_barrier()
    pltpu.sync_copy(acc.at[pl.ds(rows0, RPT)],
                    degp_hbm.at[pl.ds(rows0, RPT), pl.ds(c * DEGW, DEGW)])


_sc_params = pltpu.CompilerParams(use_tc_tiling_on_sc=False)

_deg_kernel = pl.kernel(
    _deg_body,
    out_type=jax.ShapeDtypeStruct((N, 128), jnp.float32),
    mesh=_mesh,
    compiler_params=_sc_params,
    scratch_types=[
        pltpu.VMEM_SHARED((N, DEGW), jnp.float32),
        pltpu.VMEM((NCH, CH), jnp.int32),
        pltpu.VMEM((CH, DEGW), jnp.float32),
        pltpu.SemaphoreType.DMA,
    ],
)


def _prop_body(d, g_hbm, src3_hbm, dst3_hbm, out_hbm, acc, src_all, dst_all,
               rows_refs, gsems, ssems):
    c = lax.axis_index("c")
    s = lax.axis_index("s")
    rows0 = s * RPT
    w = s * NC + c

    def _gather(j, b):
        pltpu.async_copy(g_hbm.at[src_all.at[j]], rows_refs[b], gsems[b])

    def _wait_gather(b):
        pltpu.make_async_copy(g_hbm.at[src_all.at[0]], rows_refs[b],
                              gsems[b]).wait()

    def _scatter(j, b):
        pltpu.async_copy(rows_refs[b], acc.at[dst_all.at[j]], ssems[b],
                         add=True)

    def _wait_scatter(b):
        pltpu.make_async_copy(rows_refs[b], acc.at[dst_all.at[0]],
                              ssems[b]).wait()

    pltpu.sync_copy(src3_hbm.at[w], src_all)
    pltpu.sync_copy(dst3_hbm.at[w], dst_all)
    for b in range(NBUF):
        _gather(b, b)
    pltpu.sync_copy(g_hbm.at[pl.ds(rows0, RPT)], acc.at[pl.ds(rows0, RPT)])
    plsc.subcore_barrier()

    def body(i, carry):
        for b in range(NBUF):
            _wait_gather(b)
            _scatter(i * NBUF + b, b)
        for b in range(NBUF):
            jn = i * NBUF + b + NBUF

            @pl.when(jn < NCH)
            def _(jn=jn, b=b):
                _wait_scatter(b)
                _gather(jn, b)

        return carry

    lax.fori_loop(0, NCH // NBUF, body, 0)
    for b in range(NBUF):
        _wait_scatter(b)
    plsc.subcore_barrier()
    pltpu.sync_copy(acc.at[pl.ds(rows0, RPT)],
                    out_hbm.at[pl.ds(rows0, RPT), pl.ds(c * d, d)])


def _make_prop(d):
    return pl.kernel(
        functools.partial(_prop_body, d),
        out_type=jax.ShapeDtypeStruct((N, 128), jnp.float32),
        mesh=_mesh,
        compiler_params=_sc_params,
        scratch_types=[
            pltpu.VMEM_SHARED((N, d), jnp.float32),
            pltpu.VMEM((NCH, CH), jnp.int32),
            pltpu.VMEM((NCH, CH), jnp.int32),
            tuple(pltpu.VMEM((CH, d), jnp.float32) for _ in range(NBUF)),
            tuple(pltpu.SemaphoreType.DMA for _ in range(NBUF)),
            tuple(pltpu.SemaphoreType.DMA for _ in range(NBUF)),
        ],
    )


_prop64 = _make_prop(64)
_prop32 = _make_prop(32)


def _dense1_body(x_ref, w1_ref, degp_ref, g1_ref, dinv_ref):
    deg = degp_ref[:, 0:1] + degp_ref[:, DEGW:DEGW + 1] + 1.0
    dinv = lax.rsqrt(deg)
    dinv_ref[...] = dinv
    h1 = jnp.dot(x_ref[...], w1_ref[...], preferred_element_type=jnp.float32)
    g1_ref[...] = h1 * dinv


def _dense2_body(p1_ref, g1_ref, dinv_ref, b1_ref, w2_ref, g2_ref):
    dinv = dinv_ref[...]
    ssum = p1_ref[:, 0:64] + p1_ref[:, 64:128] - g1_ref[...]
    h = jnp.maximum(ssum * dinv + b1_ref[...], 0.0)
    g2_ref[...] = jnp.dot(h, w2_ref[...],
                          preferred_element_type=jnp.float32) * dinv


def _out_body(p2_ref, g2_ref, dinv_ref, b2_ref, z_ref):
    ssum = p2_ref[:, 0:32] + p2_ref[:, 32:64] - g2_ref[...]
    z_ref[...] = ssum * dinv_ref[...] + b2_ref[...]


_BLK = 2000


def _rows(bs):
    return pl.BlockSpec((_BLK, bs), lambda i: (i, 0))


def _full(r, c):
    return pl.BlockSpec((r, c), lambda i: (0, 0))


def kernel(x, edge_index, W1, b1, W2, b2):
    src3 = edge_index[0].astype(jnp.int32).reshape(NW, NCH, CH)
    dst3 = edge_index[1].astype(jnp.int32).reshape(NW, NCH, CH)
    zeros = np.zeros((RPT, DEGW), np.float32)
    ones = np.ones((CH, DEGW), np.float32)

    degp = _deg_kernel(dst3, zeros, ones)

    g1, dinv = pl.pallas_call(
        _dense1_body,
        grid=(N // _BLK,),
        in_specs=[_rows(128), _full(128, 64), _rows(128)],
        out_specs=[_rows(64), _rows(1)],
        out_shape=[
            jax.ShapeDtypeStruct((N, 64), jnp.float32),
            jax.ShapeDtypeStruct((N, 1), jnp.float32),
        ],
    )(x, W1, degp)

    p1 = _prop64(g1, src3, dst3)

    g2 = pl.pallas_call(
        _dense2_body,
        grid=(N // _BLK,),
        in_specs=[_rows(128), _rows(64), _rows(1), _full(1, 64), _full(64, 32)],
        out_specs=_rows(32),
        out_shape=jax.ShapeDtypeStruct((N, 32), jnp.float32),
    )(p1, g1, dinv, b1.reshape(1, 64), W2)

    p2 = _prop32(g2, src3, dst3)

    z = pl.pallas_call(
        _out_body,
        grid=(N // _BLK,),
        in_specs=[_rows(128), _rows(32), _rows(1), _full(1, 32)],
        out_specs=_rows(32),
        out_shape=jax.ShapeDtypeStruct((N, 32), jnp.float32),
    )(p2, g2, dinv, b2.reshape(1, 32))

    return z

# --- scband reference (transcript-rebuilt; emitter-appended) ---
"""Pipeline reference for scband-interaction-graph-autoencoder-84490596646922 (READ-ONLY COPY).

The authoritative reference and input builder live on the scoring server;
editing this copy changes nothing except your own understanding.
"""

import jax, jax.numpy as jnp
import numpy as np

N_NODES = 10000
N_EDGES = 320000
D_FEAT = 128
D_HID = 64   # gene_embedding_dim * 2
D_OUT = 32   # gene_embedding_dim


def gcn_conv(x, edge_index, W, b, n):
    # GCNConv: add self-loops, symmetric normalization D^-1/2 (A+I) D^-1/2 X W + b
    src = edge_index[0]
    dst = edge_index[1]
    loop = jnp.arange(n, dtype=src.dtype)
    src = jnp.concatenate([src, loop])
    dst = jnp.concatenate([dst, loop])
    h = x @ W
    ones = jnp.ones(src.shape[0], dtype=h.dtype)
    deg = jax.ops.segment_sum(ones, dst, num_segments=n)
    dinv = jnp.where(deg > 0, deg ** -0.5, 0.0)
    norm = dinv[src] * dinv[dst]
    msg = h[src] * norm[:, None]
    out = jax.ops.segment_sum(msg, dst, num_segments=n)
    return out + b


def setup_inputs(seed: int = 0) -> dict:
    key = jax.random.key(seed)
    k1, k2, k3, k4, k5, k6 = jax.random.split(key, 6)
    x = jax.random.normal(k1, (N_NODES, D_FEAT), dtype=jnp.float32)
    edge_index = jax.random.randint(k2, (2, N_EDGES), 0, N_NODES)
    W1 = jax.random.normal(k3, (D_FEAT, D_HID), dtype=jnp.float32) * 0.05
    b1 = jnp.zeros((D_HID,), dtype=jnp.float32)
    W2 = jax.random.normal(k4, (D_HID, D_OUT), dtype=jnp.float32) * 0.05
    b2 = jnp.zeros((D_OUT,), dtype=jnp.float32)
    return {"x": x, "edge_index": edge_index, "W1": W1, "b1": b1, "W2": W2, "b2": b2}


def reference(x, edge_index, W1, b1, W2, b2):
    # encode(): conv1 -> relu -> dropout(eval: identity) -> conv2
    h = gcn_conv(x, edge_index, W1, b1, N_NODES)
    h = jax.nn.relu(h)
    z_gene = gcn_conv(h, edge_index, W2, b2, N_NODES)
    return z_gene

if __name__ == "__main__":
    import jax
    _d = setup_inputs()
    print(jax.jit(kernel)(*tuple(_d.values())))

</pallas_src>

<mosaic_0001>
#map = affine_map<(d0, d1) -> (0, 0, 0)>
#map1 = affine_map<(d0, d1) -> (0, 0)>
module attributes {stable_mosaic.version = 14 : i64} {
  func.func @_deg_body(%arg0: i32, %arg1: i32, %arg2: memref<32x80x125xi32, #tpu.memory_space<hbm>>, %arg3: memref<625x8xf32, #tpu.memory_space<hbm>>, %arg4: memref<125x8xf32, #tpu.memory_space<hbm>>, %arg5: memref<10000x128xf32, #tpu.memory_space<hbm>>, %arg6: memref<10000x8xf32, #tpu.memory_space<vmem_shared>>, %arg7: memref<80x125xi32, #tpu.memory_space<vmem>>, %arg8: memref<125x8xf32, #tpu.memory_space<vmem>>, %arg9: memref<!tpu.dma_semaphore, #tpu.memory_space<semaphore_mem>>) attributes {dimension_semantics = [#tpu.dimension_semantics<core_parallel>, #tpu.dimension_semantics<subcore_parallel>], iteration_bounds = array<i64: 2, 16>, scalar_prefetch = 0 : i64, scratch_operands = 4 : i64, tpu.core_type = #tpu.core_type<sc_vector_subcore>, window_params = [{transform_indices = #map}, {transform_indices = #map1}, {transform_indices = #map1}, {transform_indices = #map1}]} {
    %mul3A = arith.constant 625 : i32
    %mul3A_0 = arith.muli %arg1, %mul3A : i32
    %mul3A_1 = arith.constant 2 : i32
    %mul3A_2 = arith.muli %arg1, %mul3A_1 : i32
    %add3A = arith.addi %mul3A_2, %arg0 : i32
    %dma_start3A = arith.constant 0 : i32
    %dma_start3A_3 = tpu.memref_slice %arg6[%mul3A_0, %dma_start3A] : memref<10000x8xf32, #tpu.memory_space<vmem_shared>> -> memref<625x8xf32, #tpu.memory_space<vmem_shared>>
    tpu.enqueue_dma source(%arg3 : memref<625x8xf32, #tpu.memory_space<hbm>>) target(%dma_start3A_3 : memref<625x8xf32, #tpu.memory_space<vmem_shared>>) target_semaphore(%arg9 : memref<!tpu.dma_semaphore, #tpu.memory_space<semaphore_mem>>)
    tpu.enqueue_dma source(%arg4 : memref<125x8xf32, #tpu.memory_space<hbm>>) target(%arg8 : memref<125x8xf32, #tpu.memory_space<vmem>>) target_semaphore(%arg9 : memref<!tpu.dma_semaphore, #tpu.memory_space<semaphore_mem>>)
    %dma_start3A_4 = arith.constant 0 : i32
    %dma_start3A_5 = arith.constant 0 : i32
    %dma_start3A_6 = tpu.memref_slice %arg2[%add3A, %dma_start3A_4, %dma_start3A_5] : memref<32x80x125xi32, #tpu.memory_space<hbm>> -> memref<1x80x125xi32, #tpu.memory_space<hbm>>
    %dma_start3A_7 = tpu.memref_squeeze %dma_start3A_6 : memref<1x80x125xi32, #tpu.memory_space<hbm>> -> memref<80x125xi32, #tpu.memory_space<hbm>>
    %dma_start3A_8 = arith.constant 0 : i32
    %dma_start3A_9 = arith.constant 0 : i32
    %dma_start3A_10 = tpu.memref_slice %arg2[%add3A, %dma_start3A_8, %dma_start3A_9] : memref<32x80x125xi32, #tpu.memory_space<hbm>> -> memref<1x80x125xi32, #tpu.memory_space<hbm>>
    %dma_start3A_11 = tpu.memref_squeeze %dma_start3A_10 : memref<1x80x125xi32, #tpu.memory_space<hbm>> -> memref<80x125xi32, #tpu.memory_space<hbm>>
    tpu.enqueue_dma source(%dma_start3A_11 : memref<80x125xi32, #tpu.memory_space<hbm>>) target(%arg7 : memref<80x125xi32, #tpu.memory_space<vmem>>) target_semaphore(%arg9 : memref<!tpu.dma_semaphore, #tpu.memory_space<semaphore_mem>>)
    %dma_wait3A = arith.constant 0 : i32
    %dma_wait3A_12 = tpu.memref_slice %arg6[%mul3A_0, %dma_wait3A] : memref<10000x8xf32, #tpu.memory_space<vmem_shared>> -> memref<625x8xf32, #tpu.memory_space<vmem_shared>>
    tpu.wait_dma2 semaphore(%arg9 : memref<!tpu.dma_semaphore, #tpu.memory_space<semaphore_mem>>) src(%arg3 : memref<625x8xf32, #tpu.memory_space<hbm>>) dst(%dma_wait3A_12 : memref<625x8xf32, #tpu.memory_space<vmem_shared>>)
    tpu.wait_dma2 semaphore(%arg9 : memref<!tpu.dma_semaphore, #tpu.memory_space<semaphore_mem>>) src(%arg4 : memref<125x8xf32, #tpu.memory_space<hbm>>) dst(%arg8 : memref<125x8xf32, #tpu.memory_space<vmem>>)
    %dma_wait3A_13 = arith.constant 0 : i32
    %dma_wait3A_14 = arith.constant 0 : i32
    %dma_wait3A_15 = tpu.memref_slice %arg2[%add3A, %dma_wait3A_13, %dma_wait3A_14] : memref<32x80x125xi32, #tpu.memory_space<hbm>> -> memref<1x80x125xi32, #tpu.memory_space<hbm>>
    %dma_wait3A_16 = tpu.memref_squeeze %dma_wait3A_15 : memref<1x80x125xi32, #tpu.memory_space<hbm>> -> memref<80x125xi32, #tpu.memory_space<hbm>>
    %dma_wait3A_17 = arith.constant 0 : i32
    %dma_wait3A_18 = arith.constant 0 : i32
    %dma_wait3A_19 = tpu.memref_slice %arg2[%add3A, %dma_wait3A_17, %dma_wait3A_18] : memref<32x80x125xi32, #tpu.memory_space<hbm>> -> memref<1x80x125xi32, #tpu.memory_space<hbm>>
    %dma_wait3A_20 = tpu.memref_squeeze %dma_wait3A_19 : memref<1x80x125xi32, #tpu.memory_space<hbm>> -> memref<80x125xi32, #tpu.memory_space<hbm>>
    tpu.wait_dma2 semaphore(%arg9 : memref<!tpu.dma_semaphore, #tpu.memory_space<semaphore_mem>>) src(%dma_wait3A_20 : memref<80x125xi32, #tpu.memory_space<hbm>>) dst(%arg7 : memref<80x125xi32, #tpu.memory_space<vmem>>)
    %barrier3A = arith.constant 0 : index
    tpu.barrier barrier_id(%barrier3A)
    %scan3A = arith.constant 0 : i32
    %scan3A_21 = arith.constant 0 : i32
    %scan3A_22 = arith.constant 80 : i32
    %scan3A_23 = arith.addi %scan3A_21, %scan3A_22 : i32
    %scan3A_24 = arith.constant 1 : i32
    scf.for %scan3A_57 = %scan3A_21 to %scan3A_23 step %scan3A_24  : i32 {
      %dma_start3A_58 = arith.constant 0 : i32
      %dma_start3A_59 = tpu.memref_slice %arg7[%scan3A_57, %dma_start3A_58] : memref<80x125xi32, #tpu.memory_space<vmem>> -> memref<1x125xi32, #tpu.memory_space<vmem>>
      %dma_start3A_60 = tpu.memref_squeeze %dma_start3A_59 : memref<1x125xi32, #tpu.memory_space<vmem>> -> memref<125xi32, #tpu.memory_space<vmem>>
      %dma_start3A_61 = arith.constant 0 : i32
      %dma_start3A_62 = arith.constant 0 : i32
      %dma_start3A_63 = tpu.memref_slice %arg6[%dma_start3A_61, %dma_start3A_62] : memref<10000x8xf32, #tpu.memory_space<vmem_shared>> -> memref<10000x8xf32, #tpu.memory_space<vmem_shared>>
      tpu.enqueue_indirect_dma source(%arg8 : memref<125x8xf32, #tpu.memory_space<vmem>>) target(%dma_start3A_63 : memref<10000x8xf32, #tpu.memory_space<vmem_shared>>) offsets(%dma_start3A_60 : memref<125xi32, #tpu.memory_space<vmem>>) semaphore(%arg9 : memref<!tpu.dma_semaphore, #tpu.memory_space<semaphore_mem>>) {add = true}
      %ge3A = arith.constant 4 : i32
      %ge3A_64 = arith.cmpi sge, %scan3A_57, %ge3A : i32
      %convert_element_type3A = arith.extui %ge3A_64 : i1 to i32
      %cond3A = arith.constant 0 : i32
      %cond3A_65 = arith.cmpi ne, %convert_element_type3A, %cond3A : i32
      scf.if %cond3A_65 {
        %dma_wait3A_66 = arith.constant 0 : i32
        %dma_wait3A_67 = tpu.memref_slice %arg7[%scan3A_57, %dma_wait3A_66] : memref<80x125xi32, #tpu.memory_space<vmem>> -> memref<1x125xi32, #tpu.memory_space<vmem>>
        %dma_wait3A_68 = tpu.memref_squeeze %dma_wait3A_67 : memref<1x125xi32, #tpu.memory_space<vmem>> -> memref<125xi32, #tpu.memory_space<vmem>>
        %dma_wait3A_69 = arith.constant 0 : i32
        %dma_wait3A_70 = arith.constant 0 : i32
        %dma_wait3A_71 = tpu.memref_slice %arg6[%dma_wait3A_69, %dma_wait3A_70] : memref<10000x8xf32, #tpu.memory_space<vmem_shared>> -> memref<10000x8xf32, #tpu.memory_space<vmem_shared>>
        tpu.wait_indirect_dma semaphore(%arg9 : memref<!tpu.dma_semaphore, #tpu.memory_space<semaphore_mem>>) src(%arg8 : memref<125x8xf32, #tpu.memory_space<vmem>>) dst(%dma_wait3A_71 : memref<10000x8xf32, #tpu.memory_space<vmem_shared>>)
      } else {
      }
    }
    %scan3A_25 = arith.constant 80 : i32
    %dma_wait3A_26 = arith.constant 0 : i32
    %dma_wait3A_27 = arith.constant 0 : i32
    %dma_wait3A_28 = tpu.memref_slice %arg7[%dma_wait3A_26, %dma_wait3A_27] : memref<80x125xi32, #tpu.memory_space<vmem>> -> memref<1x125xi32, #tpu.memory_space<vmem>>
    %dma_wait3A_29 = tpu.memref_squeeze %dma_wait3A_28 : memref<1x125xi32, #tpu.memory_space<vmem>> -> memref<125xi32, #tpu.memory_space<vmem>>
    %dma_wait3A_30 = arith.constant 0 : i32
    %dma_wait3A_31 = arith.constant 0 : i32
    %dma_wait3A_32 = tpu.memref_slice %arg6[%dma_wait3A_30, %dma_wait3A_31] : memref<10000x8xf32, #tpu.memory_space<vmem_shared>> -> memref<10000x8xf32, #tpu.memory_space<vmem_shared>>
    tpu.wait_indirect_dma semaphore(%arg9 : memref<!tpu.dma_semaphore, #tpu.memory_space<semaphore_mem>>) src(%arg8 : memref<125x8xf32, #tpu.memory_space<vmem>>) dst(%dma_wait3A_32 : memref<10000x8xf32, #tpu.memory_space<vmem_shared>>)
    %dma_wait3A_33 = arith.constant 0 : i32
    %dma_wait3A_34 = arith.constant 0 : i32
    %dma_wait3A_35 = tpu.memref_slice %arg7[%dma_wait3A_33, %dma_wait3A_34] : memref<80x125xi32, #tpu.memory_space<vmem>> -> memref<1x125xi32, #tpu.memory_space<vmem>>
    %dma_wait3A_36 = tpu.memref_squeeze %dma_wait3A_35 : memref<1x125xi32, #tpu.memory_space<vmem>> -> memref<125xi32, #tpu.memory_space<vmem>>
    %dma_wait3A_37 = arith.constant 0 : i32
    %dma_wait3A_38 = arith.constant 0 : i32
    %dma_wait3A_39 = tpu.memref_slice %arg6[%dma_wait3A_37, %dma_wait3A_38] : memref<10000x8xf32, #tpu.memory_space<vmem_shared>> -> memref<10000x8xf32, #tpu.memory_space<vmem_shared>>
    tpu.wait_indirect_dma semaphore(%arg9 : memref<!tpu.dma_semaphore, #tpu.memory_space<semaphore_mem>>) src(%arg8 : memref<125x8xf32, #tpu.memory_space<vmem>>) dst(%dma_wait3A_39 : memref<10000x8xf32, #tpu.memory_space<vmem_shared>>)
    %dma_wait3A_40 = arith.constant 0 : i32
    %dma_wait3A_41 = arith.constant 0 : i32
    %dma_wait3A_42 = tpu.memref_slice %arg7[%dma_wait3A_40, %dma_wait3A_41] : memref<80x125xi32, #tpu.memory_space<vmem>> -> memref<1x125xi32, #tpu.memory_space<vmem>>
    %dma_wait3A_43 = tpu.memref_squeeze %dma_wait3A_42 : memref<1x125xi32, #tpu.memory_space<vmem>> -> memref<125xi32, #tpu.memory_space<vmem>>
    %dma_wait3A_44 = arith.constant 0 : i32
    %dma_wait3A_45 = arith.constant 0 : i32
    %dma_wait3A_46 = tpu.memref_slice %arg6[%dma_wait3A_44, %dma_wait3A_45] : memref<10000x8xf32, #tpu.memory_space<vmem_shared>> -> memref<10000x8xf32, #tpu.memory_space<vmem_shared>>
    tpu.wait_indirect_dma semaphore(%arg9 : memref<!tpu.dma_semaphore, #tpu.memory_space<semaphore_mem>>) src(%arg8 : memref<125x8xf32, #tpu.memory_space<vmem>>) dst(%dma_wait3A_46 : memref<10000x8xf32, #tpu.memory_space<vmem_shared>>)
    %dma_wait3A_47 = arith.constant 0 : i32
    %dma_wait3A_48 = arith.constant 0 : i32
    %dma_wait3A_49 = tpu.memref_slice %arg7[%dma_wait3A_47, %dma_wait3A_48] : memref<80x125xi32, #tpu.memory_space<vmem>> -> memref<1x125xi32, #tpu.memory_space<vmem>>
    %dma_wait3A_50 = tpu.memref_squeeze %dma_wait3A_49 : memref<1x125xi32, #tpu.memory_space<vmem>> -> memref<125xi32, #tpu.memory_space<vmem>>
    %dma_wait3A_51 = arith.constant 0 : i32
    %dma_wait3A_52 = arith.constant 0 : i32
    %dma_wait3A_53 = tpu.memref_slice %arg6[%dma_wait3A_51, %dma_wait3A_52] : memref<10000x8xf32, #tpu.memory_space<vmem_shared>> -> memref<10000x8xf32, #tpu.memory_space<vmem_shared>>
    tpu.wait_indirect_dma semaphore(%arg9 : memref<!tpu.dma_semaphore, #tpu.memory_space<semaphore_mem>>) src(%arg8 : memref<125x8xf32, #tpu.memory_space<vmem>>) dst(%dma_wait3A_53 : memref<10000x8xf32, #tpu.memory_space<vmem_shared>>)
    %barrier3A_54 = arith.constant 0 : index
    tpu.barrier barrier_id(%barrier3A_54)
    %mul3A_55 = arith.constant 8 : i32
    %mul3A_56 = arith.muli %arg0, %mul3A_55 : i32
    "tpu.region"() ({
      %run_scoped3A = tpu.sem_alloc : memref<!tpu.dma_semaphore, #tpu.memory_space<semaphore_mem>>
      %dma_start3A_57 = tpu.memref_slice %arg5[%mul3A_0, %mul3A_56] : memref<10000x128xf32, #tpu.memory_space<hbm>> -> memref<625x8xf32, #tpu.memory_space<hbm>>
      %dma_start3A_58 = arith.constant 0 : i32
      %dma_start3A_59 = tpu.memref_slice %arg6[%mul3A_0, %dma_start3A_58] : memref<10000x8xf32, #tpu.memory_space<vmem_shared>> -> memref<625x8xf32, #tpu.memory_space<vmem_shared>>
      tpu.enqueue_dma source(%dma_start3A_59 : memref<625x8xf32, #tpu.memory_space<vmem_shared>>) target(%dma_start3A_57 : memref<625x8xf32, #tpu.memory_space<hbm>>) target_semaphore(%run_scoped3A : memref<!tpu.dma_semaphore, #tpu.memory_space<semaphore_mem>>)
      %dma_wait3A_60 = tpu.memref_slice %arg5[%mul3A_0, %mul3A_56] : memref<10000x128xf32, #tpu.memory_space<hbm>> -> memref<625x8xf32, #tpu.memory_space<hbm>>
      %dma_wait3A_61 = arith.constant 0 : i32
      %dma_wait3A_62 = tpu.memref_slice %arg6[%mul3A_0, %dma_wait3A_61] : memref<10000x8xf32, #tpu.memory_space<vmem_shared>> -> memref<625x8xf32, #tpu.memory_space<vmem_shared>>
      tpu.wait_dma2 semaphore(%run_scoped3A : memref<!tpu.dma_semaphore, #tpu.memory_space<semaphore_mem>>) src(%dma_wait3A_62 : memref<625x8xf32, #tpu.memory_space<vmem_shared>>) dst(%dma_wait3A_60 : memref<625x8xf32, #tpu.memory_space<hbm>>)
      tpu.yield
    }) : () -> ()
    return
  }
}

#map = affine_map<(d0, d1) -> (0, 0)>
#map1 = affine_map<(d0, d1) -> (0, 0, 0)>
module attributes {stable_mosaic.version = 14 : i64} {
  func.func @_prop_body(%arg0: i32, %arg1: i32, %arg2: memref<10000x64xf32, #tpu.memory_space<hbm>>, %arg3: memref<32x80x125xi32, #tpu.memory_space<hbm>>, %arg4: memref<32x80x125xi32, #tpu.memory_space<hbm>>, %arg5: memref<10000x128xf32, #tpu.memory_space<hbm>>, %arg6: memref<10000x64xf32, #tpu.memory_space<vmem_shared>>, %arg7: memref<80x125xi32, #tpu.memory_space<vmem>>, %arg8: memref<80x125xi32, #tpu.memory_space<vmem>>, %arg9: memref<125x64xf32, #tpu.memory_space<vmem>>, %arg10: memref<125x64xf32, #tpu.memory_space<vmem>>, %arg11: memref<125x64xf32, #tpu.memory_space<vmem>>, %arg12: memref<125x64xf32, #tpu.memory_space<vmem>>, %arg13: memref<125x64xf32, #tpu.memory_space<vmem>>, %arg14: memref<125x64xf32, #tpu.memory_space<vmem>>, %arg15: memref<125x64xf32, #tpu.memory_space<vmem>>, %arg16: memref<125x64xf32, #tpu.memory_space<vmem>>, %arg17: memref<!tpu.dma_semaphore, #tpu.memory_space<semaphore_mem>>, %arg18: memref<!tpu.dma_semaphore, #tpu.memory_space<semaphore_mem>>, %arg19: memref<!tpu.dma_semaphore, #tpu.memory_space<semaphore_mem>>, %arg20: memref<!tpu.dma_semaphore, #tpu.memory_space<semaphore_mem>>, %arg21: memref<!tpu.dma_semaphore, #tpu.memory_space<semaphore_mem>>, %arg22: memref<!tpu.dma_semaphore, #tpu.memory_space<semaphore_mem>>, %arg23: memref<!tpu.dma_semaphore, #tpu.memory_space<semaphore_mem>>, %arg24: memref<!tpu.dma_semaphore, #tpu.memory_space<semaphore_mem>>, %arg25: memref<!tpu.dma_semaphore, #tpu.memory_space<semaphore_mem>>, %arg26: memref<!tpu.dma_semaphore, #tpu.memory_space<semaphore_mem>>, %arg27: memref<!tpu.dma_semaphore, #tpu.memory_space<semaphore_mem>>, %arg28: memref<!tpu.dma_semaphore, #tpu.memory_space<semaphore_mem>>, %arg29: memref<!tpu.dma_semaphore, #tpu.memory_space<semaphore_mem>>, %arg30: memref<!tpu.dma_semaphore, #tpu.memory_space<semaphore_mem>>, %arg31: memref<!tpu.dma_semaphore, #tpu.memory_space<semaphore_mem>>, %arg32: memref<!tpu.dma_semaphore, #tpu.memory_space<semaphore_mem>>) attributes {dimension_semantics = [#tpu.dimension_semantics<core_parallel>, #tpu.dimension_semantics<subcore_parallel>], iteration_bounds = array<i64: 2, 16>, scalar_prefetch = 0 : i64, scratch_operands = 27 : i64, tpu.core_type = #tpu.core_type<sc_vector_subcore>, window_params = [{transform_indices = #map}, {transform_indices = #map1}, {transform_indices = #map1}, {transform_indices = #map}]} {
    %mul3A = arith.constant 625 : i32
    %mul3A_0 = arith.muli %arg1, %mul3A : i32
    %mul3A_1 = arith.constant 2 : i32
    %mul3A_2 = arith.muli %arg1, %mul3A_1 : i32
    %add3A = arith.addi %mul3A_2, %arg0 : i32
    "tpu.region"() ({
      %run_scoped3A = tpu.sem_alloc : memref<!tpu.dma_semaphore, #tpu.memory_space<semaphore_mem>>
      %dma_start3A_121 = arith.constant 0 : i32
      %dma_start3A_122 = arith.constant 0 : i32
      %dma_start3A_123 = tpu.memref_slice %arg3[%add3A, %dma_start3A_121, %dma_start3A_122] : memref<32x80x125xi32, #tpu.memory_space<hbm>> -> memref<1x80x125xi32, #tpu.memory_space<hbm>>
      %dma_start3A_124 = tpu.memref_squeeze %dma_start3A_123 : memref<1x80x125xi32, #tpu.memory_space<hbm>> -> memref<80x125xi32, #tpu.memory_space<hbm>>
      %dma_start3A_125 = arith.constant 0 : i32
      %dma_start3A_126 = arith.constant 0 : i32
      %dma_start3A_127 = tpu.memref_slice %arg3[%add3A, %dma_start3A_125, %dma_start3A_126] : memref<32x80x125xi32, #tpu.memory_space<hbm>> -> memref<1x80x125xi32, #tpu.memory_space<hbm>>
      %dma_start3A_128 = tpu.memref_squeeze %dma_start3A_127 : memref<1x80x125xi32, #tpu.memory_space<hbm>> -> memref<80x125xi32, #tpu.memory_space<hbm>>
      tpu.enqueue_dma source(%dma_start3A_128 : memref<80x125xi32, #tpu.memory_space<hbm>>) target(%arg7 : memref<80x125xi32, #tpu.memory_space<vmem>>) target_semaphore(%run_scoped3A : memref<!tpu.dma_semaphore, #tpu.memory_space<semaphore_mem>>)
      %dma_wait3A_129 = arith.constant 0 : i32
      %dma_wait3A_130 = arith.constant 0 : i32
      %dma_wait3A_131 = tpu.memref_slice %arg3[%add3A, %dma_wait3A_129, %dma_wait3A_130] : memref<32x80x125xi32, #tpu.memory_space<hbm>> -> memref<1x80x125xi32, #tpu.memory_space<hbm>>
      %dma_wait3A_132 = tpu.memref_squeeze %dma_wait3A_131 : memref<1x80x125xi32, #tpu.memory_space<hbm>> -> memref<80x125xi32, #tpu.memory_space<hbm>>
      %dma_wait3A_133 = arith.constant 0 : i32
      %dma_wait3A_134 = arith.constant 0 : i32
      %dma_wait3A_135 = tpu.memref_slice %arg3[%add3A, %dma_wait3A_133, %dma_wait3A_134] : memref<32x80x125xi32, #tpu.memory_space<hbm>> -> memref<1x80x125xi32, #tpu.memory_space<hbm>>
      %dma_wait3A_136 = tpu.memref_squeeze %dma_wait3A_135 : memref<1x80x125xi32, #tpu.memory_space<hbm>> -> memref<80x125xi32, #tpu.memory_space<hbm>>
      tpu.wait_dma2 semaphore(%run_scoped3A : memref<!tpu.dma_semaphore, #tpu.memory_space<semaphore_mem>>) src(%dma_wait3A_136 : memref<80x125xi32, #tpu.memory_space<hbm>>) dst(%arg7 : memref<80x125xi32, #tpu.memory_space<vmem>>)
      tpu.yield
    }) : () -> ()
    "tpu.region"() ({
      %run_scoped3A = tpu.sem_alloc : memref<!tpu.dma_semaphore, #tpu.memory_space<semaphore_mem>>
      %dma_start3A_121 = arith.constant 0 : i32
      %dma_start3A_122 = arith.constant 0 : i32
      %dma_start3A_123 = tpu.memref_slice %arg4[%add3A, %dma_start3A_121, %dma_start3A_122] : memref<32x80x125xi32, #tpu.memory_space<hbm>> -> memref<1x80x125xi32, #tpu.memory_space<hbm>>
      %dma_start3A_124 = tpu.memref_squeeze %dma_start3A_123 : memref<1x80x125xi32, #tpu.memory_space<hbm>> -> memref<80x125xi32, #tpu.memory_space<hbm>>
      %dma_start3A_125 = arith.constant 0 : i32
      %dma_start3A_126 = arith.constant 0 : i32
      %dma_start3A_127 = tpu.memref_slice %arg4[%add3A, %dma_start3A_125, %dma_start3A_126] : memref<32x80x125xi32, #tpu.memory_space<hbm>> -> memref<1x80x125xi32, #tpu.memory_space<hbm>>
      %dma_start3A_128 = tpu.memref_squeeze %dma_start3A_127 : memref<1x80x125xi32, #tpu.memory_space<hbm>> -> memref<80x125xi32, #tpu.memory_space<hbm>>
      tpu.enqueue_dma source(%dma_start3A_128 : memref<80x125xi32, #tpu.memory_space<hbm>>) target(%arg8 : memref<80x125xi32, #tpu.memory_space<vmem>>) target_semaphore(%run_scoped3A : memref<!tpu.dma_semaphore, #tpu.memory_space<semaphore_mem>>)
      %dma_wait3A_129 = arith.constant 0 : i32
      %dma_wait3A_130 = arith.constant 0 : i32
      %dma_wait3A_131 = tpu.memref_slice %arg4[%add3A, %dma_wait3A_129, %dma_wait3A_130] : memref<32x80x125xi32, #tpu.memory_space<hbm>> -> memref<1x80x125xi32, #tpu.memory_space<hbm>>
      %dma_wait3A_132 = tpu.memref_squeeze %dma_wait3A_131 : memref<1x80x125xi32, #tpu.memory_space<hbm>> -> memref<80x125xi32, #tpu.memory_space<hbm>>
      %dma_wait3A_133 = arith.constant 0 : i32
      %dma_wait3A_134 = arith.constant 0 : i32
      %dma_wait3A_135 = tpu.memref_slice %arg4[%add3A, %dma_wait3A_133, %dma_wait3A_134] : memref<32x80x125xi32, #tpu.memory_space<hbm>> -> memref<1x80x125xi32, #tpu.memory_space<hbm>>
      %dma_wait3A_136 = tpu.memref_squeeze %dma_wait3A_135 : memref<1x80x125xi32, #tpu.memory_space<hbm>> -> memref<80x125xi32, #tpu.memory_space<hbm>>
      tpu.wait_dma2 semaphore(%run_scoped3A : memref<!tpu.dma_semaphore, #tpu.memory_space<semaphore_mem>>) src(%dma_wait3A_136 : memref<80x125xi32, #tpu.memory_space<hbm>>) dst(%arg8 : memref<80x125xi32, #tpu.memory_space<vmem>>)
      tpu.yield
    }) : () -> ()
    %dma_start3A = arith.constant 0 : i32
    %dma_start3A_3 = arith.constant 0 : i32
    %dma_start3A_4 = tpu.memref_slice %arg7[%dma_start3A, %dma_start3A_3] : memref<80x125xi32, #tpu.memory_space<vmem>> -> memref<1x125xi32, #tpu.memory_space<vmem>>
    %dma_start3A_5 = tpu.memref_squeeze %dma_start3A_4 : memref<1x125xi32, #tpu.memory_space<vmem>> -> memref<125xi32, #tpu.memory_space<vmem>>
    %dma_start3A_6 = arith.constant 0 : i32
    %dma_start3A_7 = arith.constant 0 : i32
    %dma_start3A_8 = tpu.memref_slice %arg2[%dma_start3A_6, %dma_start3A_7] : memref<10000x64xf32, #tpu.memory_space<hbm>> -> memref<10000x64xf32, #tpu.memory_space<hbm>>
    tpu.enqueue_indirect_dma source(%dma_start3A_8 : memref<10000x64xf32, #tpu.memory_space<hbm>>) target(%arg9 : memref<125x64xf32, #tpu.memory_space<vmem>>) offsets(%dma_start3A_5 : memref<125xi32, #tpu.memory_space<vmem>>) semaphore(%arg17 : memref<!tpu.dma_semaphore, #tpu.memory_space<semaphore_mem>>)
    %dma_start3A_9 = arith.constant 1 : i32
    %dma_start3A_10 = arith.constant 0 : i32
    %dma_start3A_11 = tpu.memref_slice %arg7[%dma_start3A_9, %dma_start3A_10] : memref<80x125xi32, #tpu.memory_space<vmem>> -> memref<1x125xi32, #tpu.memory_space<vmem>>
    %dma_start3A_12 = tpu.memref_squeeze %dma_start3A_11 : memref<1x125xi32, #tpu.memory_space<vmem>> -> memref<125xi32, #tpu.memory_space<vmem>>
    %dma_start3A_13 = arith.constant 0 : i32
    %dma_start3A_14 = arith.constant 0 : i32
    %dma_start3A_15 = tpu.memref_slice %arg2[%dma_start3A_13, %dma_start3A_14] : memref<10000x64xf32, #tpu.memory_space<hbm>> -> memref<10000x64xf32, #tpu.memory_space<hbm>>
    tpu.enqueue_indirect_dma source(%dma_start3A_15 : memref<10000x64xf32, #tpu.memory_space<hbm>>) target(%arg10 : memref<125x64xf32, #tpu.memory_space<vmem>>) offsets(%dma_start3A_12 : memref<125xi32, #tpu.memory_space<vmem>>) semaphore(%arg18 : memref<!tpu.dma_semaphore, #tpu.memory_space<semaphore_mem>>)
    %dma_start3A_16 = arith.constant 2 : i32
    %dma_start3A_17 = arith.constant 0 : i32
    %dma_start3A_18 = tpu.memref_slice %arg7[%dma_start3A_16, %dma_start3A_17] : memref<80x125xi32, #tpu.memory_space<vmem>> -> memref<1x125xi32, #tpu.memory_space<vmem>>
    %dma_start3A_19 = tpu.memref_squeeze %dma_start3A_18 : memref<1x125xi32, #tpu.memory_space<vmem>> -> memref<125xi32, #tpu.memory_space<vmem>>
    %dma_start3A_20 = arith.constant 0 : i32
    %dma_start3A_21 = arith.constant 0 : i32
    %dma_start3A_22 = tpu.memref_slice %arg2[%dma_start3A_20, %dma_start3A_21] : memref<10000x64xf32, #tpu.memory_space<hbm>> -> memref<10000x64xf32, #tpu.memory_space<hbm>>
    tpu.enqueue_indirect_dma source(%dma_start3A_22 : memref<10000x64xf32, #tpu.memory_space<hbm>>) target(%arg11 : memref<125x64xf32, #tpu.memory_space<vmem>>) offsets(%dma_start3A_19 : memref<125xi32, #tpu.memory_space<vmem>>) semaphore(%arg19 : memref<!tpu.dma_semaphore, #tpu.memory_space<semaphore_mem>>)
    %dma_start3A_23 = arith.constant 3 : i32
    %dma_start3A_24 = arith.constant 0 : i32
    %dma_start3A_25 = tpu.memref_slice %arg7[%dma_start3A_23, %dma_start3A_24] : memref<80x125xi32, #tpu.memory_space<vmem>> -> memref<1x125xi32, #tpu.memory_space<vmem>>
    %dma_start3A_26 = tpu.memref_squeeze %dma_start3A_25 : memref<1x125xi32, #tpu.memory_space<vmem>> -> memref<125xi32, #tpu.memory_space<vmem>>
    %dma_start3A_27 = arith.constant 0 : i32
    %dma_start3A_28 = arith.constant 0 : i32
    %dma_start3A_29 = tpu.memref_slice %arg2[%dma_start3A_27, %dma_start3A_28] : memref<10000x64xf32, #tpu.memory_space<hbm>> -> memref<10000x64xf32, #tpu.memory_space<hbm>>
    tpu.enqueue_indirect_dma source(%dma_start3A_29 : memref<10000x64xf32, #tpu.memory_space<hbm>>) target(%arg12 : memref<125x64xf32, #tpu.memory_space<vmem>>) offsets(%dma_start3A_26 : memref<125xi32, #tpu.memory_space<vmem>>) semaphore(%arg20 : memref<!tpu.dma_semaphore, #tpu.memory_space<semaphore_mem>>)
    %dma_start3A_30 = arith.constant 4 : i32
    %dma_start3A_31 = arith.constant 0 : i32
    %dma_start3A_32 = tpu.memref_slice %arg7[%dma_start3A_30, %dma_start3A_31] : memref<80x125xi32, #tpu.memory_space<vmem>> -> memref<1x125xi32, #tpu.memory_space<vmem>>
    %dma_start3A_33 = tpu.memref_squeeze %dma_start3A_32 : memref<1x125xi32, #tpu.memory_space<vmem>> -> memref<125xi32, #tpu.memory_space<vmem>>
    %dma_start3A_34 = arith.constant 0 : i32
    %dma_start3A_35 = arith.constant 0 : i32
    %dma_start3A_36 = tpu.memref_slice %arg2[%dma_start3A_34, %dma_start3A_35] : memref<10000x64xf32, #tpu.memory_space<hbm>> -> memref<10000x64xf32, #tpu.memory_space<hbm>>
    tpu.enqueue_indirect_dma source(%dma_start3A_36 : memref<10000x64xf32, #tpu.memory_space<hbm>>) target(%arg13 : memref<125x64xf32, #tpu.memory_space<vmem>>) offsets(%dma_start3A_33 : memref<125xi32, #tpu.memory_space<vmem>>) semaphore(%arg21 : memref<!tpu.dma_semaphore, #tpu.memory_space<semaphore_mem>>)
    %dma_start3A_37 = arith.constant 5 : i32
    %dma_start3A_38 = arith.constant 0 : i32
    %dma_start3A_39 = tpu.memref_slice %arg7[%dma_start3A_37, %dma_start3A_38] : memref<80x125xi32, #tpu.memory_space<vmem>> -> memref<1x125xi32, #tpu.memory_space<vmem>>
    %dma_start3A_40 = tpu.memref_squeeze %dma_start3A_39 : memref<1x125xi32, #tpu.memory_space<vmem>> -> memref<125xi32, #tpu.memory_space<vmem>>
    %dma_start3A_41 = arith.constant 0 : i32
    %dma_start3A_42 = arith.constant 0 : i32
    %dma_start3A_43 = tpu.memref_slice %arg2[%dma_start3A_41, %dma_start3A_42] : memref<10000x64xf32, #tpu.memory_space<hbm>> -> memref<10000x64xf32, #tpu.memory_space<hbm>>
    tpu.enqueue_indirect_dma source(%dma_start3A_43 : memref<10000x64xf32, #tpu.memory_space<hbm>>) target(%arg14 : memref<125x64xf32, #tpu.memory_space<vmem>>) offsets(%dma_start3A_40 : memref<125xi32, #tpu.memory_space<vmem>>) semaphore(%arg22 : memref<!tpu.dma_semaphore, #tpu.memory_space<semaphore_mem>>)
    %dma_start3A_44 = arith.constant 6 : i32
    %dma_start3A_45 = arith.constant 0 : i32
    %dma_start3A_46 = tpu.memref_slice %arg7[%dma_start3A_44, %dma_start3A_45] : memref<80x125xi32, #tpu.memory_space<vmem>> -> memref<1x125xi32, #tpu.memory_space<vmem>>
    %dma_start3A_47 = tpu.memref_squeeze %dma_start3A_46 : memref<1x125xi32, #tpu.memory_space<vmem>> -> memref<125xi32, #tpu.memory_space<vmem>>
    %dma_start3A_48 = arith.constant 0 : i32
    %dma_start3A_49 = arith.constant 0 : i32
    %dma_start3A_50 = tpu.memref_slice %arg2[%dma_start3A_48, %dma_start3A_49] : memref<10000x64xf32, #tpu.memory_space<hbm>> -> memref<10000x64xf32, #tpu.memory_space<hbm>>
    tpu.enqueue_indirect_dma source(%dma_start3A_50 : memref<10000x64xf32, #tpu.memory_space<hbm>>) target(%arg15 : memref<125x64xf32, #tpu.memory_space<vmem>>) offsets(%dma_start3A_47 : memref<125xi32, #tpu.memory_space<vmem>>) semaphore(%arg23 : memref<!tpu.dma_semaphore, #tpu.memory_space<semaphore_mem>>)
    %dma_start3A_51 = arith.constant 7 : i32
    %dma_start3A_52 = arith.constant 0 : i32
    %dma_start3A_53 = tpu.memref_slice %arg7[%dma_start3A_51, %dma_start3A_52] : memref<80x125xi32, #tpu.memory_space<vmem>> -> memref<1x125xi32, #tpu.memory_space<vmem>>
    %dma_start3A_54 = tpu.memref_squeeze %dma_start3A_53 : memref<1x125xi32, #tpu.memory_space<vmem>> -> memref<125xi32, #tpu.memory_space<vmem>>
    %dma_start3A_55 = arith.constant 0 : i32
    %dma_start3A_56 = arith.constant 0 : i32
    %dma_start3A_57 = tpu.memref_slice %arg2[%dma_start3A_55, %dma_start3A_56] : memref<10000x64xf32, #tpu.memory_space<hbm>> -> memref<10000x64xf32, #tpu.memory_space<hbm>>
    tpu.enqueue_indirect_dma source(%dma_start3A_57 : memref<10000x64xf32, #tpu.memory_space<hbm>>) target(%arg16 : memref<125x64xf32, #tpu.memory_space<vmem>>) offsets(%dma_start3A_54 : memref<125xi32, #tpu.memory_space<vmem>>) semaphore(%arg24 : memref<!tpu.dma_semaphore, #tpu.memory_space<semaphore_mem>>)
    "tpu.region"() ({
      %run_scoped3A = tpu.sem_alloc : memref<!tpu.dma_semaphore, #tpu.memory_space<semaphore_mem>>
      %dma_start3A_121 = arith.constant 0 : i32
      %dma_start3A_122 = tpu.memref_slice %arg6[%mul3A_0, %dma_start3A_121] : memref<10000x64xf32, #tpu.memory_space<vmem_shared>> -> memref<625x64xf32, #tpu.memory_space<vmem_shared>>
      %dma_start3A_123 = arith.constant 0 : i32
      %dma_start3A_124 = tpu.memref_slice %arg2[%mul3A_0, %dma_start3A_123] : memref<10000x64xf32, #tpu.memory_space<hbm>> -> memref<625x64xf32, #tpu.memory_space<hbm>>
      tpu.enqueue_dma source(%dma_start3A_124 : memref<625x64xf32, #tpu.memory_space<hbm>>) target(%dma_start3A_122 : memref<625x64xf32, #tpu.memory_space<vmem_shared>>) target_semaphore(%run_scoped3A : memref<!tpu.dma_semaphore, #tpu.memory_space<semaphore_mem>>)
      %dma_wait3A_125 = arith.constant 0 : i32
      %dma_wait3A_126 = tpu.memref_slice %arg6[%mul3A_0, %dma_wait3A_125] : memref<10000x64xf32, #tpu.memory_space<vmem_shared>> -> memref<625x64xf32, #tpu.memory_space<vmem_shared>>
      %dma_wait3A_127 = arith.constant 0 : i32
      %dma_wait3A_128 = tpu.memref_slice %arg2[%mul3A_0, %dma_wait3A_127] : memref<10000x64xf32, #tpu.memory_space<hbm>> -> memref<625x64xf32, #tpu.memory_space<hbm>>
      tpu.wait_dma2 semaphore(%run_scoped3A : memref<!tpu.dma_semaphore, #tpu.memory_space<semaphore_mem>>) src(%dma_wait3A_128 : memref<625x64xf32, #tpu.memory_space<hbm>>) dst(%dma_wait3A_126 : memref<625x64xf32, #tpu.memory_space<vmem_shared>>)
      tpu.yield
    }) : () -> ()
    %barrier3A = arith.constant 0 : index
    tpu.barrier barrier_id(%barrier3A)
    %scan3A = arith.constant 0 : i32
    %scan3A_58 = arith.constant 0 : i32
    %scan3A_59 = arith.constant 10 : i32
    %scan3A_60 = arith.addi %scan3A_58, %scan3A_59 : i32
    %scan3A_61 = arith.constant 1 : i32
    scf.for %scan3A_121 = %scan3A_58 to %scan3A_60 step %scan3A_61  : i32 {
      %dma_wait3A_122 = arith.constant 0 : i32
      %dma_wait3A_123 = arith.constant 0 : i32
      %dma_wait3A_124 = tpu.memref_slice %arg7[%dma_wait3A_122, %dma_wait3A_123] : memref<80x125xi32, #tpu.memory_space<vmem>> -> memref<1x125xi32, #tpu.memory_space<vmem>>
      %dma_wait3A_125 = tpu.memref_squeeze %dma_wait3A_124 : memref<1x125xi32, #tpu.memory_space<vmem>> -> memref<125xi32, #tpu.memory_space<vmem>>
      %dma_wait3A_126 = arith.constant 0 : i32
      %dma_wait3A_127 = arith.constant 0 : i32
      %dma_wait3A_128 = tpu.memref_slice %arg2[%dma_wait3A_126, %dma_wait3A_127] : memref<10000x64xf32, #tpu.memory_space<hbm>> -> memref<10000x64xf32, #tpu.memory_space<hbm>>
      tpu.wait_indirect_dma semaphore(%arg17 : memref<!tpu.dma_semaphore, #tpu.memory_space<semaphore_mem>>) src(%dma_wait3A_128 : memref<10000x64xf32, #tpu.memory_space<hbm>>) dst(%arg9 : memref<125x64xf32, #tpu.memory_space<vmem>>)
      %mul3A_129 = arith.constant 8 : i32
      %mul3A_130 = arith.muli %scan3A_121, %mul3A_129 : i32
      %add3A_131 = arith.constant 0 : i32
      %add3A_132 = arith.addi %mul3A_130, %add3A_131 : i32
      %dma_start3A_133 = arith.constant 0 : i32
      %dma_start3A_134 = tpu.memref_slice %arg8[%add3A_132, %dma_start3A_133] : memref<80x125xi32, #tpu.memory_space<vmem>> -> memref<1x125xi32, #tpu.memory_space<vmem>>
      %dma_start3A_135 = tpu.memref_squeeze %dma_start3A_134 : memref<1x125xi32, #tpu.memory_space<vmem>> -> memref<125xi32, #tpu.memory_space<vmem>>
      %dma_start3A_136 = arith.constant 0 : i32
      %dma_start3A_137 = arith.constant 0 : i32
      %dma_start3A_138 = tpu.memref_slice %arg6[%dma_start3A_136, %dma_start3A_137] : memref<10000x64xf32, #tpu.memory_space<vmem_shared>> -> memref<10000x64xf32, #tpu.memory_space<vmem_shared>>
      tpu.enqueue_indirect_dma source(%arg9 : memref<125x64xf32, #tpu.memory_space<vmem>>) target(%dma_start3A_138 : memref<10000x64xf32, #tpu.memory_space<vmem_shared>>) offsets(%dma_start3A_135 : memref<125xi32, #tpu.memory_space<vmem>>) semaphore(%arg25 : memref<!tpu.dma_semaphore, #tpu.memory_space<semaphore_mem>>) {add = true}
      %dma_wait3A_139 = arith.constant 0 : i32
      %dma_wait3A_140 = arith.constant 0 : i32
      %dma_wait3A_141 = tpu.memref_slice %arg7[%dma_wait3A_139, %dma_wait3A_140] : memref<80x125xi32, #tpu.memory_space<vmem>> -> memref<1x125xi32, #tpu.memory_space<vmem>>
      %dma_wait3A_142 = tpu.memref_squeeze %dma_wait3A_141 : memref<1x125xi32, #tpu.memory_space<vmem>> -> memref<125xi32, #tpu.memory_space<vmem>>
      %dma_wait3A_143 = arith.constant 0 : i32
      %dma_wait3A_144 = arith.constant 0 : i32
      %dma_wait3A_145 = tpu.memref_slice %arg2[%dma_wait3A_143, %dma_wait3A_144] : memref<10000x64xf32, #tpu.memory_space<hbm>> -> memref<10000x64xf32, #tpu.memory_space<hbm>>
      tpu.wait_indirect_dma semaphore(%arg18 : memref<!tpu.dma_semaphore, #tpu.memory_space<semaphore_mem>>) src(%dma_wait3A_145 : memref<10000x64xf32, #tpu.memory_space<hbm>>) dst(%arg10 : memref<125x64xf32, #tpu.memory_space<vmem>>)
      %mul3A_146 = arith.constant 8 : i32
      %mul3A_147 = arith.muli %scan3A_121, %mul3A_146 : i32
      %add3A_148 = arith.constant 1 : i32
      %add3A_149 = arith.addi %mul3A_147, %add3A_148 : i32
      %dma_start3A_150 = arith.constant 0 : i32
      %dma_start3A_151 = tpu.memref_slice %arg8[%add3A_149, %dma_start3A_150] : memref<80x125xi32, #tpu.memory_space<vmem>> -> memref<1x125xi32, #tpu.memory_space<vmem>>
      %dma_start3A_152 = tpu.memref_squeeze %dma_start3A_151 : memref<1x125xi32, #tpu.memory_space<vmem>> -> memref<125xi32, #tpu.memory_space<vmem>>
      %dma_start3A_153 = arith.constant 0 : i32
      %dma_start3A_154 = arith.constant 0 : i32
      %dma_start3A_155 = tpu.memref_slice %arg6[%dma_start3A_153, %dma_start3A_154] : memref<10000x64xf32, #tpu.memory_space<vmem_shared>> -> memref<10000x64xf32, #tpu.memory_space<vmem_shared>>
      tpu.enqueue_indirect_dma source(%arg10 : memref<125x64xf32, #tpu.memory_space<vmem>>) target(%dma_start3A_155 : memref<10000x64xf32, #tpu.memory_space<vmem_shared>>) offsets(%dma_start3A_152 : memref<125xi32, #tpu.memory_space<vmem>>) semaphore(%arg26 : memref<!tpu.dma_semaphore, #tpu.memory_space<semaphore_mem>>) {add = true}
      %dma_wait3A_156 = arith.constant 0 : i32
      %dma_wait3A_157 = arith.constant 0 : i32
      %dma_wait3A_158 = tpu.memref_slice %arg7[%dma_wait3A_156, %dma_wait3A_157] : memref<80x125xi32, #tpu.memory_space<vmem>> -> memref<1x125xi32, #tpu.memory_space<vmem>>
      %dma_wait3A_159 = tpu.memref_squeeze %dma_wait3A_158 : memref<1x125xi32, #tpu.memory_space<vmem>> -> memref<125xi32, #tpu.memory_space<vmem>>
      %dma_wait3A_160 = arith.constant 0 : i32
      %dma_wait3A_161 = arith.constant 0 : i32
      %dma_wait3A_162 = tpu.memref_slice %arg2[%dma_wait3A_160, %dma_wait3A_161] : memref<10000x64xf32, #tpu.memory_space<hbm>> -> memref<10000x64xf32, #tpu.memory_space<hbm>>
      tpu.wait_indirect_dma semaphore(%arg19 : memref<!tpu.dma_semaphore, #tpu.memory_space<semaphore_mem>>) src(%dma_wait3A_162 : memref<10000x64xf32, #tpu.memory_space<hbm>>) dst(%arg11 : memref<125x64xf32, #tpu.memory_space<vmem>>)
      %mul3A_163 = arith.constant 8 : i32
      %mul3A_164 = arith.muli %scan3A_121, %mul3A_163 : i32
      %add3A_165 = arith.constant 2 : i32
      %add3A_166 = arith.addi %mul3A_164, %add3A_165 : i32
      %dma_start3A_167 = arith.constant 0 : i32
      %dma_start3A_168 = tpu.memref_slice %arg8[%add3A_166, %dma_start3A_167] : memref<80x125xi32, #tpu.memory_space<vmem>> -> memref<1x125xi32, #tpu.memory_space<vmem>>
      %dma_start3A_169 = tpu.memref_squeeze %dma_start3A_168 : memref<1x125xi32, #tpu.memory_space<vmem>> -> memref<125xi32, #tpu.memory_space<vmem>>
      %dma_start3A_170 = arith.constant 0 : i32
      %dma_start3A_171 = arith.constant 0 : i32
      %dma_start3A_172 = tpu.memref_slice %arg6[%dma_start3A_170, %dma_start3A_171] : memref<10000x64xf32, #tpu.memory_space<vmem_shared>> -> memref<10000x64xf32, #tpu.memory_space<vmem_shared>>
      tpu.enqueue_indirect_dma source(%arg11 : memref<125x64xf32, #tpu.memory_space<vmem>>) target(%dma_start3A_172 : memref<10000x64xf32, #tpu.memory_space<vmem_shared>>) offsets(%dma_start3A_169 : memref<125xi32, #tpu.memory_space<vmem>>) semaphore(%arg27 : memref<!tpu.dma_semaphore, #tpu.memory_space<semaphore_mem>>) {add = true}
      %dma_wait3A_173 = arith.constant 0 : i32
      %dma_wait3A_174 = arith.constant 0 : i32
      %dma_wait3A_175 = tpu.memref_slice %arg7[%dma_wait3A_173, %dma_wait3A_174] : memref<80x125xi32, #tpu.memory_space<vmem>> -> memref<1x125xi32, #tpu.memory_space<vmem>>
      %dma_wait3A_176 = tpu.memref_squeeze %dma_wait3A_175 : memref<1x125xi32, #tpu.memory_space<vmem>> -> memref<125xi32, #tpu.memory_space<vmem>>
      %dma_wait3A_177 = arith.constant 0 : i32
      %dma_wait3A_178 = arith.constant 0 : i32
      %dma_wait3A_179 = tpu.memref_slice %arg2[%dma_wait3A_177, %dma_wait3A_178] : memref<10000x64xf32, #tpu.memory_space<hbm>> -> memref<10000x64xf32, #tpu.memory_space<hbm>>
      tpu.wait_indirect_dma semaphore(%arg20 : memref<!tpu.dma_semaphore, #tpu.memory_space<semaphore_mem>>) src(%dma_wait3A_179 : memref<10000x64xf32, #tpu.memory_space<hbm>>) dst(%arg12 : memref<125x64xf32, #tpu.memory_space<vmem>>)
      %mul3A_180 = arith.constant 8 : i32
      %mul3A_181 = arith.muli %scan3A_121, %mul3A_180 : i32
      %add3A_182 = arith.constant 3 : i32
      %add3A_183 = arith.addi %mul3A_181, %add3A_182 : i32
      %dma_start3A_184 = arith.constant 0 : i32
      %dma_start3A_185 = tpu.memref_slice %arg8[%add3A_183, %dma_start3A_184] : memref<80x125xi32, #tpu.memory_space<vmem>> -> memref<1x125xi32, #tpu.memory_space<vmem>>
      %dma_start3A_186 = tpu.memref_squeeze %dma_start3A_185 : memref<1x125xi32, #tpu.memory_space<vmem>> -> memref<125xi32, #tpu.memory_space<vmem>>
      %dma_start3A_187 = arith.constant 0 : i32
      %dma_start3A_188 = arith.constant 0 : i32
      %dma_start3A_189 = tpu.memref_slice %arg6[%dma_start3A_187, %dma_start3A_188] : memref<10000x64xf32, #tpu.memory_space<vmem_shared>> -> memref<10000x64xf32, #tpu.memory_space<vmem_shared>>
      tpu.enqueue_indirect_dma source(%arg12 : memref<125x64xf32, #tpu.memory_space<vmem>>) target(%dma_start3A_189 : memref<10000x64xf32, #tpu.memory_space<vmem_shared>>) offsets(%dma_start3A_186 : memref<125xi32, #tpu.memory_space<vmem>>) semaphore(%arg28 : memref<!tpu.dma_semaphore, #tpu.memory_space<semaphore_mem>>) {add = true}
      %dma_wait3A_190 = arith.constant 0 : i32
      %dma_wait3A_191 = arith.constant 0 : i32
      %dma_wait3A_192 = tpu.memref_slice %arg7[%dma_wait3A_190, %dma_wait3A_191] : memref<80x125xi32, #tpu.memory_space<vmem>> -> memref<1x125xi32, #tpu.memory_space<vmem>>
      %dma_wait3A_193 = tpu.memref_squeeze %dma_wait3A_192 : memref<1x125xi32, #tpu.memory_space<vmem>> -> memref<125xi32, #tpu.memory_space<vmem>>
      %dma_wait3A_194 = arith.constant 0 : i32
      %dma_wait3A_195 = arith.constant 0 : i32
      %dma_wait3A_196 = tpu.memref_slice %arg2[%dma_wait3A_194, %dma_wait3A_195] : memref<10000x64xf32, #tpu.memory_space<hbm>> -> memref<10000x64xf32, #tpu.memory_space<hbm>>
      tpu.wait_indirect_dma semaphore(%arg21 : memref<!tpu.dma_semaphore, #tpu.memory_space<semaphore_mem>>) src(%dma_wait3A_196 : memref<10000x64xf32, #tpu.memory_space<hbm>>) dst(%arg13 : memref<125x64xf32, #tpu.memory_space<vmem>>)
      %mul3A_197 = arith.constant 8 : i32
      %mul3A_198 = arith.muli %scan3A_121, %mul3A_197 : i32
      %add3A_199 = arith.constant 4 : i32
      %add3A_200 = arith.addi %mul3A_198, %add3A_199 : i32
      %dma_start3A_201 = arith.constant 0 : i32
      %dma_start3A_202 = tpu.memref_slice %arg8[%add3A_200, %dma_start3A_201] : memref<80x125xi32, #tpu.memory_space<vmem>> -> memref<1x125xi32, #tpu.memory_space<vmem>>
      %dma_start3A_203 = tpu.memref_squeeze %dma_start3A_202 : memref<1x125xi32, #tpu.memory_space<vmem>> -> memref<125xi32, #tpu.memory_space<vmem>>
      %dma_start3A_204 = arith.constant 0 : i32
      %dma_start3A_205 = arith.constant 0 : i32
      %dma_start3A_206 = tpu.memref_slice %arg6[%dma_start3A_204, %dma_start3A_205] : memref<10000x64xf32, #tpu.memory_space<vmem_shared>> -> memref<10000x64xf32, #tpu.memory_space<vmem_shared>>
      tpu.enqueue_indirect_dma source(%arg13 : memref<125x64xf32, #tpu.memory_space<vmem>>) target(%dma_start3A_206 : memref<10000x64xf32, #tpu.memory_space<vmem_shared>>) offsets(%dma_start3A_203 : memref<125xi32, #tpu.memory_space<vmem>>) semaphore(%arg29 : memref<!tpu.dma_semaphore, #tpu.memory_space<semaphore_mem>>) {add = true}
      %dma_wait3A_207 = arith.constant 0 : i32
      %dma_wait3A_208 = arith.constant 0 : i32
      %dma_wait3A_209 = tpu.memref_slice %arg7[%dma_wait3A_207, %dma_wait3A_208] : memref<80x125xi32, #tpu.memory_space<vmem>> -> memref<1x125xi32, #tpu.memory_space<vmem>>
      %dma_wait3A_210 = tpu.memref_squeeze %dma_wait3A_209 : memref<1x125xi32, #tpu.memory_space<vmem>> -> memref<125xi32, #tpu.memory_space<vmem>>
      %dma_wait3A_211 = arith.constant 0 : i32
      %dma_wait3A_212 = arith.constant 0 : i32
      %dma_wait3A_213 = tpu.memref_slice %arg2[%dma_wait3A_211, %dma_wait3A_212] : memref<10000x64xf32, #tpu.memory_space<hbm>> -> memref<10000x64xf32, #tpu.memory_space<hbm>>
      tpu.wait_indirect_dma semaphore(%arg22 : memref<!tpu.dma_semaphore, #tpu.memory_space<semaphore_mem>>) src(%dma_wait3A_213 : memref<10000x64xf32, #tpu.memory_space<hbm>>) dst(%arg14 : memref<125x64xf32, #tpu.memory_space<vmem>>)
      %mul3A_214 = arith.constant 8 : i32
      %mul3A_215 = arith.muli %scan3A_121, %mul3A_214 : i32
      %add3A_216 = arith.constant 5 : i32
      %add3A_217 = arith.addi %mul3A_215, %add3A_216 : i32
      %dma_start3A_218 = arith.constant 0 : i32
      %dma_start3A_219 = tpu.memref_slice %arg8[%add3A_217, %dma_start3A_218] : memref<80x125xi32, #tpu.memory_space<vmem>> -> memref<1x125xi32, #tpu.memory_space<vmem>>
      %dma_start3A_220 = tpu.memref_squeeze %dma_start3A_219 : memref<1x125xi32, #tpu.memory_space<vmem>> -> memref<125xi32, #tpu.memory_space<vmem>>
      %dma_start3A_221 = arith.constant 0 : i32
      %dma_start3A_222 = arith.constant 0 : i32
      %dma_start3A_223 = tpu.memref_slice %arg6[%dma_start3A_221, %dma_start3A_222] : memref<10000x64xf32, #tpu.memory_space<vmem_shared>> -> memref<10000x64xf32, #tpu.memory_space<vmem_shared>>
      tpu.enqueue_indirect_dma source(%arg14 : memref<125x64xf32, #tpu.memory_space<vmem>>) target(%dma_start3A_223 : memref<10000x64xf32, #tpu.memory_space<vmem_shared>>) offsets(%dma_start3A_220 : memref<125xi32, #tpu.memory_space<vmem>>) semaphore(%arg30 : memref<!tpu.dma_semaphore, #tpu.memory_space<semaphore_mem>>) {add = true}
      %dma_wait3A_224 = arith.constant 0 : i32
      %dma_wait3A_225 = arith.constant 0 : i32
      %dma_wait3A_226 = tpu.memref_slice %arg7[%dma_wait3A_224, %dma_wait3A_225] : memref<80x125xi32, #tpu.memory_space<vmem>> -> memref<1x125xi32, #tpu.memory_space<vmem>>
      %dma_wait3A_227 = tpu.memref_squeeze %dma_wait3A_226 : memref<1x125xi32, #tpu.memory_space<vmem>> -> memref<125xi32, #tpu.memory_space<vmem>>
      %dma_wait3A_228 = arith.constant 0 : i32
      %dma_wait3A_229 = arith.constant 0 : i32
      %dma_wait3A_230 = tpu.memref_slice %arg2[%dma_wait3A_228, %dma_wait3A_229] : memref<10000x64xf32, #tpu.memory_space<hbm>> -> memref<10000x64xf32, #tpu.memory_space<hbm>>
      tpu.wait_indirect_dma semaphore(%arg23 : memref<!tpu.dma_semaphore, #tpu.memory_space<semaphore_mem>>) src(%dma_wait3A_230 : memref<10000x64xf32, #tpu.memory_space<hbm>>) dst(%arg15 : memref<125x64xf32, #tpu.memory_space<vmem>>)
      %mul3A_231 = arith.constant 8 : i32
      %mul3A_232 = arith.muli %scan3A_121, %mul3A_231 : i32
      %add3A_233 = arith.constant 6 : i32
      %add3A_234 = arith.addi %mul3A_232, %add3A_233 : i32
      %dma_start3A_235 = arith.constant 0 : i32
      %dma_start3A_236 = tpu.memref_slice %arg8[%add3A_234, %dma_start3A_235] : memref<80x125xi32, #tpu.memory_space<vmem>> -> memref<1x125xi32, #tpu.memory_space<vmem>>
      %dma_start3A_237 = tpu.memref_squeeze %dma_start3A_236 : memref<1x125xi32, #tpu.memory_space<vmem>> -> memref<125xi32, #tpu.memory_space<vmem>>
      %dma_start3A_238 = arith.constant 0 : i32
      %dma_start3A_239 = arith.constant 0 : i32
      %dma_start3A_240 = tpu.memref_slice %arg6[%dma_start3A_238, %dma_start3A_239] : memref<10000x64xf32, #tpu.memory_space<vmem_shared>> -> memref<10000x64xf32, #tpu.memory_space<vmem_shared>>
      tpu.enqueue_indirect_dma source(%arg15 : memref<125x64xf32, #tpu.memory_space<vmem>>) target(%dma_start3A_240 : memref<10000x64xf32, #tpu.memory_space<vmem_shared>>) offsets(%dma_start3A_237 : memref<125xi32, #tpu.memory_space<vmem>>) semaphore(%arg31 : memref<!tpu.dma_semaphore, #tpu.memory_space<semaphore_mem>>) {add = true}
      %dma_wait3A_241 = arith.constant 0 : i32
      %dma_wait3A_242 = arith.constant 0 : i32
      %dma_wait3A_243 = tpu.memref_slice %arg7[%dma_wait3A_241, %dma_wait3A_242] : memref<80x125xi32, #tpu.memory_space<vmem>> -> memref<1x125xi32, #tpu.memory_space<vmem>>
      %dma_wait3A_244 = tpu.memref_squeeze %dma_wait3A_243 : memref<1x125xi32, #tpu.memory_space<vmem>> -> memref<125xi32, #tpu.memory_space<vmem>>
      %dma_wait3A_245 = arith.constant 0 : i32
      %dma_wait3A_246 = arith.constant 0 : i32
      %dma_wait3A_247 = tpu.memref_slice %arg2[%dma_wait3A_245, %dma_wait3A_246] : memref<10000x64xf32, #tpu.memory_space<hbm>> -> memref<10000x64xf32, #tpu.memory_space<hbm>>
      tpu.wait_indirect_dma semaphore(%arg24 : memref<!tpu.dma_semaphore, #tpu.memory_space<semaphore_mem>>) src(%dma_wait3A_247 : memref<10000x64xf32, #tpu.memory_space<hbm>>) dst(%arg16 : memref<125x64xf32, #tpu.memory_space<vmem>>)
      %mul3A_248 = arith.constant 8 : i32
      %mul3A_249 = arith.muli %scan3A_121, %mul3A_248 : i32
      %add3A_250 = arith.constant 7 : i32
      %add3A_251 = arith.addi %mul3A_249, %add3A_250 : i32
      %dma_start3A_252 = arith.constant 0 : i32
      %dma_start3A_253 = tpu.memref_slice %arg8[%add3A_251, %dma_start3A_252] : memref<80x125xi32, #tpu.memory_space<vmem>> -> memref<1x125xi32, #tpu.memory_space<vmem>>
      %dma_start3A_254 = tpu.memref_squeeze %dma_start3A_253 : memref<1x125xi32, #tpu.memory_space<vmem>> -> memref<125xi32, #tpu.memory_space<vmem>>
      %dma_start3A_255 = arith.constant 0 : i32
      %dma_start3A_256 = arith.constant 0 : i32
      %dma_start3A_257 = tpu.memref_slice %arg6[%dma_start3A_255, %dma_start3A_256] : memref<10000x64xf32, #tpu.memory_space<vmem_shared>> -> memref<10000x64xf32, #tpu.memory_space<vmem_shared>>
      tpu.enqueue_indirect_dma source(%arg16 : memref<125x64xf32, #tpu.memory_space<vmem>>) target(%dma_start3A_257 : memref<10000x64xf32, #tpu.memory_space<vmem_shared>>) offsets(%dma_start3A_254 : memref<125xi32, #tpu.memory_space<vmem>>) semaphore(%arg32 : memref<!tpu.dma_semaphore, #tpu.memory_space<semaphore_mem>>) {add = true}
      %mul3A_258 = arith.constant 8 : i32
      %mul3A_259 = arith.muli %scan3A_121, %mul3A_258 : i32
      %add3A_260 = arith.constant 0 : i32
      %add3A_261 = arith.addi %mul3A_259, %add3A_260 : i32
      %add3A_262 = arith.constant 8 : i32
      %add3A_263 = arith.addi %add3A_261, %add3A_262 : i32
      %lt3A = arith.constant 80 : i32
      %lt3A_264 = arith.cmpi slt, %add3A_263, %lt3A : i32
      %convert_element_type3A = arith.extui %lt3A_264 : i1 to i32
      %cond3A = arith.constant 0 : i32
      %cond3A_265 = arith.cmpi ne, %convert_element_type3A, %cond3A : i32
      scf.if %cond3A_265 {
        %dma_wait3A_343 = arith.constant 0 : i32
        %dma_wait3A_344 = arith.constant 0 : i32
        %dma_wait3A_345 = tpu.memref_slice %arg8[%dma_wait3A_343, %dma_wait3A_344] : memref<80x125xi32, #tpu.memory_space<vmem>> -> memref<1x125xi32, #tpu.memory_space<vmem>>
        %dma_wait3A_346 = tpu.memref_squeeze %dma_wait3A_345 : memref<1x125xi32, #tpu.memory_space<vmem>> -> memref<125xi32, #tpu.memory_space<vmem>>
        %dma_wait3A_347 = arith.constant 0 : i32
        %dma_wait3A_348 = arith.constant 0 : i32
        %dma_wait3A_349 = tpu.memref_slice %arg6[%dma_wait3A_347, %dma_wait3A_348] : memref<10000x64xf32, #tpu.memory_space<vmem_shared>> -> memref<10000x64xf32, #tpu.memory_space<vmem_shared>>
        tpu.wait_indirect_dma semaphore(%arg25 : memref<!tpu.dma_semaphore, #tpu.memory_space<semaphore_mem>>) src(%arg9 : memref<125x64xf32, #tpu.memory_space<vmem>>) dst(%dma_wait3A_349 : memref<10000x64xf32, #tpu.memory_space<vmem_shared>>)
        %dma_start3A_350 = arith.constant 0 : i32
        %dma_start3A_351 = tpu.memref_slice %arg7[%add3A_263, %dma_start3A_350] : memref<80x125xi32, #tpu.memory_space<vmem>> -> memref<1x125xi32, #tpu.memory_space<vmem>>
        %dma_start3A_352 = tpu.memref_squeeze %dma_start3A_351 : memref<1x125xi32, #tpu.memory_space<vmem>> -> memref<125xi32, #tpu.memory_space<vmem>>
        %dma_start3A_353 = arith.constant 0 : i32
        %dma_start3A_354 = arith.constant 0 : i32
        %dma_start3A_355 = tpu.memref_slice %arg2[%dma_start3A_353, %dma_start3A_354] : memref<10000x64xf32, #tpu.memory_space<hbm>> -> memref<10000x64xf32, #tpu.memory_space<hbm>>
        tpu.enqueue_indirect_dma source(%dma_start3A_355 : memref<10000x64xf32, #tpu.memory_space<hbm>>) target(%arg9 : memref<125x64xf32, #tpu.memory_space<vmem>>) offsets(%dma_start3A_352 : memref<125xi32, #tpu.memory_space<vmem>>) semaphore(%arg17 : memref<!tpu.dma_semaphore, #tpu.memory_space<semaphore_mem>>)
      } else {
      }
      %mul3A_266 = arith.constant 8 : i32
      %mul3A_267 = arith.muli %scan3A_121, %mul3A_266 : i32
      %add3A_268 = arith.constant 1 : i32
      %add3A_269 = arith.addi %mul3A_267, %add3A_268 : i32
      %add3A_270 = arith.constant 8 : i32
      %add3A_271 = arith.addi %add3A_269, %add3A_270 : i32
      %lt3A_272 = arith.constant 80 : i32
      %lt3A_273 = arith.cmpi slt, %add3A_271, %lt3A_272 : i32
      %convert_element_type3A_274 = arith.extui %lt3A_273 : i1 to i32
      %cond3A_275 = arith.constant 0 : i32
      %cond3A_276 = arith.cmpi ne, %convert_element_type3A_274, %cond3A_275 : i32
      scf.if %cond3A_276 {
        %dma_wait3A_343 = arith.constant 0 : i32
        %dma_wait3A_344 = arith.constant 0 : i32
        %dma_wait3A_345 = tpu.memref_slice %arg8[%dma_wait3A_343, %dma_wait3A_344] : memref<80x125xi32, #tpu.memory_space<vmem>> -> memref<1x125xi32, #tpu.memory_space<vmem>>
        %dma_wait3A_346 = tpu.memref_squeeze %dma_wait3A_345 : memref<1x125xi32, #tpu.memory_space<vmem>> -> memref<125xi32, #tpu.memory_space<vmem>>
        %dma_wait3A_347 = arith.constant 0 : i32
        %dma_wait3A_348 = arith.constant 0 : i32
        %dma_wait3A_349 = tpu.memref_slice %arg6[%dma_wait3A_347, %dma_wait3A_348] : memref<10000x64xf32, #tpu.memory_space<vmem_shared>> -> memref<10000x64xf32, #tpu.memory_space<vmem_shared>>
        tpu.wait_indirect_dma semaphore(%arg26 : memref<!tpu.dma_semaphore, #tpu.memory_space<semaphore_mem>>) src(%arg10 : memref<125x64xf32, #tpu.memory_space<vmem>>) dst(%dma_wait3A_349 : memref<10000x64xf32, #tpu.memory_space<vmem_shared>>)
        %dma_start3A_350 = arith.constant 0 : i32
        %dma_start3A_351 = tpu.memref_slice %arg7[%add3A_271, %dma_start3A_350] : memref<80x125xi32, #tpu.memory_space<vmem>> -> memref<1x125xi32, #tpu.memory_space<vmem>>
        %dma_start3A_352 = tpu.memref_squeeze %dma_start3A_351 : memref<1x125xi32, #tpu.memory_space<vmem>> -> memref<125xi32, #tpu.memory_space<vmem>>
        %dma_start3A_353 = arith.constant 0 : i32
        %dma_start3A_354 = arith.constant 0 : i32
        %dma_start3A_355 = tpu.memref_slice %arg2[%dma_start3A_353, %dma_start3A_354] : memref<10000x64xf32, #tpu.memory_space<hbm>> -> memref<10000x64xf32, #tpu.memory_space<hbm>>
        tpu.enqueue_indirect_dma source(%dma_start3A_355 : memref<10000x64xf32, #tpu.memory_space<hbm>>) target(%arg10 : memref<125x64xf32, #tpu.memory_space<vmem>>) offsets(%dma_start3A_352 : memref<125xi32, #tpu.memory_space<vmem>>) semaphore(%arg18 : memref<!tpu.dma_semaphore, #tpu.memory_space<semaphore_mem>>)
      } else {
      }
      %mul3A_277 = arith.constant 8 : i32
      %mul3A_278 = arith.muli %scan3A_121, %mul3A_277 : i32
      %add3A_279 = arith.constant 2 : i32
      %add3A_280 = arith.addi %mul3A_278, %add3A_279 : i32
      %add3A_281 = arith.constant 8 : i32
      %add3A_282 = arith.addi %add3A_280, %add3A_281 : i32
      %lt3A_283 = arith.constant 80 : i32
      %lt3A_284 = arith.cmpi slt, %add3A_282, %lt3A_283 : i32
      %convert_element_type3A_285 = arith.extui %lt3A_284 : i1 to i32
      %cond3A_286 = arith.constant 0 : i32
      %cond3A_287 = arith.cmpi ne, %convert_element_type3A_285, %cond3A_286 : i32
      scf.if %cond3A_287 {
        %dma_wait3A_343 = arith.constant 0 : i32
        %dma_wait3A_344 = arith.constant 0 : i32
        %dma_wait3A_345 = tpu.memref_slice %arg8[%dma_wait3A_343, %dma_wait3A_344] : memref<80x125xi32, #tpu.memory_space<vmem>> -> memref<1x125xi32, #tpu.memory_space<vmem>>
        %dma_wait3A_346 = tpu.memref_squeeze %dma_wait3A_345 : memref<1x125xi32, #tpu.memory_space<vmem>> -> memref<125xi32, #tpu.memory_space<vmem>>
        %dma_wait3A_347 = arith.constant 0 : i32
        %dma_wait3A_348 = arith.constant 0 : i32
        %dma_wait3A_349 = tpu.memref_slice %arg6[%dma_wait3A_347, %dma_wait3A_348] : memref<10000x64xf32, #tpu.memory_space<vmem_shared>> -> memref<10000x64xf32, #tpu.memory_space<vmem_shared>>
        tpu.wait_indirect_dma semaphore(%arg27 : memref<!tpu.dma_semaphore, #tpu.memory_space<semaphore_mem>>) src(%arg11 : memref<125x64xf32, #tpu.memory_space<vmem>>) dst(%dma_wait3A_349 : memref<10000x64xf32, #tpu.memory_space<vmem_shared>>)
        %dma_start3A_350 = arith.constant 0 : i32
        %dma_start3A_351 = tpu.memref_slice %arg7[%add3A_282, %dma_start3A_350] : memref<80x125xi32, #tpu.memory_space<vmem>> -> memref<1x125xi32, #tpu.memory_space<vmem>>
        %dma_start3A_352 = tpu.memref_squeeze %dma_start3A_351 : memref<1x125xi32, #tpu.memory_space<vmem>> -> memref<125xi32, #tpu.memory_space<vmem>>
        %dma_start3A_353 = arith.constant 0 : i32
        %dma_start3A_354 = arith.constant 0 : i32
        %dma_start3A_355 = tpu.memref_slice %arg2[%dma_start3A_353, %dma_start3A_354] : memref<10000x64xf32, #tpu.memory_space<hbm>> -> memref<10000x64xf32, #tpu.memory_space<hbm>>
        tpu.enqueue_indirect_dma source(%dma_start3A_355 : memref<10000x64xf32, #tpu.memory_space<hbm>>) target(%arg11 : memref<125x64xf32, #tpu.memory_space<vmem>>) offsets(%dma_start3A_352 : memref<125xi32, #tpu.memory_space<vmem>>) semaphore(%arg19 : memref<!tpu.dma_semaphore, #tpu.memory_space<semaphore_mem>>)
      } else {
      }
      %mul3A_288 = arith.constant 8 : i32
      %mul3A_289 = arith.muli %scan3A_121, %mul3A_288 : i32
      %add3A_290 = arith.constant 3 : i32
      %add3A_291 = arith.addi %mul3A_289, %add3A_290 : i32
      %add3A_292 = arith.constant 8 : i32
      %add3A_293 = arith.addi %add3A_291, %add3A_292 : i32
      %lt3A_294 = arith.constant 80 : i32
      %lt3A_295 = arith.cmpi slt, %add3A_293, %lt3A_294 : i32
      %convert_element_type3A_296 = arith.extui %lt3A_295 : i1 to i32
      %cond3A_297 = arith.constant 0 : i32
      %cond3A_298 = arith.cmpi ne, %convert_element_type3A_296, %cond3A_297 : i32
      scf.if %cond3A_298 {
        %dma_wait3A_343 = arith.constant 0 : i32
        %dma_wait3A_344 = arith.constant 0 : i32
        %dma_wait3A_345 = tpu.memref_slice %arg8[%dma_wait3A_343, %dma_wait3A_344] : memref<80x125xi32, #tpu.memory_space<vmem>> -> memref<1x125xi32, #tpu.memory_space<vmem>>
        %dma_wait3A_346 = tpu.memref_squeeze %dma_wait3A_345 : memref<1x125xi32, #tpu.memory_space<vmem>> -> memref<125xi32, #tpu.memory_space<vmem>>
        %dma_wait3A_347 = arith.constant 0 : i32
        %dma_wait3A_348 = arith.constant 0 : i32
        %dma_wait3A_349 = tpu.memref_slice %arg6[%dma_wait3A_347, %dma_wait3A_348] : memref<10000x64xf32, #tpu.memory_space<vmem_shared>> -> memref<10000x64xf32, #tpu.memory_space<vmem_shared>>
        tpu.wait_indirect_dma semaphore(%arg28 : memref<!tpu.dma_semaphore, #tpu.memory_space<semaphore_mem>>) src(%arg12 : memref<125x64xf32, #tpu.memory_space<vmem>>) dst(%dma_wait3A_349 : memref<10000x64xf32, #tpu.memory_space<vmem_shared>>)
        %dma_start3A_350 = arith.constant 0 : i32
        %dma_start3A_351 = tpu.memref_slice %arg7[%add3A_293, %dma_start3A_350] : memref<80x125xi32, #tpu.memory_space<vmem>> -> memref<1x125xi32, #tpu.memory_space<vmem>>
        %dma_start3A_352 = tpu.memref_squeeze %dma_start3A_351 : memref<1x125xi32, #tpu.memory_space<vmem>> -> memref<125xi32, #tpu.memory_space<vmem>>
        %dma_start3A_353 = arith.constant 0 : i32
        %dma_start3A_354 = arith.constant 0 : i32
        %dma_start3A_355 = tpu.memref_slice %arg2[%dma_start3A_353, %dma_start3A_354] : memref<10000x64xf32, #tpu.memory_space<hbm>> -> memref<10000x64xf32, #tpu.memory_space<hbm>>
        tpu.enqueue_indirect_dma source(%dma_start3A_355 : memref<10000x64xf32, #tpu.memory_space<hbm>>) target(%arg12 : memref<125x64xf32, #tpu.memory_space<vmem>>) offsets(%dma_start3A_352 : memref<125xi32, #tpu.memory_space<vmem>>) semaphore(%arg20 : memref<!tpu.dma_semaphore, #tpu.memory_space<semaphore_mem>>)
      } else {
      }
      %mul3A_299 = arith.constant 8 : i32
      %mul3A_300 = arith.muli %scan3A_121, %mul3A_299 : i32
      %add3A_301 = arith.constant 4 : i32
      %add3A_302 = arith.addi %mul3A_300, %add3A_301 : i32
      %add3A_303 = arith.constant 8 : i32
      %add3A_304 = arith.addi %add3A_302, %add3A_303 : i32
      %lt3A_305 = arith.constant 80 : i32
      %lt3A_306 = arith.cmpi slt, %add3A_304, %lt3A_305 : i32
      %convert_element_type3A_307 = arith.extui %lt3A_306 : i1 to i32
      %cond3A_308 = arith.constant 0 : i32
      %cond3A_309 = arith.cmpi ne, %convert_element_type3A_307, %cond3A_308 : i32
      scf.if %cond3A_309 {
        %dma_wait3A_343 = arith.constant 0 : i32
        %dma_wait3A_344 = arith.constant 0 : i32
        %dma_wait3A_345 = tpu.memref_slice %arg8[%dma_wait3A_343, %dma_wait3A_344] : memref<80x125xi32, #tpu.memory_space<vmem>> -> memref<1x125xi32, #tpu.memory_space<vmem>>
        %dma_wait3A_346 = tpu.memref_squeeze %dma_wait3A_345 : memref<1x125xi32, #tpu.memory_space<vmem>> -> memref<125xi32, #tpu.memory_space<vmem>>
        %dma_wait3A_347 = arith.constant 0 : i32
        %dma_wait3A_348 = arith.constant 0 : i32
        %dma_wait3A_349 = tpu.memref_slice %arg6[%dma_wait3A_347, %dma_wait3A_348] : memref<10000x64xf32, #tpu.memory_space<vmem_shared>> -> memref<10000x64xf32, #tpu.memory_space<vmem_shared>>
        tpu.wait_indirect_dma semaphore(%arg29 : memref<!tpu.dma_semaphore, #tpu.memory_space<semaphore_mem>>) src(%arg13 : memref<125x64xf32, #tpu.memory_space<vmem>>) dst(%dma_wait3A_349 : memref<10000x64xf32, #tpu.memory_space<vmem_shared>>)
        %dma_start3A_350 = arith.constant 0 : i32
        %dma_start3A_351 = tpu.memref_slice %arg7[%add3A_304, %dma_start3A_350] : memref<80x125xi32, #tpu.memory_space<vmem>> -> memref<1x125xi32, #tpu.memory_space<vmem>>
        %dma_start3A_352 = tpu.memref_squeeze %dma_start3A_351 : memref<1x125xi32, #tpu.memory_space<vmem>> -> memref<125xi32, #tpu.memory_space<vmem>>
        %dma_start3A_353 = arith.constant 0 : i32
        %dma_start3A_354 = arith.constant 0 : i32
        %dma_start3A_355 = tpu.memref_slice %arg2[%dma_start3A_353, %dma_start3A_354] : memref<10000x64xf32, #tpu.memory_space<hbm>> -> memref<10000x64xf32, #tpu.memory_space<hbm>>
        tpu.enqueue_indirect_dma source(%dma_start3A_355 : memref<10000x64xf32, #tpu.memory_space<hbm>>) target(%arg13 : memref<125x64xf32, #tpu.memory_space<vmem>>) offsets(%dma_start3A_352 : memref<125xi32, #tpu.memory_space<vmem>>) semaphore(%arg21 : memref<!tpu.dma_semaphore, #tpu.memory_space<semaphore_mem>>)
      } else {
      }
      %mul3A_310 = arith.constant 8 : i32
      %mul3A_311 = arith.muli %scan3A_121, %mul3A_310 : i32
      %add3A_312 = arith.constant 5 : i32
      %add3A_313 = arith.addi %mul3A_311, %add3A_312 : i32
      %add3A_314 = arith.constant 8 : i32
      %add3A_315 = arith.addi %add3A_313, %add3A_314 : i32
      %lt3A_316 = arith.constant 80 : i32
      %lt3A_317 = arith.cmpi slt, %add3A_315, %lt3A_316 : i32
      %convert_element_type3A_318 = arith.extui %lt3A_317 : i1 to i32
      %cond3A_319 = arith.constant 0 : i32
      %cond3A_320 = arith.cmpi ne, %convert_element_type3A_318, %cond3A_319 : i32
      scf.if %cond3A_320 {
        %dma_wait3A_343 = arith.constant 0 : i32
        %dma_wait3A_344 = arith.constant 0 : i32
        %dma_wait3A_345 = tpu.memref_slice %arg8[%dma_wait3A_343, %dma_wait3A_344] : memref<80x125xi32, #tpu.memory_space<vmem>> -> memref<1x125xi32, #tpu.memory_space<vmem>>
        %dma_wait3A_346 = tpu.memref_squeeze %dma_wait3A_345 : memref<1x125xi32, #tpu.memory_space<vmem>> -> memref<125xi32, #tpu.memory_space<vmem>>
        %dma_wait3A_347 = arith.constant 0 : i32
        %dma_wait3A_348 = arith.constant 0 : i32
        %dma_wait3A_349 = tpu.memref_slice %arg6[%dma_wait3A_347, %dma_wait3A_348] : memref<10000x64xf32, #tpu.memory_space<vmem_shared>> -> memref<10000x64xf32, #tpu.memory_space<vmem_shared>>
        tpu.wait_indirect_dma semaphore(%arg30 : memref<!tpu.dma_semaphore, #tpu.memory_space<semaphore_mem>>) src(%arg14 : memref<125x64xf32, #tpu.memory_space<vmem>>) dst(%dma_wait3A_349 : memref<10000x64xf32, #tpu.memory_space<vmem_shared>>)
        %dma_start3A_350 = arith.constant 0 : i32
        %dma_start3A_351 = tpu.memref_slice %arg7[%add3A_315, %dma_start3A_350] : memref<80x125xi32, #tpu.memory_space<vmem>> -> memref<1x125xi32, #tpu.memory_space<vmem>>
        %dma_start3A_352 = tpu.memref_squeeze %dma_start3A_351 : memref<1x125xi32, #tpu.memory_space<vmem>> -> memref<125xi32, #tpu.memory_space<vmem>>
        %dma_start3A_353 = arith.constant 0 : i32
        %dma_start3A_354 = arith.constant 0 : i32
        %dma_start3A_355 = tpu.memref_slice %arg2[%dma_start3A_353, %dma_start3A_354] : memref<10000x64xf32, #tpu.memory_space<hbm>> -> memref<10000x64xf32, #tpu.memory_space<hbm>>
        tpu.enqueue_indirect_dma source(%dma_start3A_355 : memref<10000x64xf32, #tpu.memory_space<hbm>>) target(%arg14 : memref<125x64xf32, #tpu.memory_space<vmem>>) offsets(%dma_start3A_352 : memref<125xi32, #tpu.memory_space<vmem>>) semaphore(%arg22 : memref<!tpu.dma_semaphore, #tpu.memory_space<semaphore_mem>>)
      } else {
      }
      %mul3A_321 = arith.constant 8 : i32
      %mul3A_322 = arith.muli %scan3A_121, %mul3A_321 : i32
      %add3A_323 = arith.constant 6 : i32
      %add3A_324 = arith.addi %mul3A_322, %add3A_323 : i32
      %add3A_325 = arith.constant 8 : i32
      %add3A_326 = arith.addi %add3A_324, %add3A_325 : i32
      %lt3A_327 = arith.constant 80 : i32
      %lt3A_328 = arith.cmpi slt, %add3A_326, %lt3A_327 : i32
      %convert_element_type3A_329 = arith.extui %lt3A_328 : i1 to i32
      %cond3A_330 = arith.constant 0 : i32
      %cond3A_331 = arith.cmpi ne, %convert_element_type3A_329, %cond3A_330 : i32
      scf.if %cond3A_331 {
        %dma_wait3A_343 = arith.constant 0 : i32
        %dma_wait3A_344 = arith.constant 0 : i32
        %dma_wait3A_345 = tpu.memref_slice %arg8[%dma_wait3A_343, %dma_wait3A_344] : memref<80x125xi32, #tpu.memory_space<vmem>> -> memref<1x125xi32, #tpu.memory_space<vmem>>
        %dma_wait3A_346 = tpu.memref_squeeze %dma_wait3A_345 : memref<1x125xi32, #tpu.memory_space<vmem>> -> memref<125xi32, #tpu.memory_space<vmem>>
        %dma_wait3A_347 = arith.constant 0 : i32
        %dma_wait3A_348 = arith.constant 0 : i32
        %dma_wait3A_349 = tpu.memref_slice %arg6[%dma_wait3A_347, %dma_wait3A_348] : memref<10000x64xf32, #tpu.memory_space<vmem_shared>> -> memref<10000x64xf32, #tpu.memory_space<vmem_shared>>
        tpu.wait_indirect_dma semaphore(%arg31 : memref<!tpu.dma_semaphore, #tpu.memory_space<semaphore_mem>>) src(%arg15 : memref<125x64xf32, #tpu.memory_space<vmem>>) dst(%dma_wait3A_349 : memref<10000x64xf32, #tpu.memory_space<vmem_shared>>)
        %dma_start3A_350 = arith.constant 0 : i32
        %dma_start3A_351 = tpu.memref_slice %arg7[%add3A_326, %dma_start3A_350] : memref<80x125xi32, #tpu.memory_space<vmem>> -> memref<1x125xi32, #tpu.memory_space<vmem>>
        %dma_start3A_352 = tpu.memref_squeeze %dma_start3A_351 : memref<1x125xi32, #tpu.memory_space<vmem>> -> memref<125xi32, #tpu.memory_space<vmem>>
        %dma_start3A_353 = arith.constant 0 : i32
        %dma_start3A_354 = arith.constant 0 : i32
        %dma_start3A_355 = tpu.memref_slice %arg2[%dma_start3A_353, %dma_start3A_354] : memref<10000x64xf32, #tpu.memory_space<hbm>> -> memref<10000x64xf32, #tpu.memory_space<hbm>>
        tpu.enqueue_indirect_dma source(%dma_start3A_355 : memref<10000x64xf32, #tpu.memory_space<hbm>>) target(%arg15 : memref<125x64xf32, #tpu.memory_space<vmem>>) offsets(%dma_start3A_352 : memref<125xi32, #tpu.memory_space<vmem>>) semaphore(%arg23 : memref<!tpu.dma_semaphore, #tpu.memory_space<semaphore_mem>>)
      } else {
      }
      %mul3A_332 = arith.constant 8 : i32
      %mul3A_333 = arith.muli %scan3A_121, %mul3A_332 : i32
      %add3A_334 = arith.constant 7 : i32
      %add3A_335 = arith.addi %mul3A_333, %add3A_334 : i32
      %add3A_336 = arith.constant 8 : i32
      %add3A_337 = arith.addi %add3A_335, %add3A_336 : i32
      %lt3A_338 = arith.constant 80 : i32
      %lt3A_339 = arith.cmpi slt, %add3A_337, %lt3A_338 : i32
      %convert_element_type3A_340 = arith.extui %lt3A_339 : i1 to i32
      %cond3A_341 = arith.constant 0 : i32
      %cond3A_342 = arith.cmpi ne, %convert_element_type3A_340, %cond3A_341 : i32
      scf.if %cond3A_342 {
        %dma_wait3A_343 = arith.constant 0 : i32
        %dma_wait3A_344 = arith.constant 0 : i32
        %dma_wait3A_345 = tpu.memref_slice %arg8[%dma_wait3A_343, %dma_wait3A_344] : memref<80x125xi32, #tpu.memory_space<vmem>> -> memref<1x125xi32, #tpu.memory_space<vmem>>
        %dma_wait3A_346 = tpu.memref_squeeze %dma_wait3A_345 : memref<1x125xi32, #tpu.memory_space<vmem>> -> memref<125xi32, #tpu.memory_space<vmem>>
        %dma_wait3A_347 = arith.constant 0 : i32
        %dma_wait3A_348 = arith.constant 0 : i32
        %dma_wait3A_349 = tpu.memref_slice %arg6[%dma_wait3A_347, %dma_wait3A_348] : memref<10000x64xf32, #tpu.memory_space<vmem_shared>> -> memref<10000x64xf32, #tpu.memory_space<vmem_shared>>
        tpu.wait_indirect_dma semaphore(%arg32 : memref<!tpu.dma_semaphore, #tpu.memory_space<semaphore_mem>>) src(%arg16 : memref<125x64xf32, #tpu.memory_space<vmem>>) dst(%dma_wait3A_349 : memref<10000x64xf32, #tpu.memory_space<vmem_shared>>)
        %dma_start3A_350 = arith.constant 0 : i32
        %dma_start3A_351 = tpu.memref_slice %arg7[%add3A_337, %dma_start3A_350] : memref<80x125xi32, #tpu.memory_space<vmem>> -> memref<1x125xi32, #tpu.memory_space<vmem>>
        %dma_start3A_352 = tpu.memref_squeeze %dma_start3A_351 : memref<1x125xi32, #tpu.memory_space<vmem>> -> memref<125xi32, #tpu.memory_space<vmem>>
        %dma_start3A_353 = arith.constant 0 : i32
        %dma_start3A_354 = arith.constant 0 : i32
        %dma_start3A_355 = tpu.memref_slice %arg2[%dma_start3A_353, %dma_start3A_354] : memref<10000x64xf32, #tpu.memory_space<hbm>> -> memref<10000x64xf32, #tpu.memory_space<hbm>>
        tpu.enqueue_indirect_dma source(%dma_start3A_355 : memref<10000x64xf32, #tpu.memory_space<hbm>>) target(%arg16 : memref<125x64xf32, #tpu.memory_space<vmem>>) offsets(%dma_start3A_352 : memref<125xi32, #tpu.memory_space<vmem>>) semaphore(%arg24 : memref<!tpu.dma_semaphore, #tpu.memory_space<semaphore_mem>>)
      } else {
      }
    }
    %scan3A_62 = arith.constant 10 : i32
    %dma_wait3A = arith.constant 0 : i32
    %dma_wait3A_63 = arith.constant 0 : i32
    %dma_wait3A_64 = tpu.memref_slice %arg8[%dma_wait3A, %dma_wait3A_63] : memref<80x125xi32, #tpu.memory_space<vmem>> -> memref<1x125xi32, #tpu.memory_space<vmem>>
    %dma_wait3A_65 = tpu.memref_squeeze %dma_wait3A_64 : memref<1x125xi32, #tpu.memory_space<vmem>> -> memref<125xi32, #tpu.memory_space<vmem>>
    %dma_wait3A_66 = arith.constant 0 : i32
    %dma_wait3A_67 = arith.constant 0 : i32
    %dma_wait3A_68 = tpu.memref_slice %arg6[%dma_wait3A_66, %dma_wait3A_67] : memref<10000x64xf32, #tpu.memory_space<vmem_shared>> -> memref<10000x64xf32, #tpu.memory_space<vmem_shared>>
    tpu.wait_indirect_dma semaphore(%arg25 : memref<!tpu.dma_semaphore, #tpu.memory_space<semaphore_mem>>) src(%arg9 : memref<125x64xf32, #tpu.memory_space<vmem>>) dst(%dma_wait3A_68 : memref<10000x64xf32, #tpu.memory_space<vmem_shared>>)
    %dma_wait3A_69 = arith.constant 0 : i32
    %dma_wait3A_70 = arith.constant 0 : i32
    %dma_wait3A_71 = tpu.memref_slice %arg8[%dma_wait3A_69, %dma_wait3A_70] : memref<80x125xi32, #tpu.memory_space<vmem>> -> memref<1x125xi32, #tpu.memory_space<vmem>>
    %dma_wait3A_72 = tpu.memref_squeeze %dma_wait3A_71 : memref<1x125xi32, #tpu.memory_space<vmem>> -> memref<125xi32, #tpu.memory_space<vmem>>
    %dma_wait3A_73 = arith.constant 0 : i32
    %dma_wait3A_74 = arith.constant 0 : i32
    %dma_wait3A_75 = tpu.memref_slice %arg6[%dma_wait3A_73, %dma_wait3A_74] : memref<10000x64xf32, #tpu.memory_space<vmem_shared>> -> memref<10000x64xf32, #tpu.memory_space<vmem_shared>>
    tpu.wait_indirect_dma semaphore(%arg26 : memref<!tpu.dma_semaphore, #tpu.memory_space<semaphore_mem>>) src(%arg10 : memref<125x64xf32, #tpu.memory_space<vmem>>) dst(%dma_wait3A_75 : memref<10000x64xf32, #tpu.memory_space<vmem_shared>>)
    %dma_wait3A_76 = arith.constant 0 : i32
    %dma_wait3A_77 = arith.constant 0 : i32
    %dma_wait3A_78 = tpu.memref_slice %arg8[%dma_wait3A_76, %dma_wait3A_77] : memref<80x125xi32, #tpu.memory_space<vmem>> -> memref<1x125xi32, #tpu.memory_space<vmem>>
    %dma_wait3A_79 = tpu.memref_squeeze %dma_wait3A_78 : memref<1x125xi32, #tpu.memory_space<vmem>> -> memref<125xi32, #tpu.memory_space<vmem>>
    %dma_wait3A_80 = arith.constant 0 : i32
    %dma_wait3A_81 = arith.constant 0 : i32
    %dma_wait3A_82 = tpu.memref_slice %arg6[%dma_wait3A_80, %dma_wait3A_81] : memref<10000x64xf32, #tpu.memory_space<vmem_shared>> -> memref<10000x64xf32, #tpu.memory_space<vmem_shared>>
    tpu.wait_indirect_dma semaphore(%arg27 : memref<!tpu.dma_semaphore, #tpu.memory_space<semaphore_mem>>) src(%arg11 : memref<125x64xf32, #tpu.memory_space<vmem>>) dst(%dma_wait3A_82 : memref<10000x64xf32, #tpu.memory_space<vmem_shared>>)
    %dma_wait3A_83 = arith.constant 0 : i32
    %dma_wait3A_84 = arith.constant 0 : i32
    %dma_wait3A_85 = tpu.memref_slice %arg8[%dma_wait3A_83, %dma_wait3A_84] : memref<80x125xi32, #tpu.memory_space<vmem>> -> memref<1x125xi32, #tpu.memory_space<vmem>>
    %dma_wait3A_86 = tpu.memref_squeeze %dma_wait3A_85 : memref<1x125xi32, #tpu.memory_space<vmem>> -> memref<125xi32, #tpu.memory_space<vmem>>
    %dma_wait3A_87 = arith.constant 0 : i32
    %dma_wait3A_88 = arith.constant 0 : i32
    %dma_wait3A_89 = tpu.memref_slice %arg6[%dma_wait3A_87, %dma_wait3A_88] : memref<10000x64xf32, #tpu.memory_space<vmem_shared>> -> memref<10000x64xf32, #tpu.memory_space<vmem_shared>>
    tpu.wait_indirect_dma semaphore(%arg28 : memref<!tpu.dma_semaphore, #tpu.memory_space<semaphore_mem>>) src(%arg12 : memref<125x64xf32, #tpu.memory_space<vmem>>) dst(%dma_wait3A_89 : memref<10000x64xf32, #tpu.memory_space<vmem_shared>>)
    %dma_wait3A_90 = arith.constant 0 : i32
    %dma_wait3A_91 = arith.constant 0 : i32
    %dma_wait3A_92 = tpu.memref_slice %arg8[%dma_wait3A_90, %dma_wait3A_91] : memref<80x125xi32, #tpu.memory_space<vmem>> -> memref<1x125xi32, #tpu.memory_space<vmem>>
    %dma_wait3A_93 = tpu.memref_squeeze %dma_wait3A_92 : memref<1x125xi32, #tpu.memory_space<vmem>> -> memref<125xi32, #tpu.memory_space<vmem>>
    %dma_wait3A_94 = arith.constant 0 : i32
    %dma_wait3A_95 = arith.constant 0 : i32
    %dma_wait3A_96 = tpu.memref_slice %arg6[%dma_wait3A_94, %dma_wait3A_95] : memref<10000x64xf32, #tpu.memory_space<vmem_shared>> -> memref<10000x64xf32, #tpu.memory_space<vmem_shared>>
    tpu.wait_indirect_dma semaphore(%arg29 : memref<!tpu.dma_semaphore, #tpu.memory_space<semaphore_mem>>) src(%arg13 : memref<125x64xf32, #tpu.memory_space<vmem>>) dst(%dma_wait3A_96 : memref<10000x64xf32, #tpu.memory_space<vmem_shared>>)
    %dma_wait3A_97 = arith.constant 0 : i32
    %dma_wait3A_98 = arith.constant 0 : i32
    %dma_wait3A_99 = tpu.memref_slice %arg8[%dma_wait3A_97, %dma_wait3A_98] : memref<80x125xi32, #tpu.memory_space<vmem>> -> memref<1x125xi32, #tpu.memory_space<vmem>>
    %dma_wait3A_100 = tpu.memref_squeeze %dma_wait3A_99 : memref<1x125xi32, #tpu.memory_space<vmem>> -> memref<125xi32, #tpu.memory_space<vmem>>
    %dma_wait3A_101 = arith.constant 0 : i32
    %dma_wait3A_102 = arith.constant 0 : i32
    %dma_wait3A_103 = tpu.memref_slice %arg6[%dma_wait3A_101, %dma_wait3A_102] : memref<10000x64xf32, #tpu.memory_space<vmem_shared>> -> memref<10000x64xf32, #tpu.memory_space<vmem_shared>>
    tpu.wait_indirect_dma semaphore(%arg30 : memref<!tpu.dma_semaphore, #tpu.memory_space<semaphore_mem>>) src(%arg14 : memref<125x64xf32, #tpu.memory_space<vmem>>) dst(%dma_wait3A_103 : memref<10000x64xf32, #tpu.memory_space<vmem_shared>>)
    %dma_wait3A_104 = arith.constant 0 : i32
    %dma_wait3A_105 = arith.constant 0 : i32
    %dma_wait3A_106 = tpu.memref_slice %arg8[%dma_wait3A_104, %dma_wait3A_105] : memref<80x125xi32, #tpu.memory_space<vmem>> -> memref<1x125xi32, #tpu.memory_space<vmem>>
    %dma_wait3A_107 = tpu.memref_squeeze %dma_wait3A_106 : memref<1x125xi32, #tpu.memory_space<vmem>> -> memref<125xi32, #tpu.memory_space<vmem>>
    %dma_wait3A_108 = arith.constant 0 : i32
    %dma_wait3A_109 = arith.constant 0 : i32
    %dma_wait3A_110 = tpu.memref_slice %arg6[%dma_wait3A_108, %dma_wait3A_109] : memref<10000x64xf32, #tpu.memory_space<vmem_shared>> -> memref<10000x64xf32, #tpu.memory_space<vmem_shared>>
    tpu.wait_indirect_dma semaphore(%arg31 : memref<!tpu.dma_semaphore, #tpu.memory_space<semaphore_mem>>) src(%arg15 : memref<125x64xf32, #tpu.memory_space<vmem>>) dst(%dma_wait3A_110 : memref<10000x64xf32, #tpu.memory_space<vmem_shared>>)
    %dma_wait3A_111 = arith.constant 0 : i32
    %dma_wait3A_112 = arith.constant 0 : i32
    %dma_wait3A_113 = tpu.memref_slice %arg8[%dma_wait3A_111, %dma_wait3A_112] : memref<80x125xi32, #tpu.memory_space<vmem>> -> memref<1x125xi32, #tpu.memory_space<vmem>>
    %dma_wait3A_114 = tpu.memref_squeeze %dma_wait3A_113 : memref<1x125xi32, #tpu.memory_space<vmem>> -> memref<125xi32, #tpu.memory_space<vmem>>
    %dma_wait3A_115 = arith.constant 0 : i32
    %dma_wait3A_116 = arith.constant 0 : i32
    %dma_wait3A_117 = tpu.memref_slice %arg6[%dma_wait3A_115, %dma_wait3A_116] : memref<10000x64xf32, #tpu.memory_space<vmem_shared>> -> memref<10000x64xf32, #tpu.memory_space<vmem_shared>>
    tpu.wait_indirect_dma semaphore(%arg32 : memref<!tpu.dma_semaphore, #tpu.memory_space<semaphore_mem>>) src(%arg16 : memref<125x64xf32, #tpu.memory_space<vmem>>) dst(%dma_wait3A_117 : memref<10000x64xf32, #tpu.memory_space<vmem_shared>>)
    %barrier3A_118 = arith.constant 0 : index
    tpu.barrier barrier_id(%barrier3A_118)
    %mul3A_119 = arith.constant 64 : i32
    %mul3A_120 = arith.muli %arg0, %mul3A_119 : i32
    "tpu.region"() ({
      %run_scoped3A = tpu.sem_alloc : memref<!tpu.dma_semaphore, #tpu.memory_space<semaphore_mem>>
      %dma_start3A_121 = tpu.memref_slice %arg5[%mul3A_0, %mul3A_120] : memref<10000x128xf32, #tpu.memory_space<hbm>> -> memref<625x64xf32, #tpu.memory_space<hbm>>
      %dma_start3A_122 = arith.constant 0 : i32
      %dma_start3A_123 = tpu.memref_slice %arg6[%mul3A_0, %dma_start3A_122] : memref<10000x64xf32, #tpu.memory_space<vmem_shared>> -> memref<625x64xf32, #tpu.memory_space<vmem_shared>>
      tpu.enqueue_dma source(%dma_start3A_123 : memref<625x64xf32, #tpu.memory_space<vmem_shared>>) target(%dma_start3A_121 : memref<625x64xf32, #tpu.memory_space<hbm>>) target_semaphore(%run_scoped3A : memref<!tpu.dma_semaphore, #tpu.memory_space<semaphore_mem>>)
      %dma_wait3A_124 = tpu.memref_slice %arg5[%mul3A_0, %mul3A_120] : memref<10000x128xf32, #tpu.memory_space<hbm>> -> memref<625x64xf32, #tpu.memory_space<hbm>>
      %dma_wait3A_125 = arith.constant 0 : i32
      %dma_wait3A_126 = tpu.memref_slice %arg6[%mul3A_0, %dma_wait3A_125] : memref<10000x64xf32, #tpu.memory_space<vmem_shared>> -> memref<625x64xf32, #tpu.memory_space<vmem_shared>>
      tpu.wait_dma2 semaphore(%run_scoped3A : memref<!tpu.dma_semaphore, #tpu.memory_space<semaphore_mem>>) src(%dma_wait3A_126 : memref<625x64xf32, #tpu.memory_space<vmem_shared>>) dst(%dma_wait3A_124 : memref<625x64xf32, #tpu.memory_space<hbm>>)
      tpu.yield
    }) : () -> ()
    return
  }
}

#map = affine_map<(d0, d1) -> (0, 0)>
#map1 = affine_map<(d0, d1) -> (0, 0, 0)>
module attributes {stable_mosaic.version = 14 : i64} {
  func.func @_prop_body(%arg0: i32, %arg1: i32, %arg2: memref<10000x32xf32, #tpu.memory_space<hbm>>, %arg3: memref<32x80x125xi32, #tpu.memory_space<hbm>>, %arg4: memref<32x80x125xi32, #tpu.memory_space<hbm>>, %arg5: memref<10000x128xf32, #tpu.memory_space<hbm>>, %arg6: memref<10000x32xf32, #tpu.memory_space<vmem_shared>>, %arg7: memref<80x125xi32, #tpu.memory_space<vmem>>, %arg8: memref<80x125xi32, #tpu.memory_space<vmem>>, %arg9: memref<125x32xf32, #tpu.memory_space<vmem>>, %arg10: memref<125x32xf32, #tpu.memory_space<vmem>>, %arg11: memref<125x32xf32, #tpu.memory_space<vmem>>, %arg12: memref<125x32xf32, #tpu.memory_space<vmem>>, %arg13: memref<125x32xf32, #tpu.memory_space<vmem>>, %arg14: memref<125x32xf32, #tpu.memory_space<vmem>>, %arg15: memref<125x32xf32, #tpu.memory_space<vmem>>, %arg16: memref<125x32xf32, #tpu.memory_space<vmem>>, %arg17: memref<!tpu.dma_semaphore, #tpu.memory_space<semaphore_mem>>, %arg18: memref<!tpu.dma_semaphore, #tpu.memory_space<semaphore_mem>>, %arg19: memref<!tpu.dma_semaphore, #tpu.memory_space<semaphore_mem>>, %arg20: memref<!tpu.dma_semaphore, #tpu.memory_space<semaphore_mem>>, %arg21: memref<!tpu.dma_semaphore, #tpu.memory_space<semaphore_mem>>, %arg22: memref<!tpu.dma_semaphore, #tpu.memory_space<semaphore_mem>>, %arg23: memref<!tpu.dma_semaphore, #tpu.memory_space<semaphore_mem>>, %arg24: memref<!tpu.dma_semaphore, #tpu.memory_space<semaphore_mem>>, %arg25: memref<!tpu.dma_semaphore, #tpu.memory_space<semaphore_mem>>, %arg26: memref<!tpu.dma_semaphore, #tpu.memory_space<semaphore_mem>>, %arg27: memref<!tpu.dma_semaphore, #tpu.memory_space<semaphore_mem>>, %arg28: memref<!tpu.dma_semaphore, #tpu.memory_space<semaphore_mem>>, %arg29: memref<!tpu.dma_semaphore, #tpu.memory_space<semaphore_mem>>, %arg30: memref<!tpu.dma_semaphore, #tpu.memory_space<semaphore_mem>>, %arg31: memref<!tpu.dma_semaphore, #tpu.memory_space<semaphore_mem>>, %arg32: memref<!tpu.dma_semaphore, #tpu.memory_space<semaphore_mem>>) attributes {dimension_semantics = [#tpu.dimension_semantics<core_parallel>, #tpu.dimension_semantics<subcore_parallel>], iteration_bounds = array<i64: 2, 16>, scalar_prefetch = 0 : i64, scratch_operands = 27 : i64, tpu.core_type = #tpu.core_type<sc_vector_subcore>, window_params = [{transform_indices = #map}, {transform_indices = #map1}, {transform_indices = #map1}, {transform_indices = #map}]} {
    %mul3A = arith.constant 625 : i32
    %mul3A_0 = arith.muli %arg1, %mul3A : i32
    %mul3A_1 = arith.constant 2 : i32
    %mul3A_2 = arith.muli %arg1, %mul3A_1 : i32
    %add3A = arith.addi %mul3A_2, %arg0 : i32
    "tpu.region"() ({
      %run_scoped3A = tpu.sem_alloc : memref<!tpu.dma_semaphore, #tpu.memory_space<semaphore_mem>>
      %dma_start3A_121 = arith.constant 0 : i32
      %dma_start3A_122 = arith.constant 0 : i32
      %dma_start3A_123 = tpu.memref_slice %arg3[%add3A, %dma_start3A_121, %dma_start3A_122] : memref<32x80x125xi32, #tpu.memory_space<hbm>> -> memref<1x80x125xi32, #tpu.memory_space<hbm>>
      %dma_start3A_124 = tpu.memref_squeeze %dma_start3A_123 : memref<1x80x125xi32, #tpu.memory_space<hbm>> -> memref<80x125xi32, #tpu.memory_space<hbm>>
      %dma_start3A_125 = arith.constant 0 : i32
      %dma_start3A_126 = arith.constant 0 : i32
      %dma_start3A_127 = tpu.memref_slice %arg3[%add3A, %dma_start3A_125, %dma_start3A_126] : memref<32x80x125xi32, #tpu.memory_space<hbm>> -> memref<1x80x125xi32, #tpu.memory_space<hbm>>
      %dma_start3A_128 = tpu.memref_squeeze %dma_start3A_127 : memref<1x80x125xi32, #tpu.memory_space<hbm>> -> memref<80x125xi32, #tpu.memory_space<hbm>>
      tpu.enqueue_dma source(%dma_start3A_128 : memref<80x125xi32, #tpu.memory_space<hbm>>) target(%arg7 : memref<80x125xi32, #tpu.memory_space<vmem>>) target_semaphore(%run_scoped3A : memref<!tpu.dma_semaphore, #tpu.memory_space<semaphore_mem>>)
      %dma_wait3A_129 = arith.constant 0 : i32
      %dma_wait3A_130 = arith.constant 0 : i32
      %dma_wait3A_131 = tpu.memref_slice %arg3[%add3A, %dma_wait3A_129, %dma_wait3A_130] : memref<32x80x125xi32, #tpu.memory_space<hbm>> -> memref<1x80x125xi32, #tpu.memory_space<hbm>>
      %dma_wait3A_132 = tpu.memref_squeeze %dma_wait3A_131 : memref<1x80x125xi32, #tpu.memory_space<hbm>> -> memref<80x125xi32, #tpu.memory_space<hbm>>
      %dma_wait3A_133 = arith.constant 0 : i32
      %dma_wait3A_134 = arith.constant 0 : i32
      %dma_wait3A_135 = tpu.memref_slice %arg3[%add3A, %dma_wait3A_133, %dma_wait3A_134] : memref<32x80x125xi32, #tpu.memory_space<hbm>> -> memref<1x80x125xi32, #tpu.memory_space<hbm>>
      %dma_wait3A_136 = tpu.memref_squeeze %dma_wait3A_135 : memref<1x80x125xi32, #tpu.memory_space<hbm>> -> memref<80x125xi32, #tpu.memory_space<hbm>>
      tpu.wait_dma2 semaphore(%run_scoped3A : memref<!tpu.dma_semaphore, #tpu.memory_space<semaphore_mem>>) src(%dma_wait3A_136 : memref<80x125xi32, #tpu.memory_space<hbm>>) dst(%arg7 : memref<80x125xi32, #tpu.memory_space<vmem>>)
      tpu.yield
    }) : () -> ()
    "tpu.region"() ({
      %run_scoped3A = tpu.sem_alloc : memref<!tpu.dma_semaphore, #tpu.memory_space<semaphore_mem>>
      %dma_start3A_121 = arith.constant 0 : i32
      %dma_start3A_122 = arith.constant 0 : i32
      %dma_start3A_123 = tpu.memref_slice %arg4[%add3A, %dma_start3A_121, %dma_start3A_122] : memref<32x80x125xi32, #tpu.memory_space<hbm>> -> memref<1x80x125xi32, #tpu.memory_space<hbm>>
      %dma_start3A_124 = tpu.memref_squeeze %dma_start3A_123 : memref<1x80x125xi32, #tpu.memory_space<hbm>> -> memref<80x125xi32, #tpu.memory_space<hbm>>
      %dma_start3A_125 = arith.constant 0 : i32
      %dma_start3A_126 = arith.constant 0 : i32
      %dma_start3A_127 = tpu.memref_slice %arg4[%add3A, %dma_start3A_125, %dma_start3A_126] : memref<32x80x125xi32, #tpu.memory_space<hbm>> -> memref<1x80x125xi32, #tpu.memory_space<hbm>>
      %dma_start3A_128 = tpu.memref_squeeze %dma_start3A_127 : memref<1x80x125xi32, #tpu.memory_space<hbm>> -> memref<80x125xi32, #tpu.memory_space<hbm>>
      tpu.enqueue_dma source(%dma_start3A_128 : memref<80x125xi32, #tpu.memory_space<hbm>>) target(%arg8 : memref<80x125xi32, #tpu.memory_space<vmem>>) target_semaphore(%run_scoped3A : memref<!tpu.dma_semaphore, #tpu.memory_space<semaphore_mem>>)
      %dma_wait3A_129 = arith.constant 0 : i32
      %dma_wait3A_130 = arith.constant 0 : i32
      %dma_wait3A_131 = tpu.memref_slice %arg4[%add3A, %dma_wait3A_129, %dma_wait3A_130] : memref<32x80x125xi32, #tpu.memory_space<hbm>> -> memref<1x80x125xi32, #tpu.memory_space<hbm>>
      %dma_wait3A_132 = tpu.memref_squeeze %dma_wait3A_131 : memref<1x80x125xi32, #tpu.memory_space<hbm>> -> memref<80x125xi32, #tpu.memory_space<hbm>>
      %dma_wait3A_133 = arith.constant 0 : i32
      %dma_wait3A_134 = arith.constant 0 : i32
      %dma_wait3A_135 = tpu.memref_slice %arg4[%add3A, %dma_wait3A_133, %dma_wait3A_134] : memref<32x80x125xi32, #tpu.memory_space<hbm>> -> memref<1x80x125xi32, #tpu.memory_space<hbm>>
      %dma_wait3A_136 = tpu.memref_squeeze %dma_wait3A_135 : memref<1x80x125xi32, #tpu.memory_space<hbm>> -> memref<80x125xi32, #tpu.memory_space<hbm>>
      tpu.wait_dma2 semaphore(%run_scoped3A : memref<!tpu.dma_semaphore, #tpu.memory_space<semaphore_mem>>) src(%dma_wait3A_136 : memref<80x125xi32, #tpu.memory_space<hbm>>) dst(%arg8 : memref<80x125xi32, #tpu.memory_space<vmem>>)
      tpu.yield
    }) : () -> ()
    %dma_start3A = arith.constant 0 : i32
    %dma_start3A_3 = arith.constant 0 : i32
    %dma_start3A_4 = tpu.memref_slice %arg7[%dma_start3A, %dma_start3A_3] : memref<80x125xi32, #tpu.memory_space<vmem>> -> memref<1x125xi32, #tpu.memory_space<vmem>>
    %dma_start3A_5 = tpu.memref_squeeze %dma_start3A_4 : memref<1x125xi32, #tpu.memory_space<vmem>> -> memref<125xi32, #tpu.memory_space<vmem>>
    %dma_start3A_6 = arith.constant 0 : i32
    %dma_start3A_7 = arith.constant 0 : i32
    %dma_start3A_8 = tpu.memref_slice %arg2[%dma_start3A_6, %dma_start3A_7] : memref<10000x32xf32, #tpu.memory_space<hbm>> -> memref<10000x32xf32, #tpu.memory_space<hbm>>
    tpu.enqueue_indirect_dma source(%dma_start3A_8 : memref<10000x32xf32, #tpu.memory_space<hbm>>) target(%arg9 : memref<125x32xf32, #tpu.memory_space<vmem>>) offsets(%dma_start3A_5 : memref<125xi32, #tpu.memory_space<vmem>>) semaphore(%arg17 : memref<!tpu.dma_semaphore, #tpu.memory_space<semaphore_mem>>)
    %dma_start3A_9 = arith.constant 1 : i32
    %dma_start3A_10 = arith.constant 0 : i32
    %dma_start3A_11 = tpu.memref_slice %arg7[%dma_start3A_9, %dma_start3A_10] : memref<80x125xi32, #tpu.memory_space<vmem>> -> memref<1x125xi32, #tpu.memory_space<vmem>>
    %dma_start3A_12 = tpu.memref_squeeze %dma_start3A_11 : memref<1x125xi32, #tpu.memory_space<vmem>> -> memref<125xi32, #tpu.memory_space<vmem>>
    %dma_start3A_13 = arith.constant 0 : i32
    %dma_start3A_14 = arith.constant 0 : i32
    %dma_start3A_15 = tpu.memref_slice %arg2[%dma_start3A_13, %dma_start3A_14] : memref<10000x32xf32, #tpu.memory_space<hbm>> -> memref<10000x32xf32, #tpu.memory_space<hbm>>
    tpu.enqueue_indirect_dma source(%dma_start3A_15 : memref<10000x32xf32, #tpu.memory_space<hbm>>) target(%arg10 : memref<125x32xf32, #tpu.memory_space<vmem>>) offsets(%dma_start3A_12 : memref<125xi32, #tpu.memory_space<vmem>>) semaphore(%arg18 : memref<!tpu.dma_semaphore, #tpu.memory_space<semaphore_mem>>)
    %dma_start3A_16 = arith.constant 2 : i32
    %dma_start3A_17 = arith.constant 0 : i32
    %dma_start3A_18 = tpu.memref_slice %arg7[%dma_start3A_16, %dma_start3A_17] : memref<80x125xi32, #tpu.memory_space<vmem>> -> memref<1x125xi32, #tpu.memory_space<vmem>>
    %dma_start3A_19 = tpu.memref_squeeze %dma_start3A_18 : memref<1x125xi32, #tpu.memory_space<vmem>> -> memref<125xi32, #tpu.memory_space<vmem>>
    %dma_start3A_20 = arith.constant 0 : i32
    %dma_start3A_21 = arith.constant 0 : i32
    %dma_start3A_22 = tpu.memref_slice %arg2[%dma_start3A_20, %dma_start3A_21] : memref<10000x32xf32, #tpu.memory_space<hbm>> -> memref<10000x32xf32, #tpu.memory_space<hbm>>
    tpu.enqueue_indirect_dma source(%dma_start3A_22 : memref<10000x32xf32, #tpu.memory_space<hbm>>) target(%arg11 : memref<125x32xf32, #tpu.memory_space<vmem>>) offsets(%dma_start3A_19 : memref<125xi32, #tpu.memory_space<vmem>>) semaphore(%arg19 : memref<!tpu.dma_semaphore, #tpu.memory_space<semaphore_mem>>)
    %dma_start3A_23 = arith.constant 3 : i32
    %dma_start3A_24 = arith.constant 0 : i32
    %dma_start3A_25 = tpu.memref_slice %arg7[%dma_start3A_23, %dma_start3A_24] : memref<80x125xi32, #tpu.memory_space<vmem>> -> memref<1x125xi32, #tpu.memory_space<vmem>>
    %dma_start3A_26 = tpu.memref_squeeze %dma_start3A_25 : memref<1x125xi32, #tpu.memory_space<vmem>> -> memref<125xi32, #tpu.memory_space<vmem>>
    %dma_start3A_27 = arith.constant 0 : i32
    %dma_start3A_28 = arith.constant 0 : i32
    %dma_start3A_29 = tpu.memref_slice %arg2[%dma_start3A_27, %dma_start3A_28] : memref<10000x32xf32, #tpu.memory_space<hbm>> -> memref<10000x32xf32, #tpu.memory_space<hbm>>
    tpu.enqueue_indirect_dma source(%dma_start3A_29 : memref<10000x32xf32, #tpu.memory_space<hbm>>) target(%arg12 : memref<125x32xf32, #tpu.memory_space<vmem>>) offsets(%dma_start3A_26 : memref<125xi32, #tpu.memory_space<vmem>>) semaphore(%arg20 : memref<!tpu.dma_semaphore, #tpu.memory_space<semaphore_mem>>)
    %dma_start3A_30 = arith.constant 4 : i32
    %dma_start3A_31 = arith.constant 0 : i32
    %dma_start3A_32 = tpu.memref_slice %arg7[%dma_start3A_30, %dma_start3A_31] : memref<80x125xi32, #tpu.memory_space<vmem>> -> memref<1x125xi32, #tpu.memory_space<vmem>>
    %dma_start3A_33 = tpu.memref_squeeze %dma_start3A_32 : memref<1x125xi32, #tpu.memory_space<vmem>> -> memref<125xi32, #tpu.memory_space<vmem>>
    %dma_start3A_34 = arith.constant 0 : i32
    %dma_start3A_35 = arith.constant 0 : i32
    %dma_start3A_36 = tpu.memref_slice %arg2[%dma_start3A_34, %dma_start3A_35] : memref<10000x32xf32, #tpu.memory_space<hbm>> -> memref<10000x32xf32, #tpu.memory_space<hbm>>
    tpu.enqueue_indirect_dma source(%dma_start3A_36 : memref<10000x32xf32, #tpu.memory_space<hbm>>) target(%arg13 : memref<125x32xf32, #tpu.memory_space<vmem>>) offsets(%dma_start3A_33 : memref<125xi32, #tpu.memory_space<vmem>>) semaphore(%arg21 : memref<!tpu.dma_semaphore, #tpu.memory_space<semaphore_mem>>)
    %dma_start3A_37 = arith.constant 5 : i32
    %dma_start3A_38 = arith.constant 0 : i32
    %dma_start3A_39 = tpu.memref_slice %arg7[%dma_start3A_37, %dma_start3A_38] : memref<80x125xi32, #tpu.memory_space<vmem>> -> memref<1x125xi32, #tpu.memory_space<vmem>>
    %dma_start3A_40 = tpu.memref_squeeze %dma_start3A_39 : memref<1x125xi32, #tpu.memory_space<vmem>> -> memref<125xi32, #tpu.memory_space<vmem>>
    %dma_start3A_41 = arith.constant 0 : i32
    %dma_start3A_42 = arith.constant 0 : i32
    %dma_start3A_43 = tpu.memref_slice %arg2[%dma_start3A_41, %dma_start3A_42] : memref<10000x32xf32, #tpu.memory_space<hbm>> -> memref<10000x32xf32, #tpu.memory_space<hbm>>
    tpu.enqueue_indirect_dma source(%dma_start3A_43 : memref<10000x32xf32, #tpu.memory_space<hbm>>) target(%arg14 : memref<125x32xf32, #tpu.memory_space<vmem>>) offsets(%dma_start3A_40 : memref<125xi32, #tpu.memory_space<vmem>>) semaphore(%arg22 : memref<!tpu.dma_semaphore, #tpu.memory_space<semaphore_mem>>)
    %dma_start3A_44 = arith.constant 6 : i32
    %dma_start3A_45 = arith.constant 0 : i32
    %dma_start3A_46 = tpu.memref_slice %arg7[%dma_start3A_44, %dma_start3A_45] : memref<80x125xi32, #tpu.memory_space<vmem>> -> memref<1x125xi32, #tpu.memory_space<vmem>>
    %dma_start3A_47 = tpu.memref_squeeze %dma_start3A_46 : memref<1x125xi32, #tpu.memory_space<vmem>> -> memref<125xi32, #tpu.memory_space<vmem>>
    %dma_start3A_48 = arith.constant 0 : i32
    %dma_start3A_49 = arith.constant 0 : i32
    %dma_start3A_50 = tpu.memref_slice %arg2[%dma_start3A_48, %dma_start3A_49] : memref<10000x32xf32, #tpu.memory_space<hbm>> -> memref<10000x32xf32, #tpu.memory_space<hbm>>
    tpu.enqueue_indirect_dma source(%dma_start3A_50 : memref<10000x32xf32, #tpu.memory_space<hbm>>) target(%arg15 : memref<125x32xf32, #tpu.memory_space<vmem>>) offsets(%dma_start3A_47 : memref<125xi32, #tpu.memory_space<vmem>>) semaphore(%arg23 : memref<!tpu.dma_semaphore, #tpu.memory_space<semaphore_mem>>)
    %dma_start3A_51 = arith.constant 7 : i32
    %dma_start3A_52 = arith.constant 0 : i32
    %dma_start3A_53 = tpu.memref_slice %arg7[%dma_start3A_51, %dma_start3A_52] : memref<80x125xi32, #tpu.memory_space<vmem>> -> memref<1x125xi32, #tpu.memory_space<vmem>>
    %dma_start3A_54 = tpu.memref_squeeze %dma_start3A_53 : memref<1x125xi32, #tpu.memory_space<vmem>> -> memref<125xi32, #tpu.memory_space<vmem>>
    %dma_start3A_55 = arith.constant 0 : i32
    %dma_start3A_56 = arith.constant 0 : i32
    %dma_start3A_57 = tpu.memref_slice %arg2[%dma_start3A_55, %dma_start3A_56] : memref<10000x32xf32, #tpu.memory_space<hbm>> -> memref<10000x32xf32, #tpu.memory_space<hbm>>
    tpu.enqueue_indirect_dma source(%dma_start3A_57 : memref<10000x32xf32, #tpu.memory_space<hbm>>) target(%arg16 : memref<125x32xf32, #tpu.memory_space<vmem>>) offsets(%dma_start3A_54 : memref<125xi32, #tpu.memory_space<vmem>>) semaphore(%arg24 : memref<!tpu.dma_semaphore, #tpu.memory_space<semaphore_mem>>)
    "tpu.region"() ({
      %run_scoped3A = tpu.sem_alloc : memref<!tpu.dma_semaphore, #tpu.memory_space<semaphore_mem>>
      %dma_start3A_121 = arith.constant 0 : i32
      %dma_start3A_122 = tpu.memref_slice %arg6[%mul3A_0, %dma_start3A_121] : memref<10000x32xf32, #tpu.memory_space<vmem_shared>> -> memref<625x32xf32, #tpu.memory_space<vmem_shared>>
      %dma_start3A_123 = arith.constant 0 : i32
      %dma_start3A_124 = tpu.memref_slice %arg2[%mul3A_0, %dma_start3A_123] : memref<10000x32xf32, #tpu.memory_space<hbm>> -> memref<625x32xf32, #tpu.memory_space<hbm>>
      tpu.enqueue_dma source(%dma_start3A_124 : memref<625x32xf32, #tpu.memory_space<hbm>>) target(%dma_start3A_122 : memref<625x32xf32, #tpu.memory_space<vmem_shared>>) target_semaphore(%run_scoped3A : memref<!tpu.dma_semaphore, #tpu.memory_space<semaphore_mem>>)
      %dma_wait3A_125 = arith.constant 0 : i32
      %dma_wait3A_126 = tpu.memref_slice %arg6[%mul3A_0, %dma_wait3A_125] : memref<10000x32xf32, #tpu.memory_space<vmem_shared>> -> memref<625x32xf32, #tpu.memory_space<vmem_shared>>
      %dma_wait3A_127 = arith.constant 0 : i32
      %dma_wait3A_128 = tpu.memref_slice %arg2[%mul3A_0, %dma_wait3A_127] : memref<10000x32xf32, #tpu.memory_space<hbm>> -> memref<625x32xf32, #tpu.memory_space<hbm>>
      tpu.wait_dma2 semaphore(%run_scoped3A : memref<!tpu.dma_semaphore, #tpu.memory_space<semaphore_mem>>) src(%dma_wait3A_128 : memref<625x32xf32, #tpu.memory_space<hbm>>) dst(%dma_wait3A_126 : memref<625x32xf32, #tpu.memory_space<vmem_shared>>)
      tpu.yield
    }) : () -> ()
    %barrier3A = arith.constant 0 : index
    tpu.barrier barrier_id(%barrier3A)
    %scan3A = arith.constant 0 : i32
    %scan3A_58 = arith.constant 0 : i32
    %scan3A_59 = arith.constant 10 : i32
    %scan3A_60 = arith.addi %scan3A_58, %scan3A_59 : i32
    %scan3A_61 = arith.constant 1 : i32
    scf.for %scan3A_121 = %scan3A_58 to %scan3A_60 step %scan3A_61  : i32 {
      %dma_wait3A_122 = arith.constant 0 : i32
      %dma_wait3A_123 = arith.constant 0 : i32
      %dma_wait3A_124 = tpu.memref_slice %arg7[%dma_wait3A_122, %dma_wait3A_123] : memref<80x125xi32, #tpu.memory_space<vmem>> -> memref<1x125xi32, #tpu.memory_space<vmem>>
      %dma_wait3A_125 = tpu.memref_squeeze %dma_wait3A_124 : memref<1x125xi32, #tpu.memory_space<vmem>> -> memref<125xi32, #tpu.memory_space<vmem>>
      %dma_wait3A_126 = arith.constant 0 : i32
      %dma_wait3A_127 = arith.constant 0 : i32
      %dma_wait3A_128 = tpu.memref_slice %arg2[%dma_wait3A_126, %dma_wait3A_127] : memref<10000x32xf32, #tpu.memory_space<hbm>> -> memref<10000x32xf32, #tpu.memory_space<hbm>>
      tpu.wait_indirect_dma semaphore(%arg17 : memref<!tpu.dma_semaphore, #tpu.memory_space<semaphore_mem>>) src(%dma_wait3A_128 : memref<10000x32xf32, #tpu.memory_space<hbm>>) dst(%arg9 : memref<125x32xf32, #tpu.memory_space<vmem>>)
      %mul3A_129 = arith.constant 8 : i32
      %mul3A_130 = arith.muli %scan3A_121, %mul3A_129 : i32
      %add3A_131 = arith.constant 0 : i32
      %add3A_132 = arith.addi %mul3A_130, %add3A_131 : i32
      %dma_start3A_133 = arith.constant 0 : i32
      %dma_start3A_134 = tpu.memref_slice %arg8[%add3A_132, %dma_start3A_133] : memref<80x125xi32, #tpu.memory_space<vmem>> -> memref<1x125xi32, #tpu.memory_space<vmem>>
      %dma_start3A_135 = tpu.memref_squeeze %dma_start3A_134 : memref<1x125xi32, #tpu.memory_space<vmem>> -> memref<125xi32, #tpu.memory_space<vmem>>
      %dma_start3A_136 = arith.constant 0 : i32
      %dma_start3A_137 = arith.constant 0 : i32
      %dma_start3A_138 = tpu.memref_slice %arg6[%dma_start3A_136, %dma_start3A_137] : memref<10000x32xf32, #tpu.memory_space<vmem_shared>> -> memref<10000x32xf32, #tpu.memory_space<vmem_shared>>
      tpu.enqueue_indirect_dma source(%arg9 : memref<125x32xf32, #tpu.memory_space<vmem>>) target(%dma_start3A_138 : memref<10000x32xf32, #tpu.memory_space<vmem_shared>>) offsets(%dma_start3A_135 : memref<125xi32, #tpu.memory_space<vmem>>) semaphore(%arg25 : memref<!tpu.dma_semaphore, #tpu.memory_space<semaphore_mem>>) {add = true}
      %dma_wait3A_139 = arith.constant 0 : i32
      %dma_wait3A_140 = arith.constant 0 : i32
      %dma_wait3A_141 = tpu.memref_slice %arg7[%dma_wait3A_139, %dma_wait3A_140] : memref<80x125xi32, #tpu.memory_space<vmem>> -> memref<1x125xi32, #tpu.memory_space<vmem>>
      %dma_wait3A_142 = tpu.memref_squeeze %dma_wait3A_141 : memref<1x125xi32, #tpu.memory_space<vmem>> -> memref<125xi32, #tpu.memory_space<vmem>>
      %dma_wait3A_143 = arith.constant 0 : i32
      %dma_wait3A_144 = arith.constant 0 : i32
      %dma_wait3A_145 = tpu.memref_slice %arg2[%dma_wait3A_143, %dma_wait3A_144] : memref<10000x32xf32, #tpu.memory_space<hbm>> -> memref<10000x32xf32, #tpu.memory_space<hbm>>
      tpu.wait_indirect_dma semaphore(%arg18 : memref<!tpu.dma_semaphore, #tpu.memory_space<semaphore_mem>>) src(%dma_wait3A_145 : memref<10000x32xf32, #tpu.memory_space<hbm>>) dst(%arg10 : memref<125x32xf32, #tpu.memory_space<vmem>>)
      %mul3A_146 = arith.constant 8 : i32
      %mul3A_147 = arith.muli %scan3A_121, %mul3A_146 : i32
      %add3A_148 = arith.constant 1 : i32
      %add3A_149 = arith.addi %mul3A_147, %add3A_148 : i32
      %dma_start3A_150 = arith.constant 0 : i32
      %dma_start3A_151 = tpu.memref_slice %arg8[%add3A_149, %dma_start3A_150] : memref<80x125xi32, #tpu.memory_space<vmem>> -> memref<1x125xi32, #tpu.memory_space<vmem>>
      %dma_start3A_152 = tpu.memref_squeeze %dma_start3A_151 : memref<1x125xi32, #tpu.memory_space<vmem>> -> memref<125xi32, #tpu.memory_space<vmem>>
      %dma_start3A_153 = arith.constant 0 : i32
      %dma_start3A_154 = arith.constant 0 : i32
      %dma_start3A_155 = tpu.memref_slice %arg6[%dma_start3A_153, %dma_start3A_154] : memref<10000x32xf32, #tpu.memory_space<vmem_shared>> -> memref<10000x32xf32, #tpu.memory_space<vmem_shared>>
      tpu.enqueue_indirect_dma source(%arg10 : memref<125x32xf32, #tpu.memory_space<vmem>>) target(%dma_start3A_155 : memref<10000x32xf32, #tpu.memory_space<vmem_shared>>) offsets(%dma_start3A_152 : memref<125xi32, #tpu.memory_space<vmem>>) semaphore(%arg26 : memref<!tpu.dma_semaphore, #tpu.memory_space<semaphore_mem>>) {add = true}
      %dma_wait3A_156 = arith.constant 0 : i32
      %dma_wait3A_157 = arith.constant 0 : i32
      %dma_wait3A_158 = tpu.memref_slice %arg7[%dma_wait3A_156, %dma_wait3A_157] : memref<80x125xi32, #tpu.memory_space<vmem>> -> memref<1x125xi32, #tpu.memory_space<vmem>>
      %dma_wait3A_159 = tpu.memref_squeeze %dma_wait3A_158 : memref<1x125xi32, #tpu.memory_space<vmem>> -> memref<125xi32, #tpu.memory_space<vmem>>
      %dma_wait3A_160 = arith.constant 0 : i32
      %dma_wait3A_161 = arith.constant 0 : i32
      %dma_wait3A_162 = tpu.memref_slice %arg2[%dma_wait3A_160, %dma_wait3A_161] : memref<10000x32xf32, #tpu.memory_space<hbm>> -> memref<10000x32xf32, #tpu.memory_space<hbm>>
      tpu.wait_indirect_dma semaphore(%arg19 : memref<!tpu.dma_semaphore, #tpu.memory_space<semaphore_mem>>) src(%dma_wait3A_162 : memref<10000x32xf32, #tpu.memory_space<hbm>>) dst(%arg11 : memref<125x32xf32, #tpu.memory_space<vmem>>)
      %mul3A_163 = arith.constant 8 : i32
      %mul3A_164 = arith.muli %scan3A_121, %mul3A_163 : i32
      %add3A_165 = arith.constant 2 : i32
      %add3A_166 = arith.addi %mul3A_164, %add3A_165 : i32
      %dma_start3A_167 = arith.constant 0 : i32
      %dma_start3A_168 = tpu.memref_slice %arg8[%add3A_166, %dma_start3A_167] : memref<80x125xi32, #tpu.memory_space<vmem>> -> memref<1x125xi32, #tpu.memory_space<vmem>>
      %dma_start3A_169 = tpu.memref_squeeze %dma_start3A_168 : memref<1x125xi32, #tpu.memory_space<vmem>> -> memref<125xi32, #tpu.memory_space<vmem>>
      %dma_start3A_170 = arith.constant 0 : i32
      %dma_start3A_171 = arith.constant 0 : i32
      %dma_start3A_172 = tpu.memref_slice %arg6[%dma_start3A_170, %dma_start3A_171] : memref<10000x32xf32, #tpu.memory_space<vmem_shared>> -> memref<10000x32xf32, #tpu.memory_space<vmem_shared>>
      tpu.enqueue_indirect_dma source(%arg11 : memref<125x32xf32, #tpu.memory_space<vmem>>) target(%dma_start3A_172 : memref<10000x32xf32, #tpu.memory_space<vmem_shared>>) offsets(%dma_start3A_169 : memref<125xi32, #tpu.memory_space<vmem>>) semaphore(%arg27 : memref<!tpu.dma_semaphore, #tpu.memory_space<semaphore_mem>>) {add = true}
      %dma_wait3A_173 = arith.constant 0 : i32
      %dma_wait3A_174 = arith.constant 0 : i32
      %dma_wait3A_175 = tpu.memref_slice %arg7[%dma_wait3A_173, %dma_wait3A_174] : memref<80x125xi32, #tpu.memory_space<vmem>> -> memref<1x125xi32, #tpu.memory_space<vmem>>
      %dma_wait3A_176 = tpu.memref_squeeze %dma_wait3A_175 : memref<1x125xi32, #tpu.memory_space<vmem>> -> memref<125xi32, #tpu.memory_space<vmem>>
      %dma_wait3A_177 = arith.constant 0 : i32
      %dma_wait3A_178 = arith.constant 0 : i32
      %dma_wait3A_179 = tpu.memref_slice %arg2[%dma_wait3A_177, %dma_wait3A_178] : memref<10000x32xf32, #tpu.memory_space<hbm>> -> memref<10000x32xf32, #tpu.memory_space<hbm>>
      tpu.wait_indirect_dma semaphore(%arg20 : memref<!tpu.dma_semaphore, #tpu.memory_space<semaphore_mem>>) src(%dma_wait3A_179 : memref<10000x32xf32, #tpu.memory_space<hbm>>) dst(%arg12 : memref<125x32xf32, #tpu.memory_space<vmem>>)
      %mul3A_180 = arith.constant 8 : i32
      %mul3A_181 = arith.muli %scan3A_121, %mul3A_180 : i32
      %add3A_182 = arith.constant 3 : i32
      %add3A_183 = arith.addi %mul3A_181, %add3A_182 : i32
      %dma_start3A_184 = arith.constant 0 : i32
      %dma_start3A_185 = tpu.memref_slice %arg8[%add3A_183, %dma_start3A_184] : memref<80x125xi32, #tpu.memory_space<vmem>> -> memref<1x125xi32, #tpu.memory_space<vmem>>
      %dma_start3A_186 = tpu.memref_squeeze %dma_start3A_185 : memref<1x125xi32, #tpu.memory_space<vmem>> -> memref<125xi32, #tpu.memory_space<vmem>>
      %dma_start3A_187 = arith.constant 0 : i32
      %dma_start3A_188 = arith.constant 0 : i32
      %dma_start3A_189 = tpu.memref_slice %arg6[%dma_start3A_187, %dma_start3A_188] : memref<10000x32xf32, #tpu.memory_space<vmem_shared>> -> memref<10000x32xf32, #tpu.memory_space<vmem_shared>>
      tpu.enqueue_indirect_dma source(%arg12 : memref<125x32xf32, #tpu.memory_space<vmem>>) target(%dma_start3A_189 : memref<10000x32xf32, #tpu.memory_space<vmem_shared>>) offsets(%dma_start3A_186 : memref<125xi32, #tpu.memory_space<vmem>>) semaphore(%arg28 : memref<!tpu.dma_semaphore, #tpu.memory_space<semaphore_mem>>) {add = true}
      %dma_wait3A_190 = arith.constant 0 : i32
      %dma_wait3A_191 = arith.constant 0 : i32
      %dma_wait3A_192 = tpu.memref_slice %arg7[%dma_wait3A_190, %dma_wait3A_191] : memref<80x125xi32, #tpu.memory_space<vmem>> -> memref<1x125xi32, #tpu.memory_space<vmem>>
      %dma_wait3A_193 = tpu.memref_squeeze %dma_wait3A_192 : memref<1x125xi32, #tpu.memory_space<vmem>> -> memref<125xi32, #tpu.memory_space<vmem>>
      %dma_wait3A_194 = arith.constant 0 : i32
      %dma_wait3A_195 = arith.constant 0 : i32
      %dma_wait3A_196 = tpu.memref_slice %arg2[%dma_wait3A_194, %dma_wait3A_195] : memref<10000x32xf32, #tpu.memory_space<hbm>> -> memref<10000x32xf32, #tpu.memory_space<hbm>>
      tpu.wait_indirect_dma semaphore(%arg21 : memref<!tpu.dma_semaphore, #tpu.memory_space<semaphore_mem>>) src(%dma_wait3A_196 : memref<10000x32xf32, #tpu.memory_space<hbm>>) dst(%arg13 : memref<125x32xf32, #tpu.memory_space<vmem>>)
      %mul3A_197 = arith.constant 8 : i32
      %mul3A_198 = arith.muli %scan3A_121, %mul3A_197 : i32
      %add3A_199 = arith.constant 4 : i32
      %add3A_200 = arith.addi %mul3A_198, %add3A_199 : i32
      %dma_start3A_201 = arith.constant 0 : i32
      %dma_start3A_202 = tpu.memref_slice %arg8[%add3A_200, %dma_start3A_201] : memref<80x125xi32, #tpu.memory_space<vmem>> -> memref<1x125xi32, #tpu.memory_space<vmem>>
      %dma_start3A_203 = tpu.memref_squeeze %dma_start3A_202 : memref<1x125xi32, #tpu.memory_space<vmem>> -> memref<125xi32, #tpu.memory_space<vmem>>
      %dma_start3A_204 = arith.constant 0 : i32
      %dma_start3A_205 = arith.constant 0 : i32
      %dma_start3A_206 = tpu.memref_slice %arg6[%dma_start3A_204, %dma_start3A_205] : memref<10000x32xf32, #tpu.memory_space<vmem_shared>> -> memref<10000x32xf32, #tpu.memory_space<vmem_shared>>
      tpu.enqueue_indirect_dma source(%arg13 : memref<125x32xf32, #tpu.memory_space<vmem>>) target(%dma_start3A_206 : memref<10000x32xf32, #tpu.memory_space<vmem_shared>>) offsets(%dma_start3A_203 : memref<125xi32, #tpu.memory_space<vmem>>) semaphore(%arg29 : memref<!tpu.dma_semaphore, #tpu.memory_space<semaphore_mem>>) {add = true}
      %dma_wait3A_207 = arith.constant 0 : i32
      %dma_wait3A_208 = arith.constant 0 : i32
      %dma_wait3A_209 = tpu.memref_slice %arg7[%dma_wait3A_207, %dma_wait3A_208] : memref<80x125xi32, #tpu.memory_space<vmem>> -> memref<1x125xi32, #tpu.memory_space<vmem>>
      %dma_wait3A_210 = tpu.memref_squeeze %dma_wait3A_209 : memref<1x125xi32, #tpu.memory_space<vmem>> -> memref<125xi32, #tpu.memory_space<vmem>>
      %dma_wait3A_211 = arith.constant 0 : i32
      %dma_wait3A_212 = arith.constant 0 : i32
      %dma_wait3A_213 = tpu.memref_slice %arg2[%dma_wait3A_211, %dma_wait3A_212] : memref<10000x32xf32, #tpu.memory_space<hbm>> -> memref<10000x32xf32, #tpu.memory_space<hbm>>
      tpu.wait_indirect_dma semaphore(%arg22 : memref<!tpu.dma_semaphore, #tpu.memory_space<semaphore_mem>>) src(%dma_wait3A_213 : memref<10000x32xf32, #tpu.memory_space<hbm>>) dst(%arg14 : memref<125x32xf32, #tpu.memory_space<vmem>>)
      %mul3A_214 = arith.constant 8 : i32
      %mul3A_215 = arith.muli %scan3A_121, %mul3A_214 : i32
      %add3A_216 = arith.constant 5 : i32
      %add3A_217 = arith.addi %mul3A_215, %add3A_216 : i32
      %dma_start3A_218 = arith.constant 0 : i32
      %dma_start3A_219 = tpu.memref_slice %arg8[%add3A_217, %dma_start3A_218] : memref<80x125xi32, #tpu.memory_space<vmem>> -> memref<1x125xi32, #tpu.memory_space<vmem>>
      %dma_start3A_220 = tpu.memref_squeeze %dma_start3A_219 : memref<1x125xi32, #tpu.memory_space<vmem>> -> memref<125xi32, #tpu.memory_space<vmem>>
      %dma_start3A_221 = arith.constant 0 : i32
      %dma_start3A_222 = arith.constant 0 : i32
      %dma_start3A_223 = tpu.memref_slice %arg6[%dma_start3A_221, %dma_start3A_222] : memref<10000x32xf32, #tpu.memory_space<vmem_shared>> -> memref<10000x32xf32, #tpu.memory_space<vmem_shared>>
      tpu.enqueue_indirect_dma source(%arg14 : memref<125x32xf32, #tpu.memory_space<vmem>>) target(%dma_start3A_223 : memref<10000x32xf32, #tpu.memory_space<vmem_shared>>) offsets(%dma_start3A_220 : memref<125xi32, #tpu.memory_space<vmem>>) semaphore(%arg30 : memref<!tpu.dma_semaphore, #tpu.memory_space<semaphore_mem>>) {add = true}
      %dma_wait3A_224 = arith.constant 0 : i32
      %dma_wait3A_225 = arith.constant 0 : i32
      %dma_wait3A_226 = tpu.memref_slice %arg7[%dma_wait3A_224, %dma_wait3A_225] : memref<80x125xi32, #tpu.memory_space<vmem>> -> memref<1x125xi32, #tpu.memory_space<vmem>>
      %dma_wait3A_227 = tpu.memref_squeeze %dma_wait3A_226 : memref<1x125xi32, #tpu.memory_space<vmem>> -> memref<125xi32, #tpu.memory_space<vmem>>
      %dma_wait3A_228 = arith.constant 0 : i32
      %dma_wait3A_229 = arith.constant 0 : i32
      %dma_wait3A_230 = tpu.memref_slice %arg2[%dma_wait3A_228, %dma_wait3A_229] : memref<10000x32xf32, #tpu.memory_space<hbm>> -> memref<10000x32xf32, #tpu.memory_space<hbm>>
      tpu.wait_indirect_dma semaphore(%arg23 : memref<!tpu.dma_semaphore, #tpu.memory_space<semaphore_mem>>) src(%dma_wait3A_230 : memref<10000x32xf32, #tpu.memory_space<hbm>>) dst(%arg15 : memref<125x32xf32, #tpu.memory_space<vmem>>)
      %mul3A_231 = arith.constant 8 : i32
      %mul3A_232 = arith.muli %scan3A_121, %mul3A_231 : i32
      %add3A_233 = arith.constant 6 : i32
      %add3A_234 = arith.addi %mul3A_232, %add3A_233 : i32
      %dma_start3A_235 = arith.constant 0 : i32
      %dma_start3A_236 = tpu.memref_slice %arg8[%add3A_234, %dma_start3A_235] : memref<80x125xi32, #tpu.memory_space<vmem>> -> memref<1x125xi32, #tpu.memory_space<vmem>>
      %dma_start3A_237 = tpu.memref_squeeze %dma_start3A_236 : memref<1x125xi32, #tpu.memory_space<vmem>> -> memref<125xi32, #tpu.memory_space<vmem>>
      %dma_start3A_238 = arith.constant 0 : i32
      %dma_start3A_239 = arith.constant 0 : i32
      %dma_start3A_240 = tpu.memref_slice %arg6[%dma_start3A_238, %dma_start3A_239] : memref<10000x32xf32, #tpu.memory_space<vmem_shared>> -> memref<10000x32xf32, #tpu.memory_space<vmem_shared>>
      tpu.enqueue_indirect_dma source(%arg15 : memref<125x32xf32, #tpu.memory_space<vmem>>) target(%dma_start3A_240 : memref<10000x32xf32, #tpu.memory_space<vmem_shared>>) offsets(%dma_start3A_237 : memref<125xi32, #tpu.memory_space<vmem>>) semaphore(%arg31 : memref<!tpu.dma_semaphore, #tpu.memory_space<semaphore_mem>>) {add = true}
      %dma_wait3A_241 = arith.constant 0 : i32
      %dma_wait3A_242 = arith.constant 0 : i32
      %dma_wait3A_243 = tpu.memref_slice %arg7[%dma_wait3A_241, %dma_wait3A_242] : memref<80x125xi32, #tpu.memory_space<vmem>> -> memref<1x125xi32, #tpu.memory_space<vmem>>
      %dma_wait3A_244 = tpu.memref_squeeze %dma_wait3A_243 : memref<1x125xi32, #tpu.memory_space<vmem>> -> memref<125xi32, #tpu.memory_space<vmem>>
      %dma_wait3A_245 = arith.constant 0 : i32
      %dma_wait3A_246 = arith.constant 0 : i32
      %dma_wait3A_247 = tpu.memref_slice %arg2[%dma_wait3A_245, %dma_wait3A_246] : memref<10000x32xf32, #tpu.memory_space<hbm>> -> memref<10000x32xf32, #tpu.memory_space<hbm>>
      tpu.wait_indirect_dma semaphore(%arg24 : memref<!tpu.dma_semaphore, #tpu.memory_space<semaphore_mem>>) src(%dma_wait3A_247 : memref<10000x32xf32, #tpu.memory_space<hbm>>) dst(%arg16 : memref<125x32xf32, #tpu.memory_space<vmem>>)
      %mul3A_248 = arith.constant 8 : i32
      %mul3A_249 = arith.muli %scan3A_121, %mul3A_248 : i32
      %add3A_250 = arith.constant 7 : i32
      %add3A_251 = arith.addi %mul3A_249, %add3A_250 : i32
      %dma_start3A_252 = arith.constant 0 : i32
      %dma_start3A_253 = tpu.memref_slice %arg8[%add3A_251, %dma_start3A_252] : memref<80x125xi32, #tpu.memory_space<vmem>> -> memref<1x125xi32, #tpu.memory_space<vmem>>
      %dma_start3A_254 = tpu.memref_squeeze %dma_start3A_253 : memref<1x125xi32, #tpu.memory_space<vmem>> -> memref<125xi32, #tpu.memory_space<vmem>>
      %dma_start3A_255 = arith.constant 0 : i32
      %dma_start3A_256 = arith.constant 0 : i32
      %dma_start3A_257 = tpu.memref_slice %arg6[%dma_start3A_255, %dma_start3A_256] : memref<10000x32xf32, #tpu.memory_space<vmem_shared>> -> memref<10000x32xf32, #tpu.memory_space<vmem_shared>>
      tpu.enqueue_indirect_dma source(%arg16 : memref<125x32xf32, #tpu.memory_space<vmem>>) target(%dma_start3A_257 : memref<10000x32xf32, #tpu.memory_space<vmem_shared>>) offsets(%dma_start3A_254 : memref<125xi32, #tpu.memory_space<vmem>>) semaphore(%arg32 : memref<!tpu.dma_semaphore, #tpu.memory_space<semaphore_mem>>) {add = true}
      %mul3A_258 = arith.constant 8 : i32
      %mul3A_259 = arith.muli %scan3A_121, %mul3A_258 : i32
      %add3A_260 = arith.constant 0 : i32
      %add3A_261 = arith.addi %mul3A_259, %add3A_260 : i32
      %add3A_262 = arith.constant 8 : i32
      %add3A_263 = arith.addi %add3A_261, %add3A_262 : i32
      %lt3A = arith.constant 80 : i32
      %lt3A_264 = arith.cmpi slt, %add3A_263, %lt3A : i32
      %convert_element_type3A = arith.extui %lt3A_264 : i1 to i32
      %cond3A = arith.constant 0 : i32
      %cond3A_265 = arith.cmpi ne, %convert_element_type3A, %cond3A : i32
      scf.if %cond3A_265 {
        %dma_wait3A_343 = arith.constant 0 : i32
        %dma_wait3A_344 = arith.constant 0 : i32
        %dma_wait3A_345 = tpu.memref_slice %arg8[%dma_wait3A_343, %dma_wait3A_344] : memref<80x125xi32, #tpu.memory_space<vmem>> -> memref<1x125xi32, #tpu.memory_space<vmem>>
        %dma_wait3A_346 = tpu.memref_squeeze %dma_wait3A_345 : memref<1x125xi32, #tpu.memory_space<vmem>> -> memref<125xi32, #tpu.memory_space<vmem>>
        %dma_wait3A_347 = arith.constant 0 : i32
        %dma_wait3A_348 = arith.constant 0 : i32
        %dma_wait3A_349 = tpu.memref_slice %arg6[%dma_wait3A_347, %dma_wait3A_348] : memref<10000x32xf32, #tpu.memory_space<vmem_shared>> -> memref<10000x32xf32, #tpu.memory_space<vmem_shared>>
        tpu.wait_indirect_dma semaphore(%arg25 : memref<!tpu.dma_semaphore, #tpu.memory_space<semaphore_mem>>) src(%arg9 : memref<125x32xf32, #tpu.memory_space<vmem>>) dst(%dma_wait3A_349 : memref<10000x32xf32, #tpu.memory_space<vmem_shared>>)
        %dma_start3A_350 = arith.constant 0 : i32
        %dma_start3A_351 = tpu.memref_slice %arg7[%add3A_263, %dma_start3A_350] : memref<80x125xi32, #tpu.memory_space<vmem>> -> memref<1x125xi32, #tpu.memory_space<vmem>>
        %dma_start3A_352 = tpu.memref_squeeze %dma_start3A_351 : memref<1x125xi32, #tpu.memory_space<vmem>> -> memref<125xi32, #tpu.memory_space<vmem>>
        %dma_start3A_353 = arith.constant 0 : i32
        %dma_start3A_354 = arith.constant 0 : i32
        %dma_start3A_355 = tpu.memref_slice %arg2[%dma_start3A_353, %dma_start3A_354] : memref<10000x32xf32, #tpu.memory_space<hbm>> -> memref<10000x32xf32, #tpu.memory_space<hbm>>
        tpu.enqueue_indirect_dma source(%dma_start3A_355 : memref<10000x32xf32, #tpu.memory_space<hbm>>) target(%arg9 : memref<125x32xf32, #tpu.memory_space<vmem>>) offsets(%dma_start3A_352 : memref<125xi32, #tpu.memory_space<vmem>>) semaphore(%arg17 : memref<!tpu.dma_semaphore, #tpu.memory_space<semaphore_mem>>)
      } else {
      }
      %mul3A_266 = arith.constant 8 : i32
      %mul3A_267 = arith.muli %scan3A_121, %mul3A_266 : i32
      %add3A_268 = arith.constant 1 : i32
      %add3A_269 = arith.addi %mul3A_267, %add3A_268 : i32
      %add3A_270 = arith.constant 8 : i32
      %add3A_271 = arith.addi %add3A_269, %add3A_270 : i32
      %lt3A_272 = arith.constant 80 : i32
      %lt3A_273 = arith.cmpi slt, %add3A_271, %lt3A_272 : i32
      %convert_element_type3A_274 = arith.extui %lt3A_273 : i1 to i32
      %cond3A_275 = arith.constant 0 : i32
      %cond3A_276 = arith.cmpi ne, %convert_element_type3A_274, %cond3A_275 : i32
      scf.if %cond3A_276 {
        %dma_wait3A_343 = arith.constant 0 : i32
        %dma_wait3A_344 = arith.constant 0 : i32
        %dma_wait3A_345 = tpu.memref_slice %arg8[%dma_wait3A_343, %dma_wait3A_344] : memref<80x125xi32, #tpu.memory_space<vmem>> -> memref<1x125xi32, #tpu.memory_space<vmem>>
        %dma_wait3A_346 = tpu.memref_squeeze %dma_wait3A_345 : memref<1x125xi32, #tpu.memory_space<vmem>> -> memref<125xi32, #tpu.memory_space<vmem>>
        %dma_wait3A_347 = arith.constant 0 : i32
        %dma_wait3A_348 = arith.constant 0 : i32
        %dma_wait3A_349 = tpu.memref_slice %arg6[%dma_wait3A_347, %dma_wait3A_348] : memref<10000x32xf32, #tpu.memory_space<vmem_shared>> -> memref<10000x32xf32, #tpu.memory_space<vmem_shared>>
        tpu.wait_indirect_dma semaphore(%arg26 : memref<!tpu.dma_semaphore, #tpu.memory_space<semaphore_mem>>) src(%arg10 : memref<125x32xf32, #tpu.memory_space<vmem>>) dst(%dma_wait3A_349 : memref<10000x32xf32, #tpu.memory_space<vmem_shared>>)
        %dma_start3A_350 = arith.constant 0 : i32
        %dma_start3A_351 = tpu.memref_slice %arg7[%add3A_271, %dma_start3A_350] : memref<80x125xi32, #tpu.memory_space<vmem>> -> memref<1x125xi32, #tpu.memory_space<vmem>>
        %dma_start3A_352 = tpu.memref_squeeze %dma_start3A_351 : memref<1x125xi32, #tpu.memory_space<vmem>> -> memref<125xi32, #tpu.memory_space<vmem>>
        %dma_start3A_353 = arith.constant 0 : i32
        %dma_start3A_354 = arith.constant 0 : i32
        %dma_start3A_355 = tpu.memref_slice %arg2[%dma_start3A_353, %dma_start3A_354] : memref<10000x32xf32, #tpu.memory_space<hbm>> -> memref<10000x32xf32, #tpu.memory_space<hbm>>
        tpu.enqueue_indirect_dma source(%dma_start3A_355 : memref<10000x32xf32, #tpu.memory_space<hbm>>) target(%arg10 : memref<125x32xf32, #tpu.memory_space<vmem>>) offsets(%dma_start3A_352 : memref<125xi32, #tpu.memory_space<vmem>>) semaphore(%arg18 : memref<!tpu.dma_semaphore, #tpu.memory_space<semaphore_mem>>)
      } else {
      }
      %mul3A_277 = arith.constant 8 : i32
      %mul3A_278 = arith.muli %scan3A_121, %mul3A_277 : i32
      %add3A_279 = arith.constant 2 : i32
      %add3A_280 = arith.addi %mul3A_278, %add3A_279 : i32
      %add3A_281 = arith.constant 8 : i32
      %add3A_282 = arith.addi %add3A_280, %add3A_281 : i32
      %lt3A_283 = arith.constant 80 : i32
      %lt3A_284 = arith.cmpi slt, %add3A_282, %lt3A_283 : i32
      %convert_element_type3A_285 = arith.extui %lt3A_284 : i1 to i32
      %cond3A_286 = arith.constant 0 : i32
      %cond3A_287 = arith.cmpi ne, %convert_element_type3A_285, %cond3A_286 : i32
      scf.if %cond3A_287 {
        %dma_wait3A_343 = arith.constant 0 : i32
        %dma_wait3A_344 = arith.constant 0 : i32
        %dma_wait3A_345 = tpu.memref_slice %arg8[%dma_wait3A_343, %dma_wait3A_344] : memref<80x125xi32, #tpu.memory_space<vmem>> -> memref<1x125xi32, #tpu.memory_space<vmem>>
        %dma_wait3A_346 = tpu.memref_squeeze %dma_wait3A_345 : memref<1x125xi32, #tpu.memory_space<vmem>> -> memref<125xi32, #tpu.memory_space<vmem>>
        %dma_wait3A_347 = arith.constant 0 : i32
        %dma_wait3A_348 = arith.constant 0 : i32
        %dma_wait3A_349 = tpu.memref_slice %arg6[%dma_wait3A_347, %dma_wait3A_348] : memref<10000x32xf32, #tpu.memory_space<vmem_shared>> -> memref<10000x32xf32, #tpu.memory_space<vmem_shared>>
        tpu.wait_indirect_dma semaphore(%arg27 : memref<!tpu.dma_semaphore, #tpu.memory_space<semaphore_mem>>) src(%arg11 : memref<125x32xf32, #tpu.memory_space<vmem>>) dst(%dma_wait3A_349 : memref<10000x32xf32, #tpu.memory_space<vmem_shared>>)
        %dma_start3A_350 = arith.constant 0 : i32
        %dma_start3A_351 = tpu.memref_slice %arg7[%add3A_282, %dma_start3A_350] : memref<80x125xi32, #tpu.memory_space<vmem>> -> memref<1x125xi32, #tpu.memory_space<vmem>>
        %dma_start3A_352 = tpu.memref_squeeze %dma_start3A_351 : memref<1x125xi32, #tpu.memory_space<vmem>> -> memref<125xi32, #tpu.memory_space<vmem>>
        %dma_start3A_353 = arith.constant 0 : i32
        %dma_start3A_354 = arith.constant 0 : i32
        %dma_start3A_355 = tpu.memref_slice %arg2[%dma_start3A_353, %dma_start3A_354] : memref<10000x32xf32, #tpu.memory_space<hbm>> -> memref<10000x32xf32, #tpu.memory_space<hbm>>
        tpu.enqueue_indirect_dma source(%dma_start3A_355 : memref<10000x32xf32, #tpu.memory_space<hbm>>) target(%arg11 : memref<125x32xf32, #tpu.memory_space<vmem>>) offsets(%dma_start3A_352 : memref<125xi32, #tpu.memory_space<vmem>>) semaphore(%arg19 : memref<!tpu.dma_semaphore, #tpu.memory_space<semaphore_mem>>)
      } else {
      }
      %mul3A_288 = arith.constant 8 : i32
      %mul3A_289 = arith.muli %scan3A_121, %mul3A_288 : i32
      %add3A_290 = arith.constant 3 : i32
      %add3A_291 = arith.addi %mul3A_289, %add3A_290 : i32
      %add3A_292 = arith.constant 8 : i32
      %add3A_293 = arith.addi %add3A_291, %add3A_292 : i32
      %lt3A_294 = arith.constant 80 : i32
      %lt3A_295 = arith.cmpi slt, %add3A_293, %lt3A_294 : i32
      %convert_element_type3A_296 = arith.extui %lt3A_295 : i1 to i32
      %cond3A_297 = arith.constant 0 : i32
      %cond3A_298 = arith.cmpi ne, %convert_element_type3A_296, %cond3A_297 : i32
      scf.if %cond3A_298 {
        %dma_wait3A_343 = arith.constant 0 : i32
        %dma_wait3A_344 = arith.constant 0 : i32
        %dma_wait3A_345 = tpu.memref_slice %arg8[%dma_wait3A_343, %dma_wait3A_344] : memref<80x125xi32, #tpu.memory_space<vmem>> -> memref<1x125xi32, #tpu.memory_space<vmem>>
        %dma_wait3A_346 = tpu.memref_squeeze %dma_wait3A_345 : memref<1x125xi32, #tpu.memory_space<vmem>> -> memref<125xi32, #tpu.memory_space<vmem>>
        %dma_wait3A_347 = arith.constant 0 : i32
        %dma_wait3A_348 = arith.constant 0 : i32
        %dma_wait3A_349 = tpu.memref_slice %arg6[%dma_wait3A_347, %dma_wait3A_348] : memref<10000x32xf32, #tpu.memory_space<vmem_shared>> -> memref<10000x32xf32, #tpu.memory_space<vmem_shared>>
        tpu.wait_indirect_dma semaphore(%arg28 : memref<!tpu.dma_semaphore, #tpu.memory_space<semaphore_mem>>) src(%arg12 : memref<125x32xf32, #tpu.memory_space<vmem>>) dst(%dma_wait3A_349 : memref<10000x32xf32, #tpu.memory_space<vmem_shared>>)
        %dma_start3A_350 = arith.constant 0 : i32
        %dma_start3A_351 = tpu.memref_slice %arg7[%add3A_293, %dma_start3A_350] : memref<80x125xi32, #tpu.memory_space<vmem>> -> memref<1x125xi32, #tpu.memory_space<vmem>>
        %dma_start3A_352 = tpu.memref_squeeze %dma_start3A_351 : memref<1x125xi32, #tpu.memory_space<vmem>> -> memref<125xi32, #tpu.memory_space<vmem>>
        %dma_start3A_353 = arith.constant 0 : i32
        %dma_start3A_354 = arith.constant 0 : i32
        %dma_start3A_355 = tpu.memref_slice %arg2[%dma_start3A_353, %dma_start3A_354] : memref<10000x32xf32, #tpu.memory_space<hbm>> -> memref<10000x32xf32, #tpu.memory_space<hbm>>
        tpu.enqueue_indirect_dma source(%dma_start3A_355 : memref<10000x32xf32, #tpu.memory_space<hbm>>) target(%arg12 : memref<125x32xf32, #tpu.memory_space<vmem>>) offsets(%dma_start3A_352 : memref<125xi32, #tpu.memory_space<vmem>>) semaphore(%arg20 : memref<!tpu.dma_semaphore, #tpu.memory_space<semaphore_mem>>)
      } else {
      }
      %mul3A_299 = arith.constant 8 : i32
      %mul3A_300 = arith.muli %scan3A_121, %mul3A_299 : i32
      %add3A_301 = arith.constant 4 : i32
      %add3A_302 = arith.addi %mul3A_300, %add3A_301 : i32
      %add3A_303 = arith.constant 8 : i32
      %add3A_304 = arith.addi %add3A_302, %add3A_303 : i32
      %lt3A_305 = arith.constant 80 : i32
      %lt3A_306 = arith.cmpi slt, %add3A_304, %lt3A_305 : i32
      %convert_element_type3A_307 = arith.extui %lt3A_306 : i1 to i32
      %cond3A_308 = arith.constant 0 : i32
      %cond3A_309 = arith.cmpi ne, %convert_element_type3A_307, %cond3A_308 : i32
      scf.if %cond3A_309 {
        %dma_wait3A_343 = arith.constant 0 : i32
        %dma_wait3A_344 = arith.constant 0 : i32
        %dma_wait3A_345 = tpu.memref_slice %arg8[%dma_wait3A_343, %dma_wait3A_344] : memref<80x125xi32, #tpu.memory_space<vmem>> -> memref<1x125xi32, #tpu.memory_space<vmem>>
        %dma_wait3A_346 = tpu.memref_squeeze %dma_wait3A_345 : memref<1x125xi32, #tpu.memory_space<vmem>> -> memref<125xi32, #tpu.memory_space<vmem>>
        %dma_wait3A_347 = arith.constant 0 : i32
        %dma_wait3A_348 = arith.constant 0 : i32
        %dma_wait3A_349 = tpu.memref_slice %arg6[%dma_wait3A_347, %dma_wait3A_348] : memref<10000x32xf32, #tpu.memory_space<vmem_shared>> -> memref<10000x32xf32, #tpu.memory_space<vmem_shared>>
        tpu.wait_indirect_dma semaphore(%arg29 : memref<!tpu.dma_semaphore, #tpu.memory_space<semaphore_mem>>) src(%arg13 : memref<125x32xf32, #tpu.memory_space<vmem>>) dst(%dma_wait3A_349 : memref<10000x32xf32, #tpu.memory_space<vmem_shared>>)
        %dma_start3A_350 = arith.constant 0 : i32
        %dma_start3A_351 = tpu.memref_slice %arg7[%add3A_304, %dma_start3A_350] : memref<80x125xi32, #tpu.memory_space<vmem>> -> memref<1x125xi32, #tpu.memory_space<vmem>>
        %dma_start3A_352 = tpu.memref_squeeze %dma_start3A_351 : memref<1x125xi32, #tpu.memory_space<vmem>> -> memref<125xi32, #tpu.memory_space<vmem>>
        %dma_start3A_353 = arith.constant 0 : i32
        %dma_start3A_354 = arith.constant 0 : i32
        %dma_start3A_355 = tpu.memref_slice %arg2[%dma_start3A_353, %dma_start3A_354] : memref<10000x32xf32, #tpu.memory_space<hbm>> -> memref<10000x32xf32, #tpu.memory_space<hbm>>
        tpu.enqueue_indirect_dma source(%dma_start3A_355 : memref<10000x32xf32, #tpu.memory_space<hbm>>) target(%arg13 : memref<125x32xf32, #tpu.memory_space<vmem>>) offsets(%dma_start3A_352 : memref<125xi32, #tpu.memory_space<vmem>>) semaphore(%arg21 : memref<!tpu.dma_semaphore, #tpu.memory_space<semaphore_mem>>)
      } else {
      }
      %mul3A_310 = arith.constant 8 : i32
      %mul3A_311 = arith.muli %scan3A_121, %mul3A_310 : i32
      %add3A_312 = arith.constant 5 : i32
      %add3A_313 = arith.addi %mul3A_311, %add3A_312 : i32
      %add3A_314 = arith.constant 8 : i32
      %add3A_315 = arith.addi %add3A_313, %add3A_314 : i32
      %lt3A_316 = arith.constant 80 : i32
      %lt3A_317 = arith.cmpi slt, %add3A_315, %lt3A_316 : i32
      %convert_element_type3A_318 = arith.extui %lt3A_317 : i1 to i32
      %cond3A_319 = arith.constant 0 : i32
      %cond3A_320 = arith.cmpi ne, %convert_element_type3A_318, %cond3A_319 : i32
      scf.if %cond3A_320 {
        %dma_wait3A_343 = arith.constant 0 : i32
        %dma_wait3A_344 = arith.constant 0 : i32
        %dma_wait3A_345 = tpu.memref_slice %arg8[%dma_wait3A_343, %dma_wait3A_344] : memref<80x125xi32, #tpu.memory_space<vmem>> -> memref<1x125xi32, #tpu.memory_space<vmem>>
        %dma_wait3A_346 = tpu.memref_squeeze %dma_wait3A_345 : memref<1x125xi32, #tpu.memory_space<vmem>> -> memref<125xi32, #tpu.memory_space<vmem>>
        %dma_wait3A_347 = arith.constant 0 : i32
        %dma_wait3A_348 = arith.constant 0 : i32
        %dma_wait3A_349 = tpu.memref_slice %arg6[%dma_wait3A_347, %dma_wait3A_348] : memref<10000x32xf32, #tpu.memory_space<vmem_shared>> -> memref<10000x32xf32, #tpu.memory_space<vmem_shared>>
        tpu.wait_indirect_dma semaphore(%arg30 : memref<!tpu.dma_semaphore, #tpu.memory_space<semaphore_mem>>) src(%arg14 : memref<125x32xf32, #tpu.memory_space<vmem>>) dst(%dma_wait3A_349 : memref<10000x32xf32, #tpu.memory_space<vmem_shared>>)
        %dma_start3A_350 = arith.constant 0 : i32
        %dma_start3A_351 = tpu.memref_slice %arg7[%add3A_315, %dma_start3A_350] : memref<80x125xi32, #tpu.memory_space<vmem>> -> memref<1x125xi32, #tpu.memory_space<vmem>>
        %dma_start3A_352 = tpu.memref_squeeze %dma_start3A_351 : memref<1x125xi32, #tpu.memory_space<vmem>> -> memref<125xi32, #tpu.memory_space<vmem>>
        %dma_start3A_353 = arith.constant 0 : i32
        %dma_start3A_354 = arith.constant 0 : i32
        %dma_start3A_355 = tpu.memref_slice %arg2[%dma_start3A_353, %dma_start3A_354] : memref<10000x32xf32, #tpu.memory_space<hbm>> -> memref<10000x32xf32, #tpu.memory_space<hbm>>
        tpu.enqueue_indirect_dma source(%dma_start3A_355 : memref<10000x32xf32, #tpu.memory_space<hbm>>) target(%arg14 : memref<125x32xf32, #tpu.memory_space<vmem>>) offsets(%dma_start3A_352 : memref<125xi32, #tpu.memory_space<vmem>>) semaphore(%arg22 : memref<!tpu.dma_semaphore, #tpu.memory_space<semaphore_mem>>)
      } else {
      }
      %mul3A_321 = arith.constant 8 : i32
      %mul3A_322 = arith.muli %scan3A_121, %mul3A_321 : i32
      %add3A_323 = arith.constant 6 : i32
      %add3A_324 = arith.addi %mul3A_322, %add3A_323 : i32
      %add3A_325 = arith.constant 8 : i32
      %add3A_326 = arith.addi %add3A_324, %add3A_325 : i32
      %lt3A_327 = arith.constant 80 : i32
      %lt3A_328 = arith.cmpi slt, %add3A_326, %lt3A_327 : i32
      %convert_element_type3A_329 = arith.extui %lt3A_328 : i1 to i32
      %cond3A_330 = arith.constant 0 : i32
      %cond3A_331 = arith.cmpi ne, %convert_element_type3A_329, %cond3A_330 : i32
      scf.if %cond3A_331 {
        %dma_wait3A_343 = arith.constant 0 : i32
        %dma_wait3A_344 = arith.constant 0 : i32
        %dma_wait3A_345 = tpu.memref_slice %arg8[%dma_wait3A_343, %dma_wait3A_344] : memref<80x125xi32, #tpu.memory_space<vmem>> -> memref<1x125xi32, #tpu.memory_space<vmem>>
        %dma_wait3A_346 = tpu.memref_squeeze %dma_wait3A_345 : memref<1x125xi32, #tpu.memory_space<vmem>> -> memref<125xi32, #tpu.memory_space<vmem>>
        %dma_wait3A_347 = arith.constant 0 : i32
        %dma_wait3A_348 = arith.constant 0 : i32
        %dma_wait3A_349 = tpu.memref_slice %arg6[%dma_wait3A_347, %dma_wait3A_348] : memref<10000x32xf32, #tpu.memory_space<vmem_shared>> -> memref<10000x32xf32, #tpu.memory_space<vmem_shared>>
        tpu.wait_indirect_dma semaphore(%arg31 : memref<!tpu.dma_semaphore, #tpu.memory_space<semaphore_mem>>) src(%arg15 : memref<125x32xf32, #tpu.memory_space<vmem>>) dst(%dma_wait3A_349 : memref<10000x32xf32, #tpu.memory_space<vmem_shared>>)
        %dma_start3A_350 = arith.constant 0 : i32
        %dma_start3A_351 = tpu.memref_slice %arg7[%add3A_326, %dma_start3A_350] : memref<80x125xi32, #tpu.memory_space<vmem>> -> memref<1x125xi32, #tpu.memory_space<vmem>>
        %dma_start3A_352 = tpu.memref_squeeze %dma_start3A_351 : memref<1x125xi32, #tpu.memory_space<vmem>> -> memref<125xi32, #tpu.memory_space<vmem>>
        %dma_start3A_353 = arith.constant 0 : i32
        %dma_start3A_354 = arith.constant 0 : i32
        %dma_start3A_355 = tpu.memref_slice %arg2[%dma_start3A_353, %dma_start3A_354] : memref<10000x32xf32, #tpu.memory_space<hbm>> -> memref<10000x32xf32, #tpu.memory_space<hbm>>
        tpu.enqueue_indirect_dma source(%dma_start3A_355 : memref<10000x32xf32, #tpu.memory_space<hbm>>) target(%arg15 : memref<125x32xf32, #tpu.memory_space<vmem>>) offsets(%dma_start3A_352 : memref<125xi32, #tpu.memory_space<vmem>>) semaphore(%arg23 : memref<!tpu.dma_semaphore, #tpu.memory_space<semaphore_mem>>)
      } else {
      }
      %mul3A_332 = arith.constant 8 : i32
      %mul3A_333 = arith.muli %scan3A_121, %mul3A_332 : i32
      %add3A_334 = arith.constant 7 : i32
      %add3A_335 = arith.addi %mul3A_333, %add3A_334 : i32
      %add3A_336 = arith.constant 8 : i32
      %add3A_337 = arith.addi %add3A_335, %add3A_336 : i32
      %lt3A_338 = arith.constant 80 : i32
      %lt3A_339 = arith.cmpi slt, %add3A_337, %lt3A_338 : i32
      %convert_element_type3A_340 = arith.extui %lt3A_339 : i1 to i32
      %cond3A_341 = arith.constant 0 : i32
      %cond3A_342 = arith.cmpi ne, %convert_element_type3A_340, %cond3A_341 : i32
      scf.if %cond3A_342 {
        %dma_wait3A_343 = arith.constant 0 : i32
        %dma_wait3A_344 = arith.constant 0 : i32
        %dma_wait3A_345 = tpu.memref_slice %arg8[%dma_wait3A_343, %dma_wait3A_344] : memref<80x125xi32, #tpu.memory_space<vmem>> -> memref<1x125xi32, #tpu.memory_space<vmem>>
        %dma_wait3A_346 = tpu.memref_squeeze %dma_wait3A_345 : memref<1x125xi32, #tpu.memory_space<vmem>> -> memref<125xi32, #tpu.memory_space<vmem>>
        %dma_wait3A_347 = arith.constant 0 : i32
        %dma_wait3A_348 = arith.constant 0 : i32
        %dma_wait3A_349 = tpu.memref_slice %arg6[%dma_wait3A_347, %dma_wait3A_348] : memref<10000x32xf32, #tpu.memory_space<vmem_shared>> -> memref<10000x32xf32, #tpu.memory_space<vmem_shared>>
        tpu.wait_indirect_dma semaphore(%arg32 : memref<!tpu.dma_semaphore, #tpu.memory_space<semaphore_mem>>) src(%arg16 : memref<125x32xf32, #tpu.memory_space<vmem>>) dst(%dma_wait3A_349 : memref<10000x32xf32, #tpu.memory_space<vmem_shared>>)
        %dma_start3A_350 = arith.constant 0 : i32
        %dma_start3A_351 = tpu.memref_slice %arg7[%add3A_337, %dma_start3A_350] : memref<80x125xi32, #tpu.memory_space<vmem>> -> memref<1x125xi32, #tpu.memory_space<vmem>>
        %dma_start3A_352 = tpu.memref_squeeze %dma_start3A_351 : memref<1x125xi32, #tpu.memory_space<vmem>> -> memref<125xi32, #tpu.memory_space<vmem>>
        %dma_start3A_353 = arith.constant 0 : i32
        %dma_start3A_354 = arith.constant 0 : i32
        %dma_start3A_355 = tpu.memref_slice %arg2[%dma_start3A_353, %dma_start3A_354] : memref<10000x32xf32, #tpu.memory_space<hbm>> -> memref<10000x32xf32, #tpu.memory_space<hbm>>
        tpu.enqueue_indirect_dma source(%dma_start3A_355 : memref<10000x32xf32, #tpu.memory_space<hbm>>) target(%arg16 : memref<125x32xf32, #tpu.memory_space<vmem>>) offsets(%dma_start3A_352 : memref<125xi32, #tpu.memory_space<vmem>>) semaphore(%arg24 : memref<!tpu.dma_semaphore, #tpu.memory_space<semaphore_mem>>)
      } else {
      }
    }
    %scan3A_62 = arith.constant 10 : i32
    %dma_wait3A = arith.constant 0 : i32
    %dma_wait3A_63 = arith.constant 0 : i32
    %dma_wait3A_64 = tpu.memref_slice %arg8[%dma_wait3A, %dma_wait3A_63] : memref<80x125xi32, #tpu.memory_space<vmem>> -> memref<1x125xi32, #tpu.memory_space<vmem>>
    %dma_wait3A_65 = tpu.memref_squeeze %dma_wait3A_64 : memref<1x125xi32, #tpu.memory_space<vmem>> -> memref<125xi32, #tpu.memory_space<vmem>>
    %dma_wait3A_66 = arith.constant 0 : i32
    %dma_wait3A_67 = arith.constant 0 : i32
    %dma_wait3A_68 = tpu.memref_slice %arg6[%dma_wait3A_66, %dma_wait3A_67] : memref<10000x32xf32, #tpu.memory_space<vmem_shared>> -> memref<10000x32xf32, #tpu.memory_space<vmem_shared>>
    tpu.wait_indirect_dma semaphore(%arg25 : memref<!tpu.dma_semaphore, #tpu.memory_space<semaphore_mem>>) src(%arg9 : memref<125x32xf32, #tpu.memory_space<vmem>>) dst(%dma_wait3A_68 : memref<10000x32xf32, #tpu.memory_space<vmem_shared>>)
    %dma_wait3A_69 = arith.constant 0 : i32
    %dma_wait3A_70 = arith.constant 0 : i32
    %dma_wait3A_71 = tpu.memref_slice %arg8[%dma_wait3A_69, %dma_wait3A_70] : memref<80x125xi32, #tpu.memory_space<vmem>> -> memref<1x125xi32, #tpu.memory_space<vmem>>
    %dma_wait3A_72 = tpu.memref_squeeze %dma_wait3A_71 : memref<1x125xi32, #tpu.memory_space<vmem>> -> memref<125xi32, #tpu.memory_space<vmem>>
    %dma_wait3A_73 = arith.constant 0 : i32
    %dma_wait3A_74 = arith.constant 0 : i32
    %dma_wait3A_75 = tpu.memref_slice %arg6[%dma_wait3A_73, %dma_wait3A_74] : memref<10000x32xf32, #tpu.memory_space<vmem_shared>> -> memref<10000x32xf32, #tpu.memory_space<vmem_shared>>
    tpu.wait_indirect_dma semaphore(%arg26 : memref<!tpu.dma_semaphore, #tpu.memory_space<semaphore_mem>>) src(%arg10 : memref<125x32xf32, #tpu.memory_space<vmem>>) dst(%dma_wait3A_75 : memref<10000x32xf32, #tpu.memory_space<vmem_shared>>)
    %dma_wait3A_76 = arith.constant 0 : i32
    %dma_wait3A_77 = arith.constant 0 : i32
    %dma_wait3A_78 = tpu.memref_slice %arg8[%dma_wait3A_76, %dma_wait3A_77] : memref<80x125xi32, #tpu.memory_space<vmem>> -> memref<1x125xi32, #tpu.memory_space<vmem>>
    %dma_wait3A_79 = tpu.memref_squeeze %dma_wait3A_78 : memref<1x125xi32, #tpu.memory_space<vmem>> -> memref<125xi32, #tpu.memory_space<vmem>>
    %dma_wait3A_80 = arith.constant 0 : i32
    %dma_wait3A_81 = arith.constant 0 : i32
    %dma_wait3A_82 = tpu.memref_slice %arg6[%dma_wait3A_80, %dma_wait3A_81] : memref<10000x32xf32, #tpu.memory_space<vmem_shared>> -> memref<10000x32xf32, #tpu.memory_space<vmem_shared>>
    tpu.wait_indirect_dma semaphore(%arg27 : memref<!tpu.dma_semaphore, #tpu.memory_space<semaphore_mem>>) src(%arg11 : memref<125x32xf32, #tpu.memory_space<vmem>>) dst(%dma_wait3A_82 : memref<10000x32xf32, #tpu.memory_space<vmem_shared>>)
    %dma_wait3A_83 = arith.constant 0 : i32
    %dma_wait3A_84 = arith.constant 0 : i32
    %dma_wait3A_85 = tpu.memref_slice %arg8[%dma_wait3A_83, %dma_wait3A_84] : memref<80x125xi32, #tpu.memory_space<vmem>> -> memref<1x125xi32, #tpu.memory_space<vmem>>
    %dma_wait3A_86 = tpu.memref_squeeze %dma_wait3A_85 : memref<1x125xi32, #tpu.memory_space<vmem>> -> memref<125xi32, #tpu.memory_space<vmem>>
    %dma_wait3A_87 = arith.constant 0 : i32
    %dma_wait3A_88 = arith.constant 0 : i32
    %dma_wait3A_89 = tpu.memref_slice %arg6[%dma_wait3A_87, %dma_wait3A_88] : memref<10000x32xf32, #tpu.memory_space<vmem_shared>> -> memref<10000x32xf32, #tpu.memory_space<vmem_shared>>
    tpu.wait_indirect_dma semaphore(%arg28 : memref<!tpu.dma_semaphore, #tpu.memory_space<semaphore_mem>>) src(%arg12 : memref<125x32xf32, #tpu.memory_space<vmem>>) dst(%dma_wait3A_89 : memref<10000x32xf32, #tpu.memory_space<vmem_shared>>)
    %dma_wait3A_90 = arith.constant 0 : i32
    %dma_wait3A_91 = arith.constant 0 : i32
    %dma_wait3A_92 = tpu.memref_slice %arg8[%dma_wait3A_90, %dma_wait3A_91] : memref<80x125xi32, #tpu.memory_space<vmem>> -> memref<1x125xi32, #tpu.memory_space<vmem>>
    %dma_wait3A_93 = tpu.memref_squeeze %dma_wait3A_92 : memref<1x125xi32, #tpu.memory_space<vmem>> -> memref<125xi32, #tpu.memory_space<vmem>>
    %dma_wait3A_94 = arith.constant 0 : i32
    %dma_wait3A_95 = arith.constant 0 : i32
    %dma_wait3A_96 = tpu.memref_slice %arg6[%dma_wait3A_94, %dma_wait3A_95] : memref<10000x32xf32, #tpu.memory_space<vmem_shared>> -> memref<10000x32xf32, #tpu.memory_space<vmem_shared>>
    tpu.wait_indirect_dma semaphore(%arg29 : memref<!tpu.dma_semaphore, #tpu.memory_space<semaphore_mem>>) src(%arg13 : memref<125x32xf32, #tpu.memory_space<vmem>>) dst(%dma_wait3A_96 : memref<10000x32xf32, #tpu.memory_space<vmem_shared>>)
    %dma_wait3A_97 = arith.constant 0 : i32
    %dma_wait3A_98 = arith.constant 0 : i32
    %dma_wait3A_99 = tpu.memref_slice %arg8[%dma_wait3A_97, %dma_wait3A_98] : memref<80x125xi32, #tpu.memory_space<vmem>> -> memref<1x125xi32, #tpu.memory_space<vmem>>
    %dma_wait3A_100 = tpu.memref_squeeze %dma_wait3A_99 : memref<1x125xi32, #tpu.memory_space<vmem>> -> memref<125xi32, #tpu.memory_space<vmem>>
    %dma_wait3A_101 = arith.constant 0 : i32
    %dma_wait3A_102 = arith.constant 0 : i32
    %dma_wait3A_103 = tpu.memref_slice %arg6[%dma_wait3A_101, %dma_wait3A_102] : memref<10000x32xf32, #tpu.memory_space<vmem_shared>> -> memref<10000x32xf32, #tpu.memory_space<vmem_shared>>
    tpu.wait_indirect_dma semaphore(%arg30 : memref<!tpu.dma_semaphore, #tpu.memory_space<semaphore_mem>>) src(%arg14 : memref<125x32xf32, #tpu.memory_space<vmem>>) dst(%dma_wait3A_103 : memref<10000x32xf32, #tpu.memory_space<vmem_shared>>)
    %dma_wait3A_104 = arith.constant 0 : i32
    %dma_wait3A_105 = arith.constant 0 : i32
    %dma_wait3A_106 = tpu.memref_slice %arg8[%dma_wait3A_104, %dma_wait3A_105] : memref<80x125xi32, #tpu.memory_space<vmem>> -> memref<1x125xi32, #tpu.memory_space<vmem>>
    %dma_wait3A_107 = tpu.memref_squeeze %dma_wait3A_106 : memref<1x125xi32, #tpu.memory_space<vmem>> -> memref<125xi32, #tpu.memory_space<vmem>>
    %dma_wait3A_108 = arith.constant 0 : i32
    %dma_wait3A_109 = arith.constant 0 : i32
    %dma_wait3A_110 = tpu.memref_slice %arg6[%dma_wait3A_108, %dma_wait3A_109] : memref<10000x32xf32, #tpu.memory_space<vmem_shared>> -> memref<10000x32xf32, #tpu.memory_space<vmem_shared>>
    tpu.wait_indirect_dma semaphore(%arg31 : memref<!tpu.dma_semaphore, #tpu.memory_space<semaphore_mem>>) src(%arg15 : memref<125x32xf32, #tpu.memory_space<vmem>>) dst(%dma_wait3A_110 : memref<10000x32xf32, #tpu.memory_space<vmem_shared>>)
    %dma_wait3A_111 = arith.constant 0 : i32
    %dma_wait3A_112 = arith.constant 0 : i32
    %dma_wait3A_113 = tpu.memref_slice %arg8[%dma_wait3A_111, %dma_wait3A_112] : memref<80x125xi32, #tpu.memory_space<vmem>> -> memref<1x125xi32, #tpu.memory_space<vmem>>
    %dma_wait3A_114 = tpu.memref_squeeze %dma_wait3A_113 : memref<1x125xi32, #tpu.memory_space<vmem>> -> memref<125xi32, #tpu.memory_space<vmem>>
    %dma_wait3A_115 = arith.constant 0 : i32
    %dma_wait3A_116 = arith.constant 0 : i32
    %dma_wait3A_117 = tpu.memref_slice %arg6[%dma_wait3A_115, %dma_wait3A_116] : memref<10000x32xf32, #tpu.memory_space<vmem_shared>> -> memref<10000x32xf32, #tpu.memory_space<vmem_shared>>
    tpu.wait_indirect_dma semaphore(%arg32 : memref<!tpu.dma_semaphore, #tpu.memory_space<semaphore_mem>>) src(%arg16 : memref<125x32xf32, #tpu.memory_space<vmem>>) dst(%dma_wait3A_117 : memref<10000x32xf32, #tpu.memory_space<vmem_shared>>)
    %barrier3A_118 = arith.constant 0 : index
    tpu.barrier barrier_id(%barrier3A_118)
    %mul3A_119 = arith.constant 32 : i32
    %mul3A_120 = arith.muli %arg0, %mul3A_119 : i32
    "tpu.region"() ({
      %run_scoped3A = tpu.sem_alloc : memref<!tpu.dma_semaphore, #tpu.memory_space<semaphore_mem>>
      %dma_start3A_121 = tpu.memref_slice %arg5[%mul3A_0, %mul3A_120] : memref<10000x128xf32, #tpu.memory_space<hbm>> -> memref<625x32xf32, #tpu.memory_space<hbm>>
      %dma_start3A_122 = arith.constant 0 : i32
      %dma_start3A_123 = tpu.memref_slice %arg6[%mul3A_0, %dma_start3A_122] : memref<10000x32xf32, #tpu.memory_space<vmem_shared>> -> memref<625x32xf32, #tpu.memory_space<vmem_shared>>
      tpu.enqueue_dma source(%dma_start3A_123 : memref<625x32xf32, #tpu.memory_space<vmem_shared>>) target(%dma_start3A_121 : memref<625x32xf32, #tpu.memory_space<hbm>>) target_semaphore(%run_scoped3A : memref<!tpu.dma_semaphore, #tpu.memory_space<semaphore_mem>>)
      %dma_wait3A_124 = tpu.memref_slice %arg5[%mul3A_0, %mul3A_120] : memref<10000x128xf32, #tpu.memory_space<hbm>> -> memref<625x32xf32, #tpu.memory_space<hbm>>
      %dma_wait3A_125 = arith.constant 0 : i32
      %dma_wait3A_126 = tpu.memref_slice %arg6[%mul3A_0, %dma_wait3A_125] : memref<10000x32xf32, #tpu.memory_space<vmem_shared>> -> memref<625x32xf32, #tpu.memory_space<vmem_shared>>
      tpu.wait_dma2 semaphore(%run_scoped3A : memref<!tpu.dma_semaphore, #tpu.memory_space<semaphore_mem>>) src(%dma_wait3A_126 : memref<625x32xf32, #tpu.memory_space<vmem_shared>>) dst(%dma_wait3A_124 : memref<625x32xf32, #tpu.memory_space<hbm>>)
      tpu.yield
    }) : () -> ()
    return
  }
}

module attributes {stable_mosaic.version = 14 : i64} {
  func.func @_dense1_body(%arg0: i32, %arg1: memref<2000x128xf32, #tpu.memory_space<vmem>>, %arg2: memref<128x64xf32, #tpu.memory_space<vmem>>, %arg3: memref<2000x128xf32, #tpu.memory_space<vmem>>, %arg4: memref<2000x64xf32, #tpu.memory_space<vmem>>, %arg5: memref<2000x1xf32, #tpu.memory_space<vmem>>) attributes {dimension_semantics = [#tpu.dimension_semantics<arbitrary>], iteration_bounds = array<i64: 5>, scalar_prefetch = 0 : i64, scratch_operands = 0 : i64, tpu.core_type = #tpu.core_type<tc>, window_params = [{transform_indices = @transform_0, window_bounds = array<i64: 2000, 128>}, {pipeline_mode = #tpu.pipeline_mode<synchronous>, transform_indices = @transform_1, window_bounds = array<i64: 128, 64>}, {transform_indices = @transform_2, window_bounds = array<i64: 2000, 128>}, {transform_indices = @transform_3, window_bounds = array<i64: 2000, 64>}, {transform_indices = @transform_4, window_bounds = array<i64: 2000, 1>}]} {
    %get3A = arith.constant 0 : index
    %get3A_0 = arith.constant 0 : index
    %get3A_1 = vector.load %arg3[%get3A, %get3A_0] : memref<2000x128xf32, #tpu.memory_space<vmem>>, vector<2000x1xf32>
    %get3A_2 = arith.constant 0 : index
    %get3A_3 = arith.constant 8 : index
    %get3A_4 = vector.load %arg3[%get3A_2, %get3A_3] : memref<2000x128xf32, #tpu.memory_space<vmem>>, vector<2000x1xf32>
    %add3A = arith.addf %get3A_1, %get3A_4 : vector<2000x1xf32>
    %add3A_5 = arith.constant 1.000000e+00 : f32
    %add3A_6 = vector.broadcast %add3A_5 : f32 to vector<2000x1xf32>
    %add3A_7 = arith.addf %add3A, %add3A_6 : vector<2000x1xf32>
    %rsqrt3A = math.rsqrt %add3A_7 : vector<2000x1xf32>
    %swap3A = arith.constant 0 : index
    %swap3A_8 = arith.constant 0 : index
    %swap3A_9 = vector.load %arg5[%swap3A, %swap3A_8] : memref<2000x1xf32, #tpu.memory_space<vmem>>, vector<2000x1xf32>
    tpu.vector_store %arg5[%swap3A, %swap3A_8], %rsqrt3A {strides = array<i32>} : memref<2000x1xf32, #tpu.memory_space<vmem>>, vector<2000x1xf32>,
    %get3A_10 = arith.constant 0 : index
    %get3A_11 = arith.constant 0 : index
    %get3A_12 = vector.load %arg1[%get3A_10, %get3A_11] : memref<2000x128xf32, #tpu.memory_space<vmem>>, vector<2000x128xf32>
    %get3A_13 = arith.constant 0 : index
    %get3A_14 = arith.constant 0 : index
    %get3A_15 = vector.load %arg2[%get3A_13, %get3A_14] : memref<128x64xf32, #tpu.memory_space<vmem>>, vector<128x64xf32>
    %dot_general3A = arith.constant dense<0.000000e+00> : vector<2000x64xf32>
    %dot_general3A_16 = tpu.matmul %get3A_12, %get3A_15, %dot_general3A {dimension_numbers = #tpu.dot_dimension_numbers<[1], [0], [0], [1], [0, 0, 1, 1], [], []>, transpose_lhs_hint = false} : vector<2000x128xf32>, vector<128x64xf32>, vector<2000x64xf32> -> vector<2000x64xf32>
    %mul3A = vector.broadcast %rsqrt3A : vector<2000x1xf32> to vector<2000x64xf32>
    %mul3A_17 = arith.mulf %dot_general3A_16, %mul3A : vector<2000x64xf32>
    %swap3A_18 = arith.constant 0 : index
    %swap3A_19 = arith.constant 0 : index
    %swap3A_20 = vector.load %arg4[%swap3A_18, %swap3A_19] : memref<2000x64xf32, #tpu.memory_space<vmem>>, vector<2000x64xf32>
    tpu.vector_store %arg4[%swap3A_18, %swap3A_19], %mul3A_17 {strides = array<i32>} : memref<2000x64xf32, #tpu.memory_space<vmem>>, vector<2000x64xf32>,
    return
  }
  func.func @transform_0(%arg0: i32) -> (i32, i32) {
    %c0_i32 = arith.constant 0 : i32
    %c0_i32_0 = arith.constant 0 : i32
    return %arg0, %c0_i32 : i32, i32
  }
  func.func @transform_1(%arg0: i32) -> (i32, i32) {
    %c0_i32 = arith.constant 0 : i32
    %c0_i32_0 = arith.constant 0 : i32
    %c0_i32_1 = arith.constant 0 : i32
    return %c0_i32, %c0_i32_0 : i32, i32
  }
  func.func @transform_2(%arg0: i32) -> (i32, i32) {
    %c0_i32 = arith.constant 0 : i32
    %c0_i32_0 = arith.constant 0 : i32
    return %arg0, %c0_i32 : i32, i32
  }
  func.func @transform_3(%arg0: i32) -> (i32, i32) {
    %c0_i32 = arith.constant 0 : i32
    %c0_i32_0 = arith.constant 0 : i32
    return %arg0, %c0_i32 : i32, i32
  }
  func.func @transform_4(%arg0: i32) -> (i32, i32) {
    %c0_i32 = arith.constant 0 : i32
    %c0_i32_0 = arith.constant 0 : i32
    return %arg0, %c0_i32 : i32, i32
  }
}

module attributes {stable_mosaic.version = 14 : i64} {
  func.func @_dense2_body(%arg0: i32, %arg1: memref<2000x128xf32, #tpu.memory_space<vmem>>, %arg2: memref<2000x64xf32, #tpu.memory_space<vmem>>, %arg3: memref<2000x1xf32, #tpu.memory_space<vmem>>, %arg4: memref<1x64xf32, #tpu.memory_space<vmem>>, %arg5: memref<64x32xf32, #tpu.memory_space<vmem>>, %arg6: memref<2000x32xf32, #tpu.memory_space<vmem>>) attributes {dimension_semantics = [#tpu.dimension_semantics<arbitrary>], iteration_bounds = array<i64: 5>, scalar_prefetch = 0 : i64, scratch_operands = 0 : i64, tpu.core_type = #tpu.core_type<tc>, window_params = [{transform_indices = @transform_0, window_bounds = array<i64: 2000, 128>}, {transform_indices = @transform_1, window_bounds = array<i64: 2000, 64>}, {transform_indices = @transform_2, window_bounds = array<i64: 2000, 1>}, {pipeline_mode = #tpu.pipeline_mode<synchronous>, transform_indices = @transform_3, window_bounds = array<i64: 1, 64>}, {pipeline_mode = #tpu.pipeline_mode<synchronous>, transform_indices = @transform_4, window_bounds = array<i64: 64, 32>}, {transform_indices = @transform_5, window_bounds = array<i64: 2000, 32>}]} {
    %get3A = arith.constant 0 : index
    %get3A_0 = arith.constant 0 : index
    %get3A_1 = vector.load %arg3[%get3A, %get3A_0] : memref<2000x1xf32, #tpu.memory_space<vmem>>, vector<2000x1xf32>
    %get3A_2 = arith.constant 0 : index
    %get3A_3 = arith.constant 0 : index
    %get3A_4 = vector.load %arg1[%get3A_2, %get3A_3] : memref<2000x128xf32, #tpu.memory_space<vmem>>, vector<2000x64xf32>
    %get3A_5 = arith.constant 0 : index
    %get3A_6 = arith.constant 64 : index
    %get3A_7 = vector.load %arg1[%get3A_5, %get3A_6] : memref<2000x128xf32, #tpu.memory_space<vmem>>, vector<2000x64xf32>
    %add3A = arith.addf %get3A_4, %get3A_7 : vector<2000x64xf32>
    %get3A_8 = arith.constant 0 : index
    %get3A_9 = arith.constant 0 : index
    %get3A_10 = vector.load %arg2[%get3A_8, %get3A_9] : memref<2000x64xf32, #tpu.memory_space<vmem>>, vector<2000x64xf32>
    %sub3A = arith.subf %add3A, %get3A_10 : vector<2000x64xf32>
    %mul3A = vector.broadcast %get3A_1 : vector<2000x1xf32> to vector<2000x64xf32>
    %mul3A_11 = arith.mulf %sub3A, %mul3A : vector<2000x64xf32>
    %get3A_12 = arith.constant 0 : index
    %get3A_13 = arith.constant 0 : index
    %get3A_14 = vector.load %arg4[%get3A_12, %get3A_13] : memref<1x64xf32, #tpu.memory_space<vmem>>, vector<1x64xf32>
    %add3A_15 = vector.broadcast %get3A_14 : vector<1x64xf32> to vector<2000x64xf32>
    %add3A_16 = arith.addf %mul3A_11, %add3A_15 : vector<2000x64xf32>
    %max3A = arith.constant 0.000000e+00 : f32
    %max3A_17 = vector.broadcast %max3A : f32 to vector<2000x64xf32>
    %max3A_18 = arith.maximumf %add3A_16, %max3A_17 : vector<2000x64xf32>
    %get3A_19 = arith.constant 0 : index
    %get3A_20 = arith.constant 0 : index
    %get3A_21 = vector.load %arg5[%get3A_19, %get3A_20] : memref<64x32xf32, #tpu.memory_space<vmem>>, vector<64x32xf32>
    %dot_general3A = arith.constant dense<0.000000e+00> : vector<2000x32xf32>
    %dot_general3A_22 = tpu.matmul %max3A_18, %get3A_21, %dot_general3A {dimension_numbers = #tpu.dot_dimension_numbers<[1], [0], [0], [1], [0, 0, 1, 1], [], []>, transpose_lhs_hint = false} : vector<2000x64xf32>, vector<64x32xf32>, vector<2000x32xf32> -> vector<2000x32xf32>
    %mul3A_23 = vector.broadcast %get3A_1 : vector<2000x1xf32> to vector<2000x32xf32>
    %mul3A_24 = arith.mulf %dot_general3A_22, %mul3A_23 : vector<2000x32xf32>
    %swap3A = arith.constant 0 : index
    %swap3A_25 = arith.constant 0 : index
    %swap3A_26 = vector.load %arg6[%swap3A, %swap3A_25] : memref<2000x32xf32, #tpu.memory_space<vmem>>, vector<2000x32xf32>
    tpu.vector_store %arg6[%swap3A, %swap3A_25], %mul3A_24 {strides = array<i32>} : memref<2000x32xf32, #tpu.memory_space<vmem>>, vector<2000x32xf32>,
    return
  }
  func.func @transform_0(%arg0: i32) -> (i32, i32) {
    %c0_i32 = arith.constant 0 : i32
    %c0_i32_0 = arith.constant 0 : i32
    return %arg0, %c0_i32 : i32, i32
  }
  func.func @transform_1(%arg0: i32) -> (i32, i32) {
    %c0_i32 = arith.constant 0 : i32
    %c0_i32_0 = arith.constant 0 : i32
    return %arg0, %c0_i32 : i32, i32
  }
  func.func @transform_2(%arg0: i32) -> (i32, i32) {
    %c0_i32 = arith.constant 0 : i32
    %c0_i32_0 = arith.constant 0 : i32
    return %arg0, %c0_i32 : i32, i32
  }
  func.func @transform_3(%arg0: i32) -> (i32, i32) {
    %c0_i32 = arith.constant 0 : i32
    %c0_i32_0 = arith.constant 0 : i32
    %c0_i32_1 = arith.constant 0 : i32
    return %c0_i32, %c0_i32_0 : i32, i32
  }
  func.func @transform_4(%arg0: i32) -> (i32, i32) {
    %c0_i32 = arith.constant 0 : i32
    %c0_i32_0 = arith.constant 0 : i32
    %c0_i32_1 = arith.constant 0 : i32
    return %c0_i32, %c0_i32_0 : i32, i32
  }
  func.func @transform_5(%arg0: i32) -> (i32, i32) {
    %c0_i32 = arith.constant 0 : i32
    %c0_i32_0 = arith.constant 0 : i32
    return %arg0, %c0_i32 : i32, i32
  }
}

module attributes {stable_mosaic.version = 14 : i64} {
  func.func @_out_body(%arg0: i32, %arg1: memref<2000x128xf32, #tpu.memory_space<vmem>>, %arg2: memref<2000x32xf32, #tpu.memory_space<vmem>>, %arg3: memref<2000x1xf32, #tpu.memory_space<vmem>>, %arg4: memref<1x32xf32, #tpu.memory_space<vmem>>, %arg5: memref<2000x32xf32, #tpu.memory_space<vmem>>) attributes {dimension_semantics = [#tpu.dimension_semantics<arbitrary>], iteration_bounds = array<i64: 5>, scalar_prefetch = 0 : i64, scratch_operands = 0 : i64, tpu.core_type = #tpu.core_type<tc>, window_params = [{transform_indices = @transform_0, window_bounds = array<i64: 2000, 128>}, {transform_indices = @transform_1, window_bounds = array<i64: 2000, 32>}, {transform_indices = @transform_2, window_bounds = array<i64: 2000, 1>}, {pipeline_mode = #tpu.pipeline_mode<synchronous>, transform_indices = @transform_3, window_bounds = array<i64: 1, 32>}, {transform_indices = @transform_4, window_bounds = array<i64: 2000, 32>}]} {
    %get3A = arith.constant 0 : index
    %get3A_0 = arith.constant 0 : index
    %get3A_1 = vector.load %arg1[%get3A, %get3A_0] : memref<2000x128xf32, #tpu.memory_space<vmem>>, vector<2000x32xf32>
    %get3A_2 = arith.constant 0 : index
    %get3A_3 = arith.constant 32 : index
    %get3A_4 = vector.load %arg1[%get3A_2, %get3A_3] : memref<2000x128xf32, #tpu.memory_space<vmem>>, vector<2000x32xf32>
    %add3A = arith.addf %get3A_1, %get3A_4 : vector<2000x32xf32>
    %get3A_5 = arith.constant 0 : index
    %get3A_6 = arith.constant 0 : index
    %get3A_7 = vector.load %arg2[%get3A_5, %get3A_6] : memref<2000x32xf32, #tpu.memory_space<vmem>>, vector<2000x32xf32>
    %sub3A = arith.subf %add3A, %get3A_7 : vector<2000x32xf32>
    %get3A_8 = arith.constant 0 : index
    %get3A_9 = arith.constant 0 : index
    %get3A_10 = vector.load %arg3[%get3A_8, %get3A_9] : memref<2000x1xf32, #tpu.memory_space<vmem>>, vector<2000x1xf32>
    %mul3A = vector.broadcast %get3A_10 : vector<2000x1xf32> to vector<2000x32xf32>
    %mul3A_11 = arith.mulf %sub3A, %mul3A : vector<2000x32xf32>
    %get3A_12 = arith.constant 0 : index
    %get3A_13 = arith.constant 0 : index
    %get3A_14 = vector.load %arg4[%get3A_12, %get3A_13] : memref<1x32xf32, #tpu.memory_space<vmem>>, vector<1x32xf32>
    %add3A_15 = vector.broadcast %get3A_14 : vector<1x32xf32> to vector<2000x32xf32>
    %add3A_16 = arith.addf %mul3A_11, %add3A_15 : vector<2000x32xf32>
    %swap3A = arith.constant 0 : index
    %swap3A_17 = arith.constant 0 : index
    %swap3A_18 = vector.load %arg5[%swap3A, %swap3A_17] : memref<2000x32xf32, #tpu.memory_space<vmem>>, vector<2000x32xf32>
    tpu.vector_store %arg5[%swap3A, %swap3A_17], %add3A_16 {strides = array<i32>} : memref<2000x32xf32, #tpu.memory_space<vmem>>, vector<2000x32xf32>,
    return
  }
  func.func @transform_0(%arg0: i32) -> (i32, i32) {
    %c0_i32 = arith.constant 0 : i32
    %c0_i32_0 = arith.constant 0 : i32
    return %arg0, %c0_i32 : i32, i32
  }
  func.func @transform_1(%arg0: i32) -> (i32, i32) {
    %c0_i32 = arith.constant 0 : i32
    %c0_i32_0 = arith.constant 0 : i32
    return %arg0, %c0_i32 : i32, i32
  }
  func.func @transform_2(%arg0: i32) -> (i32, i32) {
    %c0_i32 = arith.constant 0 : i32
    %c0_i32_0 = arith.constant 0 : i32
    return %arg0, %c0_i32 : i32, i32
  }
  func.func @transform_3(%arg0: i32) -> (i32, i32) {
    %c0_i32 = arith.constant 0 : i32
    %c0_i32_0 = arith.constant 0 : i32
    %c0_i32_1 = arith.constant 0 : i32
    return %c0_i32, %c0_i32_0 : i32, i32
  }
  func.func @transform_4(%arg0: i32) -> (i32, i32) {
    %c0_i32 = arith.constant 0 : i32
    %c0_i32_0 = arith.constant 0 : i32
    return %arg0, %c0_i32 : i32, i32
  }
}

</mosaic_0001>

<sc_bundles>
// kernel: kernel.11.cloned.1.call-start
scs
__scs_entry_jumppad:
0x0: {  	(pc) =	sbr.rel $0x88, $3  }
0x1: {  	(tag) =	ssettag $0x0;
	lr =	simm.s32 $0x1  }
0x2: {  	[smem:$0x3F9B] =	sst lr;
	_ =	strace $0xD0000000  }
0x3: {  	_ = 	snop  }
0x4: {  	_ = 	snop  }
0x5: {  	_ = 	snop  }
0x6: {  	_ = 	snop  }
0x7: {  	_ = 	snop  }
__scs_overlays_trampoline_lowered:
0x8: {  	[smem:$0x3FAA] =	sst s0  }
0x9: {  	[smem:$0x3FAB] =	sst s1  }
0xa: {  	[smem:$0x3FAC] =	sst s2  }
0xb: {  	[smem:$0x3FAD] =	sst s3  }
0xc: {  	[smem:$0x3FAE] =	sst s4  }
0xd: {  	[smem:$0x3FAF] =	sst s5  }
0xe: {  	[smem:$0x3FB0] =	sst s6  }
0xf: {  	[smem:$0x3FB1] =	sst s7  }
0x10: {  	[smem:$0x3FB2] =	sst s8  }
0x11: {  	[smem:$0x3FB3] =	sst s9;
	s0 =	simm.s32 @!p0 $0x0  }
0x12: {  	s1 =	sld [smem:$0x3F99];
	s0 =	simm.s32 @p0 $0x1  }
0x13: {  	[smem:$0x3FB4] =	sst s0;
	s0 =	simm.s32 @!p1 $0x0  }
0x14: {  	s2 =	sld [smem:$0x3F98];
	s0 =	simm.s32 @p1 $0x1  }
0x15: {  	[smem:$0x3FB5] =	sst s0;
	s0 =	simm.s32 @!p2 $0x0  }
0x16: {  	s3 =	sld [smem:$0x3FDB];
	s0 =	simm.s32 @p2 $0x1  }
0x17: {  	s4 =	simm.s32 $0x1BF5;
	[smem:$0x3FB7] =	sst s0  }
0x18: {  	s0 =	sld [smem:$0x3F9A];
	_ =	swait.ge [sflag:s4], $0x0  }
0x19: {  	s7 =	sld [smem:$0x3F9B]  }
0x1a: {  	s8 =	sadd.s32 $0xFFFFE003, lr  }
0x1b: {  	s9 =	sadd.s32 $0xFFFFFEF7, lr;
	s5 =	simm.s32 $0xFFFFFFFF;
	p2 =	slt.u32 s8, $0xFFFFF086  }
0x1c: {  	p1 =	slt.u32 s9, $0xF7A;
	s5 =	simm.s32 @!p2 $0x0  }
0x1d: {  	s5 =	simm.s32 @p1 $0x1;
	p0 =	seq.s32 s7, s2  }
0x1e: {  	s7 =	smul.u32 @!p0 $0xF7A, s2;
	p2 =	seq.s32 @!p0 s5, $0x0  }
0x1f: {  	s9 =	smul.u32 $0xF7A, s1;
	s8 =	simm.s32 @!p0 $0x1BF5;
	p2 =	por !p2, p0  }
0x20: {  	[sflag:s8] =	ssyncset.s32 @!p0 $0xFFFFF086;
	s6 =	sadd.s32 @!p0 s3, s7;
	s7 =	simm.s32 @!p0 $0x108  }
0x21: {  	s3 =	sadd.s32 s3, s9;
	s6 =	sadd.s32 @!p0 $0x88, s6;
	s7 =	simm.s32 @p2 $0x1082  }
0x22: {  	[simem:s7], [sflag:s8] =	dma.local @!p0 [hbm:s6], $0xF7A  }
0x23: {  	s9 =	sor.u32 $0xD0000000, s2;
	s6 =	simm.s32 $0x108;
	_ =	swait.ge @!p0 [sflag:s8], $0x0  }
0x24: {  	s3 =	sadd.s32 $0x88, s3;
	s6 =	simm.s32 @!p1 $0x1082;
	[sflag:s4] =	ssyncset.s32 $0xFFFFF086  }
0x25: {  	[simem:s6], [sflag:s4] =	dma.local [hbm:s3], $0xF7A  }
0x26: {  	[smem:$0x3F9B] =	sst s1;
	(tag) =	ssettag s2;
	_ =	strace s9  }
0x27: {  	s1 =	sld [smem:$0x3FAB]  }
0x28: {  	s2 =	sld [smem:$0x3FAC]  }
0x29: {  	s4 =	sld [smem:$0x3FAE]  }
0x2a: {  	p0 =	seq.s32 s5, $0x0;
	s5 =	sld [smem:$0x3FAF]  }
0x2b: {  	s6 =	sld [smem:$0x3FB0]  }
0x2c: {  	s7 =	sld [smem:$0x3FB1]  }
0x2d: {  	s3 =	simm.s32 $0x108;
	s8 =	sld [smem:$0x3FB2]  }
0x2e: {  	s3 =	simm.s32 @!p0 $0x1082;
	s9 =	sld [smem:$0x3FB3]  }
0x2f: {  	lr =	sadd.s32 s0, s3;
	s0 =	sld [smem:$0x3FAA]  }
0x30: {  	s3 =	sld [smem:$0x3FAD]  }
0x31: {  	[smem:$0x3FB6] =	sst s10  }
0x32: {  	s10 =	sld [smem:$0x3FB4];
	_ =	sdelay $0x3  }
0x33: {  	p0 =	seq.s32 s10, $0x1;
	s10 =	sld [smem:$0x3FB6];
	_ =	sdelay $0x3  }
0x34: {  	[smem:$0x3FB6] =	sst s10  }
0x35: {  	s10 =	sld [smem:$0x3FB5];
	_ =	sdelay $0x3  }
0x36: {  	p1 =	seq.s32 s10, $0x1;
	s10 =	sld [smem:$0x3FB6];
	_ =	sdelay $0x3  }
0x37: {  	[smem:$0x3FB6] =	sst s10  }
0x38: {  	s10 =	sld [smem:$0x3FB7]  }
0x39: {  	_ = 	snop;
	(pc) =	sbr.ind lr, $3  }
0x3a: {  	_ = 	snop  }
0x3b: {  	_ = 	snop  }
0x3c: {  	p2 =	seq.s32 s10, $0x1;
	s10 =	sld [smem:$0x3FB6]  }
0x3d: {  	_ =	shalt  }
0x3e: {  	_ =	shalt  }
0x3f: {  	_ =	shalt  }
0x40: {  	_ =	shalt  }
0x41: {  	_ =	shalt  }
0x42: {  	_ =	shalt  }
0x43: {  	_ =	shalt  }
0x44: {  	_ =	shalt  }
0x45: {  	_ =	shalt  }
0x46: {  	_ =	shalt  }
0x47: {  	_ =	shalt  }
0x48: {  	_ =	shalt  }
0x49: {  	_ =	shalt  }
0x4a: {  	_ =	shalt  }
0x4b: {  	_ =	shalt  }
0x4c: {  	_ =	shalt  }
0x4d: {  	_ =	shalt  }
0x4e: {  	_ =	shalt  }
0x4f: {  	_ =	shalt  }
0x50: {  	_ =	shalt  }
0x51: {  	_ =	shalt  }
0x52: {  	_ =	shalt  }
0x53: {  	_ =	shalt  }
0x54: {  	_ =	shalt  }
0x55: {  	_ =	shalt  }
0x56: {  	_ =	shalt  }
0x57: {  	_ =	shalt  }
0x58: {  	_ =	shalt  }
0x59: {  	_ =	shalt  }
0x5a: {  	_ =	shalt  }
0x5b: {  	_ =	shalt  }
0x5c: {  	_ =	shalt  }
0x5d: {  	_ =	shalt  }
0x5e: {  	_ =	shalt  }
0x5f: {  	_ =	shalt  }
0x60: {  	_ =	shalt  }
0x61: {  	_ =	shalt  }
0x62: {  	_ =	shalt  }
0x63: {  	_ =	shalt  }
0x64: {  	_ =	shalt  }
0x65: {  	_ =	shalt  }
0x66: {  	_ =	shalt  }
0x67: {  	_ =	shalt  }
0x68: {  	_ =	shalt  }
0x69: {  	_ =	shalt  }
0x6a: {  	_ =	shalt  }
0x6b: {  	_ =	shalt  }
0x6c: {  	_ =	shalt  }
0x6d: {  	_ =	shalt  }
0x6e: {  	_ =	shalt  }
0x6f: {  	_ =	shalt  }
0x70: {  	_ =	shalt  }
0x71: {  	_ =	shalt  }
0x72: {  	_ =	shalt  }
0x73: {  	_ =	shalt  }
0x74: {  	_ =	shalt  }
0x75: {  	_ =	shalt  }
0x76: {  	_ =	shalt  }
0x77: {  	_ =	shalt  }
0x78: {  	_ =	shalt  }
0x79: {  	_ =	shalt  }
0x7a: {  	_ =	shalt  }
0x7b: {  	_ =	shalt  }
0x7c: {  	_ =	shalt  }
0x7d: {  	_ =	shalt  }
0x7e: {  	_ =	shalt  }
0x7f: {  	_ =	shalt  }
0x80: {  	_ =	shalt  }
0x81: {  	_ =	shalt  }
0x82: {  	_ =	shalt  }
0x83: {  	_ =	shalt  }
0x84: {  	_ =	shalt  }
0x85: {  	_ =	shalt  }
0x86: {  	_ =	shalt  }
0x87: {  	_ =	shalt  }
.Lfunc_end0:
.L_simem_size_0:
called_computation.1_lowered:
.L_overlay_start_0:
0x88: {  	s2 =	sld [smem:$0x3FD9]  }
0x89: {  	s3 =	sld [smem:$0x3FFE];
	_ =	sdelay $0x1  }
0x8a: {  	s1 =	srdreg.scid  }
0x8b: {  	s0 =	sand.u32 $0x1, s1  }
0x8c: {  	s16 =	sshll.u32 s0, $0xA;
	s2 =	sadd.s32 s3, s2  }
0x8d: {  	s2 =	sadd.s32 s2, s16  }
0x8e: {  	[smem:$0x3FC2] =	sst s2  }
0x8f: {  	_ = 	snop  }
0x90: {  	(tm) =	ssettm $0x1  }
0x91: {  	s17 =	sld [smem:$0x3FFB];
	_ =	sdelay $0x3  }
0x92: {  	_ =	strace s17  }
0x93: {  	s2 =	sld [smem:$0x3FFC];
	_ =	sdelay $0x3  }
0x94: {  	_ =	strace s2  }
0x95: {  	s2 =	sld [smem:$0x3FFD];
	_ =	sdelay $0x3  }
0x96: {  	_ =	strace s2  }
0x97: {  	_ =	strace $0x8FFFFFFF  }
0x98: {  	s18 =	sld [smem:$0x3FDB];
	_ =	sdelay $0x1  }
0x99: {  	s19 =	simm.s32 $_scs_section_size  }
0x9a: {  	s4 =	simm.s32 $_size__tile_overlayer_lowered;
	s5 =	simm.s32 $_tile_overlayer_lowered  }
0x9b: {  	s22 =	simm.s32 $0x1BFF;
	s21 =	sshll.u32 s5, $0x1;
	s2 =	sadd.s32 s19, s18  }
0x9c: {  	s6 =	simm.s32 $0x0;
	s20 =	sshll.u32 s4, $0x1;
	s4 =	sadd.s32 s21, s2  }
0x9d: {  	[timem:s6], [sflag:s22] =	dma.local [hbm:s4], s20  }
0x9e: {  	_ =	swait.ge [sflag:s22], s20  }
0x9f: {  	s3 =	ssub.s32 $0x0, s20;
	[sflag:s22] =	ssyncset.done $0x0  }
0xa0: {  	[sflag:s22] =	ssyncadd.s32 s3;
	_ =	sdelay $0x1  }
0xa1: {  	s23 =	simm.s32 $0x1B8B  }
0xa2: {  	_ =	swait.ge [sflag:s23], $0x1  }
0xa3: {  	[sflag:s23] =	ssyncset.done $0x0  }
0xa4: {  	s25 =	simm.s32 $0x1B8E;
	s24 =	sld [smem:$0x3FFE];
	[sflag:s23] =	ssyncadd.s32 $0xFFFFFFFF  }
0xa5: {  	s26 =	simm.s32 $execute0_lowered;
	[smem:$0x3FD2] =	sst s25  }
0xa6: {  	s4 =	sshll.u32 s26, $0x1;
	_ =	strace $0x80000049;
	[dreg:$0x1] =	wrdreg $0xFFFFFFFF  }
0xa7: {  	s28 =	simm.s32 $_size_execute0_lowered;
	s2 =	sadd.s32 s2, s4;
	[dreg:$0x0] =	wrdreg $0x0  }
0xa8: {  	s4 =	sshll.u32 s28, $0x1;
	[dreg:$0x2] =	wrdreg s2  }
0xa9: {  	[dreg:$0x3] =	wrdreg s4  }
0xaa: {  	[dreg:$0x4] =	wrdreg $0xC0  }
0xab: {  	_ =	task [dreg:s6], $0x5FFFF  }
0xac: {  	[dreg:$0x1] =	wrdreg $0xFFFFFFFF  }
0xad: {  	[dreg:$0x0] =	wrdreg $0x60  }
0xae: {  	[dreg:$0x2] =	wrdreg s24  }
0xaf: {  	[dreg:$0x3] =	wrdreg $0x0  }
0xb0: {  	[dreg:$0x4] =	wrdreg $0x9  }
0xb1: {  	_ =	task.clear_ibuf [dreg:s6], $0x5FFFF;
	_ =	strace $0x90000049  }
0xb2: {  	s29 =	simm.s32 $0x9;
	_ =	strace $0x8000004B  }
0xb3: {  	_ =	swait.ge [sflag:s29], $0x1  }
0xb4: {  	[sflag:s29] =	ssyncadd.s32 $0xFFFFFFFF  }
0xb5: {  	_ =	strace $0x9000004B  }
0xb6: {  	_ =	sfence  }
0xb7: {  	s30 =	sld [smem:$0x0];
	_ =	sdelay $0x2  }
0xb8: {  	s31 =	sshll.u32 s1, $0xD;
	s1 =	sshrl.u32 s1, $0x2  }
0xb9: {  	s3 =	sand.u32 $0x4000, s31;
	s1 =	sadd.s32 s1, s30  }
0xba: {  	s0 =	sor.u32 s3, s0;
	s1 =	sshll.u32 s1, $0x11  }
0xbb: {  	s0 =	sor.u32 s1, s0  }
0xbc: {  	s0 =	sadd.s32 $0x8F2B, s0  }
0xbd: {  	[sflag:s0] =	ssyncadd.remote.s32 $0x1  }
0xbe: {  	_ =	sfence.sel $0xFFFF  }
0xbf: {  	[dreg:$0x0] =	wrdreg $0xFFFFFFFF;
	(pc) =	sbr.abs _section_cstart, $3  }
0xc0: {  	[dreg:$0x1] =	wrdreg $0xFFFFFFFF  }
0xc1: {  	_ =	task.clear_ibuf [dreg:s6], $0x2FFFF;
	_ =	strace $0x9FFFFFFF  }
0xc2: {  	(tm) =	ssettm $0x7FFFFFFF  }
0xc3: {  	_ =	shalt  }
tec
execute0_lowered:
.L_overlay_start_1:
0x0: {  	(tag) =	ssettag $0x1  }
0x1: {  	s0 =	rddreg [dreg:$0x0]  }
0x2: {  	s1 =	rddreg [dreg:$0x1];
	s2 =	simm.s32 $0x0;
	s21 =	srdreg.scid  }
0x3: {  	s7 =	stileid.u32;
	s14 =	simm.s32 $0x7D;
	s15 =	simm.s32 $0xEC40  }
0x4: {  	s17 =	simm.s32 $0x10B80;
	s19 =	simm.s32 $0x12AC0;
	s28 =	simm.s32 $0x1A7C0  }
0x5: {  	s30 =	simm.s32 $0x1C700;
	s31 =	simm.s32 $0x1;
	s13 =	simm.s32 $0x3  }
0x6: {  	s16 =	simm.s32 $0x4;
	s18 =	simm.s32 $0x5;
	s20 =	simm.s32 $0x6  }
0x7: {  	s29 =	simm.s32 $0xA;
	s11 =	simm.s32 $0xE;
	s10 =	simm.s32 $0x0  }
0x8: {  	[smem:$0x7FF] =	sst s2;
	s2 =	sand.u32 $0x1, s21;
	s5 =	smul.u32 $0x13880, s7  }
0x9: {  	s3 =	sshll.u32 s7, $0x1;
	s4 =	sadd.s32 $0x3DA00, s0;
	s7 =	smul.u32 $0x9C40, s7  }
0xa: {  	s21 =	simm.s32 $0x14A00;
	_ =	strace $0x8000004A;
	s3 =	sor.u32 s2, s3  }
0xb: {  	s6 =	sshll.u32 s2, $0x6;
	s2 =	ssub.s32 $0x2, s2;
	s3 =	smul.u32 $0x500, s3  }
0xc: {  	s5 =	sor.u32 s6, s5;
	s22 =	sshrl.u32 s2, $0x1;
	s24 =	sshrl.u32 s7, $0x3  }
0xd: {  	s25 =	sadd.s32 s7, s1;
	s6 =	simm.s32 $0xF;
	s7 =	simm.s32 $0x10  }
0xe: {  	s5 =	sshrl.u32 s5, $0x3;
	s2 =	ssub.s32 s2, s22;
	[dreg:$0x5] =	wrdreg s25  }
0xf: {  	s25 =	simm.s32 $0x18880;
	s22 =	simm.s32 $0x7;
	s3 =	sadd.s32 s3, s0  }
0x10: {  	s0 =	sadd.s32 s5, s0;
	s26 =	smax.u32 s2, $0x1;
	s2 =	simm.s32 $0xB  }
0x11: {  	s5 =	simm.s32 $0xD;
	s23 =	sadd.s32 $0x33A00, s3;
	[dreg:$0x8] =	wrdreg s26  }
0x12: {  	s3 =	sadd.s32 $0x2600, s3;
	s0 =	sadd.s32 $0x51400, s0;
	[dreg:$0x3] =	wrdreg s23  }
0x13: {  	s26 =	simm.s32 $0x9;
	[dreg:$0x4] =	wrdreg s3;
	s3 =	sadd.s32 s4, s24  }
0x14: {  	[dreg:$0x7] =	wrdreg s0;
	s23 =	simm.s32 $0x16940;
	s0 =	simm.s32 $0x2  }
0x15: {  	s24 =	simm.s32 $0x8;
	[dreg:$0x6] =	wrdreg s3;
	s3 =	simm.s32 $0xC  }
.LBB2_1:
0x16: {  	[dreg:$0x9] =	wrdreg s10;
	s9 =	simm.s32 $0x0  }
0x17: {  	s8 =	simm.s32 $0x11;
	s10 =	rddreg [dreg:$0x3];
	s12 =	simm.s32 $0x9C40  }
0x18: {  	[tilespmem:s12], [sflag:$0x11] =	stream.linear.gather [hbm4b:s10+s9], $0x2800, $0x38;
	[tilespmem:$0x1E640] =	vst v63  }
0x19: {  	_ =	swait.ge [sflag:s8], $0x2800  }
0x1a: {  	[sflag:s8] =	ssyncset.done $0x0  }
0x1b: {  	s12 =	simm.s32 $0xC440;
	s10 =	rddreg [dreg:$0x4];
	[sflag:s8] =	ssyncadd.s32 $0xFFFFD800  }
0x1c: {  	[tilespmem:s12], [sflag:$0x11] =	stream.linear.gather [hbm4b:s10+s9], $0x2800, $0x38;
	[tilespmem:$0x1E640] =	vst v63  }
0x1d: {  	_ =	swait.ge [sflag:s8], $0x2800  }
0x1e: {  	[sflag:s8] =	ssyncset.done $0x0  }
0x1f: {  	s10 =	simm.s32 $0x9C40;
	[sflag:s8] =	ssyncadd.s32 $0xFFFFD800  }
0x20: {  	[tilespmem:s15], [sflag:$0x1] =	stream.indirect.gather [hbm4b:s4+s14], $0x40, s10, s14, $0xb8;
	[tilespmem:$0x1E640] =	vst v63  }
0x21: {  	s12 =	simm.s32 $0x9CC0  }
0x22: {  	[tilespmem:s17], [sflag:$0x2] =	stream.indirect.gather [hbm4b:s4+s14], $0x40, s12, s14, $0xb8;
	[tilespmem:$0x1E640] =	vst v63  }
0x23: {  	s10 =	simm.s32 $0x9D40  }
0x24: {  	[tilespmem:s19], [sflag:$0x3] =	stream.indirect.gather [hbm4b:s4+s14], $0x40, s10, s14, $0xb8;
	[tilespmem:$0x1E640] =	vst v63  }
0x25: {  	s12 =	simm.s32 $0x9DC0  }
0x26: {  	[tilespmem:s21], [sflag:$0x4] =	stream.indirect.gather [hbm4b:s4+s14], $0x40, s12, s14, $0xb8;
	[tilespmem:$0x1E640] =	vst v63  }
0x27: {  	s10 =	simm.s32 $0x9E40  }
0x28: {  	[tilespmem:s23], [sflag:$0x5] =	stream.indirect.gather [hbm4b:s4+s14], $0x40, s10, s14, $0xb8;
	[tilespmem:$0x1E640] =	vst v63  }
0x29: {  	s12 =	simm.s32 $0x9EC0  }
0x2a: {  	[tilespmem:s25], [sflag:$0x6] =	stream.indirect.gather [hbm4b:s4+s14], $0x40, s12, s14, $0xb8;
	[tilespmem:$0x1E640] =	vst v63  }
0x2b: {  	s10 =	simm.s32 $0x9F40  }
0x2c: {  	[tilespmem:s28], [sflag:$0x7] =	stream.indirect.gather [hbm4b:s4+s14], $0x40, s10, s14, $0xb8;
	[tilespmem:$0x1E640] =	vst v63  }
0x2d: {  	s12 =	simm.s32 $0x9FC0;
	s10 =	stileid.u32  }
0x2e: {  	[tilespmem:s30], [sflag:$0x8] =	stream.indirect.gather [hbm4b:s4+s14], $0x40, s12, s14, $0xb8;
	[tilespmem:$0x1E640] =	vst v63  }
0x2f: {  	s9 =	sshll.u32 s10, $0x6;
	s12 =	rddreg [dreg:$0x5]  }
0x30: {  	s10 =	sor.u32 $0x1C11, s9;
	s9 =	rddreg [dreg:$0x6]  }
0x31: {  	s12 =	sshrl.u32 s12, $0x3;
	[dreg:$0xa] =	wrdreg s10  }
0x32: {  	[dreg:$0xb] =	wrdreg s12  }
0x33: {  	[spmem:s12], [sflag:s10] =	dma.local [hbm:s9], $0x1388  }
0x34: {  	_ =	swait.ge [sflag:s8], $0x1388  }
0x35: {  	[sflag:s8] =	ssyncset.done $0x0  }
0x36: {  	[sflag:s8] =	ssyncadd.s32 $0xFFFFEC78  }
0x37: {  	[bflag:$0x0] =	sbarrier.arrive $0xFFFF  }
0x38: {  	_ =	swait.ge [sflag:s31], $0x1F40  }
0x39: {  	[sflag:s31] =	ssyncset.done $0x0  }
0x3a: {  	s8 =	simm.s32 $0xC440;
	[sflag:s31] =	ssyncadd.s32 $0xFFFFE0C0  }
0x3b: {  	[spmem:s1] =	stream.indirect.scatter.add.f32 [tilespmem:s15], [sflag:$0x9], $0x40, s8, s14, $0xb8;
	[tilespmem:$0x1E640] =	vst v63  }
0x3c: {  	_ =	swait.ge [sflag:s0], $0x1F40  }
0x3d: {  	[sflag:s0] =	ssyncset.done $0x0  }
0x3e: {  	s10 =	simm.s32 $0xC4C0;
	[sflag:s0] =	ssyncadd.s32 $0xFFFFE0C0  }
0x3f: {  	[spmem:s1] =	stream.indirect.scatter.add.f32 [tilespmem:s17], [sflag:$0xA], $0x40, s10, s14, $0xb8;
	[tilespmem:$0x1E640] =	vst v63  }
0x40: {  	_ =	swait.ge [sflag:s13], $0x1F40  }
0x41: {  	[sflag:s13] =	ssyncset.done $0x0  }
0x42: {  	s12 =	simm.s32 $0xC540;
	[sflag:s13] =	ssyncadd.s32 $0xFFFFE0C0  }
0x43: {  	[spmem:s1] =	stream.indirect.scatter.add.f32 [tilespmem:s19], [sflag:$0xB], $0x40, s12, s14, $0xb8;
	[tilespmem:$0x1E640] =	vst v63  }
0x44: {  	_ =	swait.ge [sflag:s16], $0x1F40  }
0x45: {  	[sflag:s16] =	ssyncset.done $0x0  }
0x46: {  	s8 =	simm.s32 $0xC5C0;
	[sflag:s16] =	ssyncadd.s32 $0xFFFFE0C0  }
0x47: {  	[spmem:s1] =	stream.indirect.scatter.add.f32 [tilespmem:s21], [sflag:$0xC], $0x40, s8, s14, $0xb8;
	[tilespmem:$0x1E640] =	vst v63  }
0x48: {  	_ =	swait.ge [sflag:s18], $0x1F40  }
0x49: {  	[sflag:s18] =	ssyncset.done $0x0  }
0x4a: {  	s10 =	simm.s32 $0xC640;
	[sflag:s18] =	ssyncadd.s32 $0xFFFFE0C0  }
0x4b: {  	[spmem:s1] =	stream.indirect.scatter.add.f32 [tilespmem:s23], [sflag:$0xD], $0x40, s10, s14, $0xb8;
	[tilespmem:$0x1E640] =	vst v63  }
0x4c: {  	_ =	swait.ge [sflag:s20], $0x1F40  }
0x4d: {  	[sflag:s20] =	ssyncset.done $0x0  }
0x4e: {  	s12 =	simm.s32 $0xC6C0;
	[sflag:s20] =	ssyncadd.s32 $0xFFFFE0C0  }
0x4f: {  	[spmem:s1] =	stream.indirect.scatter.add.f32 [tilespmem:s25], [sflag:$0xE], $0x40, s12, s14, $0xb8;
	[tilespmem:$0x1E640] =	vst v63  }
0x50: {  	_ =	swait.ge [sflag:s22], $0x1F40  }
0x51: {  	[sflag:s22] =	ssyncset.done $0x0  }
0x52: {  	s8 =	simm.s32 $0xC740;
	[sflag:s22] =	ssyncadd.s32 $0xFFFFE0C0  }
0x53: {  	[spmem:s1] =	stream.indirect.scatter.add.f32 [tilespmem:s28], [sflag:$0xF], $0x40, s8, s14, $0xb8;
	[tilespmem:$0x1E640] =	vst v63  }
0x54: {  	_ =	swait.ge [sflag:s24], $0x1F40  }
0x55: {  	[sflag:s24] =	ssyncset.done $0x0  }
0x56: {  	s10 =	simm.s32 $0xC7C0;
	[sflag:s24] =	ssyncadd.s32 $0xFFFFE0C0  }
0x57: {  	[spmem:s1] =	stream.indirect.scatter.add.f32 [tilespmem:s30], [sflag:$0x10], $0x40, s10, s14, $0xb8;
	[tilespmem:$0x1E640] =	vst v63  }
0x58: {  	_ =	swait.ge [sflag:s26], $0x1F40  }
0x59: {  	[sflag:s26] =	ssyncset.done $0x0  }
0x5a: {  	s12 =	simm.s32 $0xA040;
	[sflag:s26] =	ssyncadd.s32 $0xFFFFE0C0  }
0x5b: {  	[tilespmem:s15], [sflag:$0x1] =	stream.indirect.gather [hbm4b:s4+s14], $0x40, s12, s14, $0xb8;
	[tilespmem:$0x1E640] =	vst v63  }
0x5c: {  	_ =	swait.ge [sflag:s29], $0x1F40  }
0x5d: {  	[sflag:s29] =	ssyncset.done $0x0  }
0x5e: {  	s8 =	simm.s32 $0xA0C0;
	[sflag:s29] =	ssyncadd.s32 $0xFFFFE0C0  }
0x5f: {  	[tilespmem:s17], [sflag:$0x2] =	stream.indirect.gather [hbm4b:s4+s14], $0x40, s8, s14, $0xb8;
	[tilespmem:$0x1E640] =	vst v63  }
0x60: {  	_ =	swait.ge [sflag:s2], $0x1F40  }
0x61: {  	[sflag:s2] =	ssyncset.done $0x0  }
0x62: {  	s10 =	simm.s32 $0xA140;
	[sflag:s2] =	ssyncadd.s32 $0xFFFFE0C0  }
0x63: {  	[tilespmem:s19], [sflag:$0x3] =	stream.indirect.gather [hbm4b:s4+s14], $0x40, s10, s14, $0xb8;
	[tilespmem:$0x1E640] =	vst v63  }
0x64: {  	_ =	swait.ge [sflag:s3], $0x1F40  }
0x65: {  	[sflag:s3] =	ssyncset.done $0x0  }
0x66: {  	s12 =	simm.s32 $0xA1C0;
	[sflag:s3] =	ssyncadd.s32 $0xFFFFE0C0  }
0x67: {  	[tilespmem:s21], [sflag:$0x4] =	stream.indirect.gather [hbm4b:s4+s14], $0x40, s12, s14, $0xb8;
	[tilespmem:$0x1E640] =	vst v63  }
0x68: {  	_ =	swait.ge [sflag:s5], $0x1F40  }
0x69: {  	[sflag:s5] =	ssyncset.done $0x0  }
0x6a: {  	s8 =	simm.s32 $0xA240;
	[sflag:s5] =	ssyncadd.s32 $0xFFFFE0C0  }
0x6b: {  	[tilespmem:s23], [sflag:$0x5] =	stream.indirect.gather [hbm4b:s4+s14], $0x40, s8, s14, $0xb8;
	[tilespmem:$0x1E640] =	vst v63  }
0x6c: {  	_ =	swait.ge [sflag:s11], $0x1F40  }
0x6d: {  	[sflag:s11] =	ssyncset.done $0x0  }
0x6e: {  	s10 =	simm.s32 $0xA2C0;
	[sflag:s11] =	ssyncadd.s32 $0xFFFFE0C0  }
0x6f: {  	[tilespmem:s25], [sflag:$0x6] =	stream.indirect.gather [hbm4b:s4+s14], $0x40, s10, s14, $0xb8;
	[tilespmem:$0x1E640] =	vst v63  }
0x70: {  	_ =	swait.ge [sflag:s6], $0x1F40  }
0x71: {  	[sflag:s6] =	ssyncset.done $0x0  }
0x72: {  	s12 =	simm.s32 $0xA340;
	[sflag:s6] =	ssyncadd.s32 $0xFFFFE0C0  }
0x73: {  	[tilespmem:s28], [sflag:$0x7] =	stream.indirect.gather [hbm4b:s4+s14], $0x40, s12, s14, $0xb8;
	[tilespmem:$0x1E640] =	vst v63  }
0x74: {  	_ =	swait.ge [sflag:s7], $0x1F40  }
0x75: {  	[sflag:s7] =	ssyncset.done $0x0  }
0x76: {  	s9 =	simm.s32 $0x1000;
	s10 =	simm.s32 $0xA3C0;
	[sflag:s7] =	ssyncadd.s32 $0xFFFFE0C0  }
.LBB2_2:
0x77: {  	[tilespmem:s30], [sflag:$0x8] =	stream.indirect.gather [hbm4b:s4+s14], $0x40, s10, s14, $0xb8;
	[tilespmem:$0x1E640] =	vst v63  }
0x78: {  	s10 =	smov.u32 s9  }
0x79: {  	p0 =	sne.s32 s9, $0x8000;
	s9 =	sadd.s32 $0x1000, s9;
	_ =	swait.ge [sflag:s31], $0x1F40  }
0x7a: {  	s10 =	sshra.s32 s10, $0x2;
	[sflag:s31] =	ssyncset.done $0x0  }
0x7b: {  	s12 =	sadd.s32 $0xC440, s10;
	[sflag:s31] =	ssyncadd.s32 $0xFFFFE0C0  }
0x7c: {  	[spmem:s1] =	stream.indirect.scatter.add.f32 [tilespmem:s15], [sflag:$0x9], $0x40, s12, s14, $0xb8;
	[tilespmem:$0x1E640] =	vst v63  }
0x7d: {  	_ =	swait.ge [sflag:s0], $0x1F40  }
0x7e: {  	[sflag:s0] =	ssyncset.done $0x0  }
0x7f: {  	s12 =	sadd.s32 $0xC4C0, s10;
	[sflag:s0] =	ssyncadd.s32 $0xFFFFE0C0  }
0x80: {  	[spmem:s1] =	stream.indirect.scatter.add.f32 [tilespmem:s17], [sflag:$0xA], $0x40, s12, s14, $0xb8;
	[tilespmem:$0x1E640] =	vst v63  }
0x81: {  	_ =	swait.ge [sflag:s13], $0x1F40  }
0x82: {  	[sflag:s13] =	ssyncset.done $0x0  }
0x83: {  	s12 =	sadd.s32 $0xC540, s10;
	[sflag:s13] =	ssyncadd.s32 $0xFFFFE0C0  }
0x84: {  	[spmem:s1] =	stream.indirect.scatter.add.f32 [tilespmem:s19], [sflag:$0xB], $0x40, s12, s14, $0xb8;
	[tilespmem:$0x1E640] =	vst v63  }
0x85: {  	_ =	swait.ge [sflag:s16], $0x1F40  }
0x86: {  	[sflag:s16] =	ssyncset.done $0x0  }
0x87: {  	s12 =	sadd.s32 $0xC5C0, s10;
	[sflag:s16] =	ssyncadd.s32 $0xFFFFE0C0  }
0x88: {  	[spmem:s1] =	stream.indirect.scatter.add.f32 [tilespmem:s21], [sflag:$0xC], $0x40, s12, s14, $0xb8;
	[tilespmem:$0x1E640] =	vst v63  }
0x89: {  	_ =	swait.ge [sflag:s18], $0x1F40  }
0x8a: {  	[sflag:s18] =	ssyncset.done $0x0  }
0x8b: {  	s12 =	sadd.s32 $0xC640, s10;
	[sflag:s18] =	ssyncadd.s32 $0xFFFFE0C0  }
0x8c: {  	[spmem:s1] =	stream.indirect.scatter.add.f32 [tilespmem:s23], [sflag:$0xD], $0x40, s12, s14, $0xb8;
	[tilespmem:$0x1E640] =	vst v63  }
0x8d: {  	_ =	swait.ge [sflag:s20], $0x1F40  }
0x8e: {  	[sflag:s20] =	ssyncset.done $0x0  }
0x8f: {  	s12 =	sadd.s32 $0xC6C0, s10;
	[sflag:s20] =	ssyncadd.s32 $0xFFFFE0C0  }
0x90: {  	[spmem:s1] =	stream.indirect.scatter.add.f32 [tilespmem:s25], [sflag:$0xE], $0x40, s12, s14, $0xb8;
	[tilespmem:$0x1E640] =	vst v63  }
0x91: {  	_ =	swait.ge [sflag:s22], $0x1F40  }
0x92: {  	[sflag:s22] =	ssyncset.done $0x0  }
0x93: {  	s12 =	sadd.s32 $0xC740, s10;
	[sflag:s22] =	ssyncadd.s32 $0xFFFFE0C0  }
0x94: {  	[spmem:s1] =	stream.indirect.scatter.add.f32 [tilespmem:s28], [sflag:$0xF], $0x40, s12, s14, $0xb8;
	[tilespmem:$0x1E640] =	vst v63  }
0x95: {  	_ =	swait.ge [sflag:s24], $0x1F40  }
0x96: {  	[sflag:s24] =	ssyncset.done $0x0  }
0x97: {  	s12 =	sadd.s32 $0xC7C0, s10;
	[sflag:s24] =	ssyncadd.s32 $0xFFFFE0C0  }
0x98: {  	[spmem:s1] =	stream.indirect.scatter.add.f32 [tilespmem:s30], [sflag:$0x10], $0x40, s12, s14, $0xb8;
	[tilespmem:$0x1E640] =	vst v63  }
0x99: {  	_ =	swait.ge [sflag:s26], $0x1F40  }
0x9a: {  	[sflag:s26] =	ssyncset.done $0x0  }
0x9b: {  	s12 =	sadd.s32 $0xA040, s10;
	[sflag:s26] =	ssyncadd.s32 $0xFFFFE0C0  }
0x9c: {  	[tilespmem:s15], [sflag:$0x1] =	stream.indirect.gather [hbm4b:s4+s14], $0x40, s12, s14, $0xb8;
	[tilespmem:$0x1E640] =	vst v63  }
0x9d: {  	_ =	swait.ge [sflag:s29], $0x1F40  }
0x9e: {  	[sflag:s29] =	ssyncset.done $0x0  }
0x9f: {  	s12 =	sadd.s32 $0xA0C0, s10;
	[sflag:s29] =	ssyncadd.s32 $0xFFFFE0C0  }
0xa0: {  	[tilespmem:s17], [sflag:$0x2] =	stream.indirect.gather [hbm4b:s4+s14], $0x40, s12, s14, $0xb8;
	[tilespmem:$0x1E640] =	vst v63  }
0xa1: {  	_ =	swait.ge [sflag:s2], $0x1F40  }
0xa2: {  	[sflag:s2] =	ssyncset.done $0x0  }
0xa3: {  	s12 =	sadd.s32 $0xA140, s10;
	[sflag:s2] =	ssyncadd.s32 $0xFFFFE0C0  }
0xa4: {  	[tilespmem:s19], [sflag:$0x3] =	stream.indirect.gather [hbm4b:s4+s14], $0x40, s12, s14, $0xb8;
	[tilespmem:$0x1E640] =	vst v63  }
0xa5: {  	_ =	swait.ge [sflag:s3], $0x1F40  }
0xa6: {  	[sflag:s3] =	ssyncset.done $0x0  }
0xa7: {  	s12 =	sadd.s32 $0xA1C0, s10;
	[sflag:s3] =	ssyncadd.s32 $0xFFFFE0C0  }
0xa8: {  	[tilespmem:s21], [sflag:$0x4] =	stream.indirect.gather [hbm4b:s4+s14], $0x40, s12, s14, $0xb8;
	[tilespmem:$0x1E640] =	vst v63  }
0xa9: {  	_ =	swait.ge [sflag:s5], $0x1F40  }
0xaa: {  	[sflag:s5] =	ssyncset.done $0x0  }
0xab: {  	s12 =	sadd.s32 $0xA240, s10;
	[sflag:s5] =	ssyncadd.s32 $0xFFFFE0C0  }
0xac: {  	[tilespmem:s23], [sflag:$0x5] =	stream.indirect.gather [hbm4b:s4+s14], $0x40, s12, s14, $0xb8;
	[tilespmem:$0x1E640] =	vst v63  }
0xad: {  	_ =	swait.ge [sflag:s11], $0x1F40  }
0xae: {  	[sflag:s11] =	ssyncset.done $0x0  }
0xaf: {  	s12 =	sadd.s32 $0xA2C0, s10;
	[sflag:s11] =	ssyncadd.s32 $0xFFFFE0C0  }
0xb0: {  	[tilespmem:s25], [sflag:$0x6] =	stream.indirect.gather [hbm4b:s4+s14], $0x40, s12, s14, $0xb8;
	[tilespmem:$0x1E640] =	vst v63  }
0xb1: {  	_ =	swait.ge [sflag:s6], $0x1F40  }
0xb2: {  	[sflag:s6] =	ssyncset.done $0x0  }
.Ltmp0:
0xb3: {  	s12 =	sadd.s32 $0xA340, s10;
	[sflag:s6] =	ssyncadd.s32 $0xFFFFE0C0;
	(pc) =	sbr.rel @p0 .LBB2_2-.Ltmp0, $4  }
0xb4: {  	[tilespmem:s28], [sflag:$0x7] =	stream.indirect.gather [hbm4b:s4+s14], $0x40, s12, s14, $0xb8;
	[tilespmem:$0x1E640] =	vst v63  }
0xb5: {  	_ =	swait.ge [sflag:s7], $0x1F40  }
0xb6: {  	[sflag:s7] =	ssyncset.done $0x0  }
0xb7: {  	s10 =	sadd.s32 $0xA3C0, s10;
	[sflag:s7] =	ssyncadd.s32 $0xFFFFE0C0  }
0xb8: {  	[tilespmem:s30], [sflag:$0x8] =	stream.indirect.gather [hbm4b:s4+s14], $0x40, s10, s14, $0xb8;
	[tilespmem:$0x1E640] =	vst v63  }
0xb9: {  	_ =	swait.ge [sflag:s31], $0x1F40  }
0xba: {  	[sflag:s31] =	ssyncset.done $0x0  }
0xbb: {  	s8 =	simm.s32 $0xE840;
	[sflag:s31] =	ssyncadd.s32 $0xFFFFE0C0  }
0xbc: {  	[spmem:s1] =	stream.indirect.scatter.add.f32 [tilespmem:s15], [sflag:$0x9], $0x40, s8, s14, $0xb8;
	[tilespmem:$0x1E640] =	vst v63  }
0xbd: {  	_ =	swait.ge [sflag:s0], $0x1F40  }
0xbe: {  	[sflag:s0] =	ssyncset.done $0x0  }
0xbf: {  	s9 =	simm.s32 $0xE8C0;
	[sflag:s0] =	ssyncadd.s32 $0xFFFFE0C0  }
0xc0: {  	[spmem:s1] =	stream.indirect.scatter.add.f32 [tilespmem:s17], [sflag:$0xA], $0x40, s9, s14, $0xb8;
	[tilespmem:$0x1E640] =	vst v63  }
0xc1: {  	_ =	swait.ge [sflag:s13], $0x1F40  }
0xc2: {  	[sflag:s13] =	ssyncset.done $0x0  }
0xc3: {  	s10 =	simm.s32 $0xE940;
	[sflag:s13] =	ssyncadd.s32 $0xFFFFE0C0  }
0xc4: {  	[spmem:s1] =	stream.indirect.scatter.add.f32 [tilespmem:s19], [sflag:$0xB], $0x40, s10, s14, $0xb8;
	[tilespmem:$0x1E640] =	vst v63  }
0xc5: {  	_ =	swait.ge [sflag:s16], $0x1F40  }
0xc6: {  	[sflag:s16] =	ssyncset.done $0x0  }
0xc7: {  	s12 =	simm.s32 $0xE9C0;
	[sflag:s16] =	ssyncadd.s32 $0xFFFFE0C0  }
0xc8: {  	[spmem:s1] =	stream.indirect.scatter.add.f32 [tilespmem:s21], [sflag:$0xC], $0x40, s12, s14, $0xb8;
	[tilespmem:$0x1E640] =	vst v63  }
0xc9: {  	_ =	swait.ge [sflag:s18], $0x1F40  }
0xca: {  	[sflag:s18] =	ssyncset.done $0x0  }
0xcb: {  	s9 =	simm.s32 $0xEA40;
	[sflag:s18] =	ssyncadd.s32 $0xFFFFE0C0  }
0xcc: {  	[spmem:s1] =	stream.indirect.scatter.add.f32 [tilespmem:s23], [sflag:$0xD], $0x40, s9, s14, $0xb8;
	[tilespmem:$0x1E640] =	vst v63  }
0xcd: {  	_ =	swait.ge [sflag:s20], $0x1F40  }
0xce: {  	[sflag:s20] =	ssyncset.done $0x0  }
0xcf: {  	s10 =	simm.s32 $0xEAC0;
	[sflag:s20] =	ssyncadd.s32 $0xFFFFE0C0  }
0xd0: {  	[spmem:s1] =	stream.indirect.scatter.add.f32 [tilespmem:s25], [sflag:$0xE], $0x40, s10, s14, $0xb8;
	[tilespmem:$0x1E640] =	vst v63  }
0xd1: {  	_ =	swait.ge [sflag:s22], $0x1F40  }
0xd2: {  	[sflag:s22] =	ssyncset.done $0x0  }
0xd3: {  	s12 =	simm.s32 $0xEB40;
	[sflag:s22] =	ssyncadd.s32 $0xFFFFE0C0  }
0xd4: {  	[spmem:s1] =	stream.indirect.scatter.add.f32 [tilespmem:s28], [sflag:$0xF], $0x40, s12, s14, $0xb8;
	[tilespmem:$0x1E640] =	vst v63  }
0xd5: {  	_ =	swait.ge [sflag:s24], $0x1F40  }
0xd6: {  	[sflag:s24] =	ssyncset.done $0x0  }
0xd7: {  	s9 =	simm.s32 $0xEBC0;
	[sflag:s24] =	ssyncadd.s32 $0xFFFFE0C0  }
0xd8: {  	[spmem:s1] =	stream.indirect.scatter.add.f32 [tilespmem:s30], [sflag:$0x10], $0x40, s9, s14, $0xb8;
	[tilespmem:$0x1E640] =	vst v63  }
0xd9: {  	_ =	swait.ge [sflag:s26], $0x1F40  }
0xda: {  	[sflag:s26] =	ssyncset.done $0x0  }
0xdb: {  	[sflag:s26] =	ssyncadd.s32 $0xFFFFE0C0  }
0xdc: {  	_ =	swait.ge [sflag:s29], $0x1F40  }
0xdd: {  	[sflag:s29] =	ssyncset.done $0x0  }
0xde: {  	[sflag:s29] =	ssyncadd.s32 $0xFFFFE0C0  }
0xdf: {  	_ =	swait.ge [sflag:s2], $0x1F40  }
0xe0: {  	[sflag:s2] =	ssyncset.done $0x0  }
0xe1: {  	[sflag:s2] =	ssyncadd.s32 $0xFFFFE0C0  }
0xe2: {  	_ =	swait.ge [sflag:s3], $0x1F40  }
0xe3: {  	[sflag:s3] =	ssyncset.done $0x0  }
0xe4: {  	[sflag:s3] =	ssyncadd.s32 $0xFFFFE0C0  }
0xe5: {  	_ =	swait.ge [sflag:s5], $0x1F40  }
0xe6: {  	[sflag:s5] =	ssyncset.done $0x0  }
0xe7: {  	[sflag:s5] =	ssyncadd.s32 $0xFFFFE0C0  }
0xe8: {  	_ =	swait.ge [sflag:s11], $0x1F40  }
0xe9: {  	[sflag:s11] =	ssyncset.done $0x0  }
0xea: {  	[sflag:s11] =	ssyncadd.s32 $0xFFFFE0C0  }
0xeb: {  	_ =	swait.ge [sflag:s6], $0x1F40  }
0xec: {  	[sflag:s6] =	ssyncset.done $0x0  }
0xed: {  	[sflag:s6] =	ssyncadd.s32 $0xFFFFE0C0  }
0xee: {  	_ =	swait.ge [sflag:s7], $0x1F40  }
0xef: {  	[sflag:s7] =	ssyncset.done $0x0  }
0xf0: {  	[sflag:s7] =	ssyncadd.s32 $0xFFFFE0C0  }
0xf1: {  	[bflag:$0x0] =	sbarrier.arrive $0xFFFF  }
0xf2: {  	s9 =	rddreg [dreg:$0x7]  }
0xf3: {  	s10 =	rddreg [dreg:$0xa]  }
0xf4: {  	s8 =	simm.s32 $0x11;
	s12 =	rddreg [dreg:$0xb]  }
0xf5: {  	[hbm:s9@s7], [sflag:s10] =	dma.strided [spmem:s12@s24], $0x1388, s31, $0x8   }
0xf6: {  	_ =	swait.ge [sflag:s8], $0x1388  }
0xf7: {  	s9 =	rddreg [dreg:$0x9]  }
0xf8: {  	s12 =	rddreg [dreg:$0x8];
	s10 =	sadd.s32 $0x1, s9  }
0xf9: {  	p0 =	sne.s32 s10, s12  }
.Ltmp1:
0xfa: {  	_ = 	snop;
	(pc) =	sbr.rel @p0 .LBB2_1-.Ltmp1, $3  }
0xfb: {  	_ =	sdelay $0x1  }
0xfc: {  	[sflag:s8] =	ssyncset.done $0x0  }
0xfd: {  	[sflag:s8] =	ssyncadd.s32 $0xFFFFEC78  }
0xfe: {  	_ =	sfence.sel $0x180000  }
0xff: {  	[bflag:$0x0] =	sbarrier.arrive $0xFFFF  }
0x100: {  	_ =	strace $0x9000004A  }
0x101: {  	s0 =	stileid.u32;
	[bflag:$0x2] =	sbarrier.arrive $0xFFFF  }
0x102: {  	p0 =	sne.s32 s0, $0x0;
	s0 =	rddreg [dreg:$0x2]  }
0x103: {  	s0 =	sadd.s32 @!p0 $0x100000, s0  }
0x104: {  	[sflag:s0] =	ssyncadd.tile.s32 @!p0 $0x1;
	_ =	shalt  }
.Lfunc_end2:
_tile_overlayer_lowered:
.L_overlay_start_2:
0x105: {  	(tag) =	ssettag $0x2  }
0x106: {  	s0 =	rddreg [dreg:$0x0];
	s2 =	stileid.u32  }
0x107: {  	s1 =	rddreg [dreg:$0x1];
	p0 =	sne.s32 s2, $0x0  }
0x108: {  	s3 =	rddreg [dreg:$0x2];
	[bflag:$0x3] =	sbarrier.arrive $0xFFFF;
	s2 =	simm.s32 @!p0 $0x1C11  }
0x109: {  	[timem:s3], [sflag:s2] =	dma.local @!p0 [hbm:s0], s1  }
0x10a: {  	s0 =	simm.s32 @!p0 $0x11  }
0x10b: {  	_ =	swait.ge @!p0 [sflag:s0], s1  }
0x10c: {  	s1 =	ssub.s32 @!p0 $0x0, s1;
	[sflag:s0] =	ssyncset.done @!p0 $0x0  }
0x10d: {  	[sflag:s0] =	ssyncadd.s32 @!p0 s1  }
0x10e: {  	[bflag:$0x3] =	sbarrier.arrive $0xFFFF  }
0x10f: {  	_ =	shalt  }

// kernel: kernel.14.cloned.1.call-start
scs
__scs_entry_jumppad:
0x0: {  	(pc) =	sbr.rel $0x88, $3  }
0x1: {  	(tag) =	ssettag $0x0;
	lr =	simm.s32 $0x1  }
0x2: {  	[smem:$0x3F9B] =	sst lr;
	_ =	strace $0xD0000000  }
0x3: {  	_ = 	snop  }
0x4: {  	_ = 	snop  }
0x5: {  	_ = 	snop  }
0x6: {  	_ = 	snop  }
0x7: {  	_ = 	snop  }
__scs_overlays_trampoline_lowered:
0x8: {  	[smem:$0x3FAA] =	sst s0  }
0x9: {  	[smem:$0x3FAB] =	sst s1  }
0xa: {  	[smem:$0x3FAC] =	sst s2  }
0xb: {  	[smem:$0x3FAD] =	sst s3  }
0xc: {  	[smem:$0x3FAE] =	sst s4  }
0xd: {  	[smem:$0x3FAF] =	sst s5  }
0xe: {  	[smem:$0x3FB0] =	sst s6  }
0xf: {  	[smem:$0x3FB1] =	sst s7  }
0x10: {  	[smem:$0x3FB2] =	sst s8  }
0x11: {  	[smem:$0x3FB3] =	sst s9;
	s0 =	simm.s32 @!p0 $0x0  }
0x12: {  	s1 =	sld [smem:$0x3F99];
	s0 =	simm.s32 @p0 $0x1  }
0x13: {  	[smem:$0x3FB4] =	sst s0;
	s0 =	simm.s32 @!p1 $0x0  }
0x14: {  	s2 =	sld [smem:$0x3F98];
	s0 =	simm.s32 @p1 $0x1  }
0x15: {  	[smem:$0x3FB5] =	sst s0;
	s0 =	simm.s32 @!p2 $0x0  }
0x16: {  	s3 =	sld [smem:$0x3FDB];
	s0 =	simm.s32 @p2 $0x1  }
0x17: {  	s4 =	simm.s32 $0x1BF5;
	[smem:$0x3FB7] =	sst s0  }
0x18: {  	s0 =	sld [smem:$0x3F9A];
	_ =	swait.ge [sflag:s4], $0x0  }
0x19: {  	s7 =	sld [smem:$0x3F9B]  }
0x1a: {  	s8 =	sadd.s32 $0xFFFFE003, lr  }
0x1b: {  	s9 =	sadd.s32 $0xFFFFFEF7, lr;
	s5 =	simm.s32 $0xFFFFFFFF;
	p2 =	slt.u32 s8, $0xFFFFF086  }
0x1c: {  	p1 =	slt.u32 s9, $0xF7A;
	s5 =	simm.s32 @!p2 $0x0  }
0x1d: {  	s5 =	simm.s32 @p1 $0x1;
	p0 =	seq.s32 s7, s2  }
0x1e: {  	s7 =	smul.u32 @!p0 $0xF7A, s2;
	p2 =	seq.s32 @!p0 s5, $0x0  }
0x1f: {  	s9 =	smul.u32 $0xF7A, s1;
	s8 =	simm.s32 @!p0 $0x1BF5;
	p2 =	por !p2, p0  }
0x20: {  	[sflag:s8] =	ssyncset.s32 @!p0 $0xFFFFF086;
	s6 =	sadd.s32 @!p0 s3, s7;
	s7 =	simm.s32 @!p0 $0x108  }
0x21: {  	s3 =	sadd.s32 s3, s9;
	s6 =	sadd.s32 @!p0 $0x88, s6;
	s7 =	simm.s32 @p2 $0x1082  }
0x22: {  	[simem:s7], [sflag:s8] =	dma.local @!p0 [hbm:s6], $0xF7A  }
0x23: {  	s9 =	sor.u32 $0xD0000000, s2;
	s6 =	simm.s32 $0x108;
	_ =	swait.ge @!p0 [sflag:s8], $0x0  }
0x24: {  	s3 =	sadd.s32 $0x88, s3;
	s6 =	simm.s32 @!p1 $0x1082;
	[sflag:s4] =	ssyncset.s32 $0xFFFFF086  }
0x25: {  	[simem:s6], [sflag:s4] =	dma.local [hbm:s3], $0xF7A  }
0x26: {  	[smem:$0x3F9B] =	sst s1;
	(tag) =	ssettag s2;
	_ =	strace s9  }
0x27: {  	s1 =	sld [smem:$0x3FAB]  }
0x28: {  	s2 =	sld [smem:$0x3FAC]  }
0x29: {  	s4 =	sld [smem:$0x3FAE]  }
0x2a: {  	p0 =	seq.s32 s5, $0x0;
	s5 =	sld [smem:$0x3FAF]  }
0x2b: {  	s6 =	sld [smem:$0x3FB0]  }
0x2c: {  	s7 =	sld [smem:$0x3FB1]  }
0x2d: {  	s3 =	simm.s32 $0x108;
	s8 =	sld [smem:$0x3FB2]  }
0x2e: {  	s3 =	simm.s32 @!p0 $0x1082;
	s9 =	sld [smem:$0x3FB3]  }
0x2f: {  	lr =	sadd.s32 s0, s3;
	s0 =	sld [smem:$0x3FAA]  }
0x30: {  	s3 =	sld [smem:$0x3FAD]  }
0x31: {  	[smem:$0x3FB6] =	sst s10  }
0x32: {  	s10 =	sld [smem:$0x3FB4];
	_ =	sdelay $0x3  }
0x33: {  	p0 =	seq.s32 s10, $0x1;
	s10 =	sld [smem:$0x3FB6];
	_ =	sdelay $0x3  }
0x34: {  	[smem:$0x3FB6] =	sst s10  }
0x35: {  	s10 =	sld [smem:$0x3FB5];
	_ =	sdelay $0x3  }
0x36: {  	p1 =	seq.s32 s10, $0x1;
	s10 =	sld [smem:$0x3FB6];
	_ =	sdelay $0x3  }
0x37: {  	[smem:$0x3FB6] =	sst s10  }
0x38: {  	s10 =	sld [smem:$0x3FB7]  }
0x39: {  	_ = 	snop;
	(pc) =	sbr.ind lr, $3  }
0x3a: {  	_ = 	snop  }
0x3b: {  	_ = 	snop  }
0x3c: {  	p2 =	seq.s32 s10, $0x1;
	s10 =	sld [smem:$0x3FB6]  }
0x3d: {  	_ =	shalt  }
0x3e: {  	_ =	shalt  }
0x3f: {  	_ =	shalt  }
0x40: {  	_ =	shalt  }
0x41: {  	_ =	shalt  }
0x42: {  	_ =	shalt  }
0x43: {  	_ =	shalt  }
0x44: {  	_ =	shalt  }
0x45: {  	_ =	shalt  }
0x46: {  	_ =	shalt  }
0x47: {  	_ =	shalt  }
0x48: {  	_ =	shalt  }
0x49: {  	_ =	shalt  }
0x4a: {  	_ =	shalt  }
0x4b: {  	_ =	shalt  }
0x4c: {  	_ =	shalt  }
0x4d: {  	_ =	shalt  }
0x4e: {  	_ =	shalt  }
0x4f: {  	_ =	shalt  }
0x50: {  	_ =	shalt  }
0x51: {  	_ =	shalt  }
0x52: {  	_ =	shalt  }
0x53: {  	_ =	shalt  }
0x54: {  	_ =	shalt  }
0x55: {  	_ =	shalt  }
0x56: {  	_ =	shalt  }
0x57: {  	_ =	shalt  }
0x58: {  	_ =	shalt  }
0x59: {  	_ =	shalt  }
0x5a: {  	_ =	shalt  }
0x5b: {  	_ =	shalt  }
0x5c: {  	_ =	shalt  }
0x5d: {  	_ =	shalt  }
0x5e: {  	_ =	shalt  }
0x5f: {  	_ =	shalt  }
0x60: {  	_ =	shalt  }
0x61: {  	_ =	shalt  }
0x62: {  	_ =	shalt  }
0x63: {  	_ =	shalt  }
0x64: {  	_ =	shalt  }
0x65: {  	_ =	shalt  }
0x66: {  	_ =	shalt  }
0x67: {  	_ =	shalt  }
0x68: {  	_ =	shalt  }
0x69: {  	_ =	shalt  }
0x6a: {  	_ =	shalt  }
0x6b: {  	_ =	shalt  }
0x6c: {  	_ =	shalt  }
0x6d: {  	_ =	shalt  }
0x6e: {  	_ =	shalt  }
0x6f: {  	_ =	shalt  }
0x70: {  	_ =	shalt  }
0x71: {  	_ =	shalt  }
0x72: {  	_ =	shalt  }
0x73: {  	_ =	shalt  }
0x74: {  	_ =	shalt  }
0x75: {  	_ =	shalt  }
0x76: {  	_ =	shalt  }
0x77: {  	_ =	shalt  }
0x78: {  	_ =	shalt  }
0x79: {  	_ =	shalt  }
0x7a: {  	_ =	shalt  }
0x7b: {  	_ =	shalt  }
0x7c: {  	_ =	shalt  }
0x7d: {  	_ =	shalt  }
0x7e: {  	_ =	shalt  }
0x7f: {  	_ =	shalt  }
0x80: {  	_ =	shalt  }
0x81: {  	_ =	shalt  }
0x82: {  	_ =	shalt  }
0x83: {  	_ =	shalt  }
0x84: {  	_ =	shalt  }
0x85: {  	_ =	shalt  }
0x86: {  	_ =	shalt  }
0x87: {  	_ =	shalt  }
.Lfunc_end0:
.L_simem_size_0:
called_computation.2_lowered:
.L_overlay_start_0:
0x88: {  	s2 =	sld [smem:$0x3FD9]  }
0x89: {  	s3 =	sld [smem:$0x3FFE];
	_ =	sdelay $0x1  }
0x8a: {  	s1 =	srdreg.scid  }
0x8b: {  	s0 =	sand.u32 $0x1, s1  }
0x8c: {  	s17 =	sshll.u32 s0, $0xA;
	s2 =	sadd.s32 s3, s2  }
0x8d: {  	s2 =	sadd.s32 s2, s17  }
0x8e: {  	[smem:$0x3FC2] =	sst s2  }
0x8f: {  	_ = 	snop  }
0x90: {  	s2 =	sld [smem:$0x3FD0];
	(tm) =	ssettm $0x1  }
0x91: {  	s18 =	sld [smem:$0x3FFB];
	_ =	sdelay $0x3  }
0x92: {  	_ =	strace s18  }
0x93: {  	s3 =	sld [smem:$0x3FFC];
	_ =	sdelay $0x3  }
0x94: {  	_ =	strace s3  }
0x95: {  	s3 =	sld [smem:$0x3FFD];
	_ =	sdelay $0x3  }
0x96: {  	_ =	strace s3  }
0x97: {  	_ =	strace $0x8FFFFFFF  }
0x98: {  	s19 =	sld [smem:$0x3FDB];
	_ =	sdelay $0x1  }
0x99: {  	s4 =	simm.s32 $_scs_section_size  }
0x9a: {  	s5 =	simm.s32 $_size__tile_overlayer_lowered;
	s6 =	simm.s32 $_tile_overlayer_lowered  }
0x9b: {  	s22 =	simm.s32 $0x1BFF;
	s21 =	sshll.u32 s6, $0x1;
	s3 =	sadd.s32 s4, s19  }
0x9c: {  	s7 =	simm.s32 $0x0;
	s20 =	sshll.u32 s5, $0x1;
	s5 =	sadd.s32 s21, s3  }
0x9d: {  	[timem:s7], [sflag:s22] =	dma.local [hbm:s5], s20  }
0x9e: {  	_ =	swait.ge [sflag:s22], s20  }
0x9f: {  	s4 =	ssub.s32 $0x0, s20;
	[sflag:s22] =	ssyncset.done $0x0  }
0xa0: {  	[sflag:s22] =	ssyncadd.s32 s4;
	_ =	sdelay $0x1  }
0xa1: {  	s23 =	simm.s32 $0x1B8B  }
0xa2: {  	_ =	swait.ge [sflag:s23], $0x1  }
0xa3: {  	[sflag:s23] =	ssyncset.done $0x0  }
0xa4: {  	s25 =	simm.s32 $0x1B8E;
	s24 =	sld [smem:$0x3FFE];
	[sflag:s23] =	ssyncadd.s32 $0xFFFFFFFF  }
0xa5: {  	s26 =	simm.s32 $execute0_lowered;
	[smem:$0x3FD2] =	sst s25  }
0xa6: {  	s5 =	sshll.u32 s26, $0x1;
	_ =	strace $0x8000004C;
	[dreg:$0x1] =	wrdreg $0xFFFFFFFF  }
0xa7: {  	s28 =	simm.s32 $_size_execute0_lowered;
	s3 =	sadd.s32 s3, s5;
	[dreg:$0x0] =	wrdreg $0x0  }
0xa8: {  	s5 =	sshll.u32 s28, $0x1;
	[dreg:$0x2] =	wrdreg s3  }
0xa9: {  	[dreg:$0x3] =	wrdreg s5  }
0xaa: {  	[dreg:$0x4] =	wrdreg $0xC0  }
0xab: {  	_ =	task [dreg:s7], $0x5FFFF  }
0xac: {  	[dreg:$0x1] =	wrdreg $0xFFFFFFFF  }
0xad: {  	[dreg:$0x0] =	wrdreg $0x60  }
0xae: {  	[dreg:$0x2] =	wrdreg s2  }
0xaf: {  	[dreg:$0x3] =	wrdreg s24  }
0xb0: {  	[dreg:$0x4] =	wrdreg $0x0  }
0xb1: {  	[dreg:$0x5] =	wrdreg $0x9  }
0xb2: {  	_ =	task.clear_ibuf [dreg:s7], $0x6FFFF;
	_ =	strace $0x9000004C  }
0xb3: {  	s29 =	simm.s32 $0x9;
	_ =	strace $0x8000004E  }
0xb4: {  	_ =	swait.ge [sflag:s29], $0x1  }
0xb5: {  	[sflag:s29] =	ssyncadd.s32 $0xFFFFFFFF  }
0xb6: {  	_ =	strace $0x9000004E  }
0xb7: {  	_ =	sfence  }
0xb8: {  	s30 =	sld [smem:$0x0];
	_ =	sdelay $0x2  }
0xb9: {  	s31 =	sshll.u32 s1, $0xD;
	s1 =	sshrl.u32 s1, $0x2  }
0xba: {  	s3 =	sand.u32 $0x4000, s31;
	s1 =	sadd.s32 s1, s30  }
0xbb: {  	s0 =	sor.u32 s3, s0;
	s1 =	sshll.u32 s1, $0x11  }
0xbc: {  	s0 =	sor.u32 s1, s0  }
0xbd: {  	s0 =	sadd.s32 $0x8F2B, s0  }
0xbe: {  	[sflag:s0] =	ssyncadd.remote.s32 $0x1  }
0xbf: {  	_ =	sfence.sel $0xFFFF  }
0xc0: {  	[dreg:$0x0] =	wrdreg $0xFFFFFFFF;
	(pc) =	sbr.abs _section_cstart, $3  }
0xc1: {  	[dreg:$0x1] =	wrdreg $0xFFFFFFFF  }
0xc2: {  	_ =	task.clear_ibuf [dreg:s7], $0x2FFFF;
	_ =	strace $0x9FFFFFFF  }
0xc3: {  	(tm) =	ssettm $0x7FFFFFFF  }
tec
execute0_lowered:
.L_overlay_start_1:
0x0: {  	(tag) =	ssettag $0x1  }
0x1: {  	s1 =	rddreg [dreg:$0x0]  }
0x2: {  	s0 =	rddreg [dreg:$0x1]  }
0x3: {  	s2 =	rddreg [dreg:$0x2];
	s3 =	simm.s32 $0x0  }
0x4: {  	s21 =	srdreg.scid;
	s7 =	stileid.u32;
	s14 =	simm.s32 $0x7D  }
0x5: {  	s15 =	simm.s32 $0x9E20;
	s17 =	simm.s32 $0xADC0;
	s19 =	simm.s32 $0xBD60  }
0x6: {  	s28 =	simm.s32 $0xFBE0;
	s30 =	simm.s32 $0x10B80;
	s31 =	simm.s32 $0x1  }
0x7: {  	s13 =	simm.s32 $0x3;
	s16 =	simm.s32 $0x4;
	s18 =	simm.s32 $0x5  }
0x8: {  	s20 =	simm.s32 $0x6;
	s29 =	simm.s32 $0xA;
	s11 =	simm.s32 $0xE  }
0x9: {  	s10 =	simm.s32 $0x0;
	[smem:$0x7FF] =	sst s3;
	s5 =	smul.u32 $0x13880, s7  }
0xa: {  	s3 =	sand.u32 $0x1, s21;
	s4 =	sshll.u32 s7, $0x1;
	s7 =	smul.u32 $0x4E20, s7  }
0xb: {  	s21 =	simm.s32 $0xCD00;
	_ =	strace $0x8000004D;
	s4 =	sor.u32 s3, s4  }
0xc: {  	s6 =	sshll.u32 s3, $0x5;
	s3 =	ssub.s32 $0x2, s3;
	s4 =	smul.u32 $0x500, s4  }
0xd: {  	s5 =	sor.u32 s6, s5;
	s22 =	sshrl.u32 s3, $0x1;
	s24 =	sshrl.u32 s7, $0x3  }
0xe: {  	s25 =	sadd.s32 s7, s2;
	s6 =	simm.s32 $0xF;
	s7 =	simm.s32 $0x10  }
0xf: {  	s5 =	sshrl.u32 s5, $0x3;
	s3 =	ssub.s32 s3, s22;
	[dreg:$0x6] =	wrdreg s25  }
0x10: {  	s25 =	simm.s32 $0xEC40;
	s22 =	simm.s32 $0x7;
	s4 =	sadd.s32 s4, s0  }
0x11: {  	s0 =	sadd.s32 s5, s0;
	s26 =	smax.u32 s3, $0x1;
	s3 =	simm.s32 $0xB  }
0x12: {  	s5 =	simm.s32 $0xD;
	s23 =	sadd.s32 $0x33A00, s4;
	[dreg:$0x9] =	wrdreg s26  }
0x13: {  	s4 =	sadd.s32 $0x2600, s4;
	s0 =	sadd.s32 $0xC600, s0;
	[dreg:$0x4] =	wrdreg s23  }
0x14: {  	s26 =	simm.s32 $0x9;
	[dreg:$0x5] =	wrdreg s4;
	s4 =	sadd.s32 s1, s24  }
0x15: {  	[dreg:$0x8] =	wrdreg s0;
	s23 =	simm.s32 $0xDCA0;
	s0 =	simm.s32 $0x2  }
0x16: {  	s24 =	simm.s32 $0x8;
	[dreg:$0x7] =	wrdreg s4;
	s4 =	simm.s32 $0xC  }
.LBB2_1:
0x17: {  	[dreg:$0xa] =	wrdreg s10;
	s9 =	simm.s32 $0x0  }
0x18: {  	s8 =	simm.s32 $0x11;
	s10 =	rddreg [dreg:$0x4];
	s12 =	simm.s32 $0x4E20  }
0x19: {  	[tilespmem:s12], [sflag:$0x11] =	stream.linear.gather [hbm4b:s10+s9], $0x2800, $0x38;
	[tilespmem:$0x11B20] =	vst v63  }
0x1a: {  	_ =	swait.ge [sflag:s8], $0x2800  }
0x1b: {  	[sflag:s8] =	ssyncset.done $0x0  }
0x1c: {  	s12 =	simm.s32 $0x7620;
	s10 =	rddreg [dreg:$0x5];
	[sflag:s8] =	ssyncadd.s32 $0xFFFFD800  }
0x1d: {  	[tilespmem:s12], [sflag:$0x11] =	stream.linear.gather [hbm4b:s10+s9], $0x2800, $0x38;
	[tilespmem:$0x11B20] =	vst v63  }
0x1e: {  	_ =	swait.ge [sflag:s8], $0x2800  }
0x1f: {  	[sflag:s8] =	ssyncset.done $0x0  }
0x20: {  	s10 =	simm.s32 $0x4E20;
	[sflag:s8] =	ssyncadd.s32 $0xFFFFD800  }
0x21: {  	[tilespmem:s15], [sflag:$0x1] =	stream.indirect.gather [hbm4b:s1+s14], $0x20, s10, s14, $0xb8;
	[tilespmem:$0x11B20] =	vst v63  }
0x22: {  	s12 =	simm.s32 $0x4EA0  }
0x23: {  	[tilespmem:s17], [sflag:$0x2] =	stream.indirect.gather [hbm4b:s1+s14], $0x20, s12, s14, $0xb8;
	[tilespmem:$0x11B20] =	vst v63  }
0x24: {  	s10 =	simm.s32 $0x4F20  }
0x25: {  	[tilespmem:s19], [sflag:$0x3] =	stream.indirect.gather [hbm4b:s1+s14], $0x20, s10, s14, $0xb8;
	[tilespmem:$0x11B20] =	vst v63  }
0x26: {  	s12 =	simm.s32 $0x4FA0  }
0x27: {  	[tilespmem:s21], [sflag:$0x4] =	stream.indirect.gather [hbm4b:s1+s14], $0x20, s12, s14, $0xb8;
	[tilespmem:$0x11B20] =	vst v63  }
0x28: {  	s10 =	simm.s32 $0x5020  }
0x29: {  	[tilespmem:s23], [sflag:$0x5] =	stream.indirect.gather [hbm4b:s1+s14], $0x20, s10, s14, $0xb8;
	[tilespmem:$0x11B20] =	vst v63  }
0x2a: {  	s12 =	simm.s32 $0x50A0  }
0x2b: {  	[tilespmem:s25], [sflag:$0x6] =	stream.indirect.gather [hbm4b:s1+s14], $0x20, s12, s14, $0xb8;
	[tilespmem:$0x11B20] =	vst v63  }
0x2c: {  	s10 =	simm.s32 $0x5120  }
0x2d: {  	[tilespmem:s28], [sflag:$0x7] =	stream.indirect.gather [hbm4b:s1+s14], $0x20, s10, s14, $0xb8;
	[tilespmem:$0x11B20] =	vst v63  }
0x2e: {  	s12 =	simm.s32 $0x51A0;
	s10 =	stileid.u32  }
0x2f: {  	[tilespmem:s30], [sflag:$0x8] =	stream.indirect.gather [hbm4b:s1+s14], $0x20, s12, s14, $0xb8;
	[tilespmem:$0x11B20] =	vst v63  }
0x30: {  	s9 =	sshll.u32 s10, $0x6;
	s12 =	rddreg [dreg:$0x6]  }
0x31: {  	s10 =	sor.u32 $0x1C11, s9;
	s9 =	rddreg [dreg:$0x7]  }
0x32: {  	s12 =	sshrl.u32 s12, $0x3;
	[dreg:$0xb] =	wrdreg s10  }
0x33: {  	[dreg:$0xc] =	wrdreg s12  }
0x34: {  	[spmem:s12], [sflag:s10] =	dma.local [hbm:s9], $0x9C4  }
0x35: {  	_ =	swait.ge [sflag:s8], $0x9C4  }
0x36: {  	[sflag:s8] =	ssyncset.done $0x0  }
0x37: {  	[sflag:s8] =	ssyncadd.s32 $0xFFFFF63C  }
0x38: {  	[bflag:$0x0] =	sbarrier.arrive $0xFFFF  }
0x39: {  	_ =	swait.ge [sflag:s31], $0xFA0  }
0x3a: {  	[sflag:s31] =	ssyncset.done $0x0  }
0x3b: {  	s8 =	simm.s32 $0x7620;
	[sflag:s31] =	ssyncadd.s32 $0xFFFFF060  }
0x3c: {  	[spmem:s2] =	stream.indirect.scatter.add.f32 [tilespmem:s15], [sflag:$0x9], $0x20, s8, s14, $0xb8;
	[tilespmem:$0x11B20] =	vst v63  }
0x3d: {  	_ =	swait.ge [sflag:s0], $0xFA0  }
0x3e: {  	[sflag:s0] =	ssyncset.done $0x0  }
0x3f: {  	s10 =	simm.s32 $0x76A0;
	[sflag:s0] =	ssyncadd.s32 $0xFFFFF060  }
0x40: {  	[spmem:s2] =	stream.indirect.scatter.add.f32 [tilespmem:s17], [sflag:$0xA], $0x20, s10, s14, $0xb8;
	[tilespmem:$0x11B20] =	vst v63  }
0x41: {  	_ =	swait.ge [sflag:s13], $0xFA0  }
0x42: {  	[sflag:s13] =	ssyncset.done $0x0  }
0x43: {  	s12 =	simm.s32 $0x7720;
	[sflag:s13] =	ssyncadd.s32 $0xFFFFF060  }
0x44: {  	[spmem:s2] =	stream.indirect.scatter.add.f32 [tilespmem:s19], [sflag:$0xB], $0x20, s12, s14, $0xb8;
	[tilespmem:$0x11B20] =	vst v63  }
0x45: {  	_ =	swait.ge [sflag:s16], $0xFA0  }
0x46: {  	[sflag:s16] =	ssyncset.done $0x0  }
0x47: {  	s8 =	simm.s32 $0x77A0;
	[sflag:s16] =	ssyncadd.s32 $0xFFFFF060  }
0x48: {  	[spmem:s2] =	stream.indirect.scatter.add.f32 [tilespmem:s21], [sflag:$0xC], $0x20, s8, s14, $0xb8;
	[tilespmem:$0x11B20] =	vst v63  }
0x49: {  	_ =	swait.ge [sflag:s18], $0xFA0  }
0x4a: {  	[sflag:s18] =	ssyncset.done $0x0  }
0x4b: {  	s10 =	simm.s32 $0x7820;
	[sflag:s18] =	ssyncadd.s32 $0xFFFFF060  }
0x4c: {  	[spmem:s2] =	stream.indirect.scatter.add.f32 [tilespmem:s23], [sflag:$0xD], $0x20, s10, s14, $0xb8;
	[tilespmem:$0x11B20] =	vst v63  }
0x4d: {  	_ =	swait.ge [sflag:s20], $0xFA0  }
0x4e: {  	[sflag:s20] =	ssyncset.done $0x0  }
0x4f: {  	s12 =	simm.s32 $0x78A0;
	[sflag:s20] =	ssyncadd.s32 $0xFFFFF060  }
0x50: {  	[spmem:s2] =	stream.indirect.scatter.add.f32 [tilespmem:s25], [sflag:$0xE], $0x20, s12, s14, $0xb8;
	[tilespmem:$0x11B20] =	vst v63  }
0x51: {  	_ =	swait.ge [sflag:s22], $0xFA0  }
0x52: {  	[sflag:s22] =	ssyncset.done $0x0  }
0x53: {  	s8 =	simm.s32 $0x7920;
	[sflag:s22] =	ssyncadd.s32 $0xFFFFF060  }
0x54: {  	[spmem:s2] =	stream.indirect.scatter.add.f32 [tilespmem:s28], [sflag:$0xF], $0x20, s8, s14, $0xb8;
	[tilespmem:$0x11B20] =	vst v63  }
0x55: {  	_ =	swait.ge [sflag:s24], $0xFA0  }
0x56: {  	[sflag:s24] =	ssyncset.done $0x0  }
0x57: {  	s10 =	simm.s32 $0x79A0;
	[sflag:s24] =	ssyncadd.s32 $0xFFFFF060  }
0x58: {  	[spmem:s2] =	stream.indirect.scatter.add.f32 [tilespmem:s30], [sflag:$0x10], $0x20, s10, s14, $0xb8;
	[tilespmem:$0x11B20] =	vst v63  }
0x59: {  	_ =	swait.ge [sflag:s26], $0xFA0  }
0x5a: {  	[sflag:s26] =	ssyncset.done $0x0  }
0x5b: {  	s12 =	simm.s32 $0x5220;
	[sflag:s26] =	ssyncadd.s32 $0xFFFFF060  }
0x5c: {  	[tilespmem:s15], [sflag:$0x1] =	stream.indirect.gather [hbm4b:s1+s14], $0x20, s12, s14, $0xb8;
	[tilespmem:$0x11B20] =	vst v63  }
0x5d: {  	_ =	swait.ge [sflag:s29], $0xFA0  }
0x5e: {  	[sflag:s29] =	ssyncset.done $0x0  }
0x5f: {  	s8 =	simm.s32 $0x52A0;
	[sflag:s29] =	ssyncadd.s32 $0xFFFFF060  }
0x60: {  	[tilespmem:s17], [sflag:$0x2] =	stream.indirect.gather [hbm4b:s1+s14], $0x20, s8, s14, $0xb8;
	[tilespmem:$0x11B20] =	vst v63  }
0x61: {  	_ =	swait.ge [sflag:s3], $0xFA0  }
0x62: {  	[sflag:s3] =	ssyncset.done $0x0  }
0x63: {  	s10 =	simm.s32 $0x5320;
	[sflag:s3] =	ssyncadd.s32 $0xFFFFF060  }
0x64: {  	[tilespmem:s19], [sflag:$0x3] =	stream.indirect.gather [hbm4b:s1+s14], $0x20, s10, s14, $0xb8;
	[tilespmem:$0x11B20] =	vst v63  }
0x65: {  	_ =	swait.ge [sflag:s4], $0xFA0  }
0x66: {  	[sflag:s4] =	ssyncset.done $0x0  }
0x67: {  	s12 =	simm.s32 $0x53A0;
	[sflag:s4] =	ssyncadd.s32 $0xFFFFF060  }
0x68: {  	[tilespmem:s21], [sflag:$0x4] =	stream.indirect.gather [hbm4b:s1+s14], $0x20, s12, s14, $0xb8;
	[tilespmem:$0x11B20] =	vst v63  }
0x69: {  	_ =	swait.ge [sflag:s5], $0xFA0  }
0x6a: {  	[sflag:s5] =	ssyncset.done $0x0  }
0x6b: {  	s8 =	simm.s32 $0x5420;
	[sflag:s5] =	ssyncadd.s32 $0xFFFFF060  }
0x6c: {  	[tilespmem:s23], [sflag:$0x5] =	stream.indirect.gather [hbm4b:s1+s14], $0x20, s8, s14, $0xb8;
	[tilespmem:$0x11B20] =	vst v63  }
0x6d: {  	_ =	swait.ge [sflag:s11], $0xFA0  }
0x6e: {  	[sflag:s11] =	ssyncset.done $0x0  }
0x6f: {  	s10 =	simm.s32 $0x54A0;
	[sflag:s11] =	ssyncadd.s32 $0xFFFFF060  }
0x70: {  	[tilespmem:s25], [sflag:$0x6] =	stream.indirect.gather [hbm4b:s1+s14], $0x20, s10, s14, $0xb8;
	[tilespmem:$0x11B20] =	vst v63  }
0x71: {  	_ =	swait.ge [sflag:s6], $0xFA0  }
0x72: {  	[sflag:s6] =	ssyncset.done $0x0  }
0x73: {  	s12 =	simm.s32 $0x5520;
	[sflag:s6] =	ssyncadd.s32 $0xFFFFF060  }
0x74: {  	[tilespmem:s28], [sflag:$0x7] =	stream.indirect.gather [hbm4b:s1+s14], $0x20, s12, s14, $0xb8;
	[tilespmem:$0x11B20] =	vst v63  }
0x75: {  	_ =	swait.ge [sflag:s7], $0xFA0  }
0x76: {  	[sflag:s7] =	ssyncset.done $0x0  }
0x77: {  	s9 =	simm.s32 $0x1000;
	s10 =	simm.s32 $0x55A0;
	[sflag:s7] =	ssyncadd.s32 $0xFFFFF060  }
.LBB2_2:
0x78: {  	[tilespmem:s30], [sflag:$0x8] =	stream.indirect.gather [hbm4b:s1+s14], $0x20, s10, s14, $0xb8;
	[tilespmem:$0x11B20] =	vst v63  }
0x79: {  	s10 =	smov.u32 s9  }
0x7a: {  	p0 =	sne.s32 s9, $0x8000;
	s9 =	sadd.s32 $0x1000, s9;
	_ =	swait.ge [sflag:s31], $0xFA0  }
0x7b: {  	s10 =	sshra.s32 s10, $0x2;
	[sflag:s31] =	ssyncset.done $0x0  }
0x7c: {  	s12 =	sadd.s32 $0x7620, s10;
	[sflag:s31] =	ssyncadd.s32 $0xFFFFF060  }
0x7d: {  	[spmem:s2] =	stream.indirect.scatter.add.f32 [tilespmem:s15], [sflag:$0x9], $0x20, s12, s14, $0xb8;
	[tilespmem:$0x11B20] =	vst v63  }
0x7e: {  	_ =	swait.ge [sflag:s0], $0xFA0  }
0x7f: {  	[sflag:s0] =	ssyncset.done $0x0  }
0x80: {  	s12 =	sadd.s32 $0x76A0, s10;
	[sflag:s0] =	ssyncadd.s32 $0xFFFFF060  }
0x81: {  	[spmem:s2] =	stream.indirect.scatter.add.f32 [tilespmem:s17], [sflag:$0xA], $0x20, s12, s14, $0xb8;
	[tilespmem:$0x11B20] =	vst v63  }
0x82: {  	_ =	swait.ge [sflag:s13], $0xFA0  }
0x83: {  	[sflag:s13] =	ssyncset.done $0x0  }
0x84: {  	s12 =	sadd.s32 $0x7720, s10;
	[sflag:s13] =	ssyncadd.s32 $0xFFFFF060  }
0x85: {  	[spmem:s2] =	stream.indirect.scatter.add.f32 [tilespmem:s19], [sflag:$0xB], $0x20, s12, s14, $0xb8;
	[tilespmem:$0x11B20] =	vst v63  }
0x86: {  	_ =	swait.ge [sflag:s16], $0xFA0  }
0x87: {  	[sflag:s16] =	ssyncset.done $0x0  }
0x88: {  	s12 =	sadd.s32 $0x77A0, s10;
	[sflag:s16] =	ssyncadd.s32 $0xFFFFF060  }
0x89: {  	[spmem:s2] =	stream.indirect.scatter.add.f32 [tilespmem:s21], [sflag:$0xC], $0x20, s12, s14, $0xb8;
	[tilespmem:$0x11B20] =	vst v63  }
0x8a: {  	_ =	swait.ge [sflag:s18], $0xFA0  }
0x8b: {  	[sflag:s18] =	ssyncset.done $0x0  }
0x8c: {  	s12 =	sadd.s32 $0x7820, s10;
	[sflag:s18] =	ssyncadd.s32 $0xFFFFF060  }
0x8d: {  	[spmem:s2] =	stream.indirect.scatter.add.f32 [tilespmem:s23], [sflag:$0xD], $0x20, s12, s14, $0xb8;
	[tilespmem:$0x11B20] =	vst v63  }
0x8e: {  	_ =	swait.ge [sflag:s20], $0xFA0  }
0x8f: {  	[sflag:s20] =	ssyncset.done $0x0  }
0x90: {  	s12 =	sadd.s32 $0x78A0, s10;
	[sflag:s20] =	ssyncadd.s32 $0xFFFFF060  }
0x91: {  	[spmem:s2] =	stream.indirect.scatter.add.f32 [tilespmem:s25], [sflag:$0xE], $0x20, s12, s14, $0xb8;
	[tilespmem:$0x11B20] =	vst v63  }
0x92: {  	_ =	swait.ge [sflag:s22], $0xFA0  }
0x93: {  	[sflag:s22] =	ssyncset.done $0x0  }
0x94: {  	s12 =	sadd.s32 $0x7920, s10;
	[sflag:s22] =	ssyncadd.s32 $0xFFFFF060  }
0x95: {  	[spmem:s2] =	stream.indirect.scatter.add.f32 [tilespmem:s28], [sflag:$0xF], $0x20, s12, s14, $0xb8;
	[tilespmem:$0x11B20] =	vst v63  }
0x96: {  	_ =	swait.ge [sflag:s24], $0xFA0  }
0x97: {  	[sflag:s24] =	ssyncset.done $0x0  }
0x98: {  	s12 =	sadd.s32 $0x79A0, s10;
	[sflag:s24] =	ssyncadd.s32 $0xFFFFF060  }
0x99: {  	[spmem:s2] =	stream.indirect.scatter.add.f32 [tilespmem:s30], [sflag:$0x10], $0x20, s12, s14, $0xb8;
	[tilespmem:$0x11B20] =	vst v63  }
0x9a: {  	_ =	swait.ge [sflag:s26], $0xFA0  }
0x9b: {  	[sflag:s26] =	ssyncset.done $0x0  }
0x9c: {  	s12 =	sadd.s32 $0x5220, s10;
	[sflag:s26] =	ssyncadd.s32 $0xFFFFF060  }
0x9d: {  	[tilespmem:s15], [sflag:$0x1] =	stream.indirect.gather [hbm4b:s1+s14], $0x20, s12, s14, $0xb8;
	[tilespmem:$0x11B20] =	vst v63  }
0x9e: {  	_ =	swait.ge [sflag:s29], $0xFA0  }
0x9f: {  	[sflag:s29] =	ssyncset.done $0x0  }
0xa0: {  	s12 =	sadd.s32 $0x52A0, s10;
	[sflag:s29] =	ssyncadd.s32 $0xFFFFF060  }
0xa1: {  	[tilespmem:s17], [sflag:$0x2] =	stream.indirect.gather [hbm4b:s1+s14], $0x20, s12, s14, $0xb8;
	[tilespmem:$0x11B20] =	vst v63  }
0xa2: {  	_ =	swait.ge [sflag:s3], $0xFA0  }
0xa3: {  	[sflag:s3] =	ssyncset.done $0x0  }
0xa4: {  	s12 =	sadd.s32 $0x5320, s10;
	[sflag:s3] =	ssyncadd.s32 $0xFFFFF060  }
0xa5: {  	[tilespmem:s19], [sflag:$0x3] =	stream.indirect.gather [hbm4b:s1+s14], $0x20, s12, s14, $0xb8;
	[tilespmem:$0x11B20] =	vst v63  }
0xa6: {  	_ =	swait.ge [sflag:s4], $0xFA0  }
0xa7: {  	[sflag:s4] =	ssyncset.done $0x0  }
0xa8: {  	s12 =	sadd.s32 $0x53A0, s10;
	[sflag:s4] =	ssyncadd.s32 $0xFFFFF060  }
0xa9: {  	[tilespmem:s21], [sflag:$0x4] =	stream.indirect.gather [hbm4b:s1+s14], $0x20, s12, s14, $0xb8;
	[tilespmem:$0x11B20] =	vst v63  }
0xaa: {  	_ =	swait.ge [sflag:s5], $0xFA0  }
0xab: {  	[sflag:s5] =	ssyncset.done $0x0  }
0xac: {  	s12 =	sadd.s32 $0x5420, s10;
	[sflag:s5] =	ssyncadd.s32 $0xFFFFF060  }
0xad: {  	[tilespmem:s23], [sflag:$0x5] =	stream.indirect.gather [hbm4b:s1+s14], $0x20, s12, s14, $0xb8;
	[tilespmem:$0x11B20] =	vst v63  }
0xae: {  	_ =	swait.ge [sflag:s11], $0xFA0  }
0xaf: {  	[sflag:s11] =	ssyncset.done $0x0  }
0xb0: {  	s12 =	sadd.s32 $0x54A0, s10;
	[sflag:s11] =	ssyncadd.s32 $0xFFFFF060  }
0xb1: {  	[tilespmem:s25], [sflag:$0x6] =	stream.indirect.gather [hbm4b:s1+s14], $0x20, s12, s14, $0xb8;
	[tilespmem:$0x11B20] =	vst v63  }
0xb2: {  	_ =	swait.ge [sflag:s6], $0xFA0  }
0xb3: {  	[sflag:s6] =	ssyncset.done $0x0  }
.Ltmp0:
0xb4: {  	s12 =	sadd.s32 $0x5520, s10;
	[sflag:s6] =	ssyncadd.s32 $0xFFFFF060;
	(pc) =	sbr.rel @p0 .LBB2_2-.Ltmp0, $4  }
0xb5: {  	[tilespmem:s28], [sflag:$0x7] =	stream.indirect.gather [hbm4b:s1+s14], $0x20, s12, s14, $0xb8;
	[tilespmem:$0x11B20] =	vst v63  }
0xb6: {  	_ =	swait.ge [sflag:s7], $0xFA0  }
0xb7: {  	[sflag:s7] =	ssyncset.done $0x0  }
0xb8: {  	s10 =	sadd.s32 $0x55A0, s10;
	[sflag:s7] =	ssyncadd.s32 $0xFFFFF060  }
0xb9: {  	[tilespmem:s30], [sflag:$0x8] =	stream.indirect.gather [hbm4b:s1+s14], $0x20, s10, s14, $0xb8;
	[tilespmem:$0x11B20] =	vst v63  }
0xba: {  	_ =	swait.ge [sflag:s31], $0xFA0  }
0xbb: {  	[sflag:s31] =	ssyncset.done $0x0  }
0xbc: {  	s8 =	simm.s32 $0x9A20;
	[sflag:s31] =	ssyncadd.s32 $0xFFFFF060  }
0xbd: {  	[spmem:s2] =	stream.indirect.scatter.add.f32 [tilespmem:s15], [sflag:$0x9], $0x20, s8, s14, $0xb8;
	[tilespmem:$0x11B20] =	vst v63  }
0xbe: {  	_ =	swait.ge [sflag:s0], $0xFA0  }
0xbf: {  	[sflag:s0] =	ssyncset.done $0x0  }
0xc0: {  	s9 =	simm.s32 $0x9AA0;
	[sflag:s0] =	ssyncadd.s32 $0xFFFFF060  }
0xc1: {  	[spmem:s2] =	stream.indirect.scatter.add.f32 [tilespmem:s17], [sflag:$0xA], $0x20, s9, s14, $0xb8;
	[tilespmem:$0x11B20] =	vst v63  }
0xc2: {  	_ =	swait.ge [sflag:s13], $0xFA0  }
0xc3: {  	[sflag:s13] =	ssyncset.done $0x0  }
0xc4: {  	s10 =	simm.s32 $0x9B20;
	[sflag:s13] =	ssyncadd.s32 $0xFFFFF060  }
0xc5: {  	[spmem:s2] =	stream.indirect.scatter.add.f32 [tilespmem:s19], [sflag:$0xB], $0x20, s10, s14, $0xb8;
	[tilespmem:$0x11B20] =	vst v63  }
0xc6: {  	_ =	swait.ge [sflag:s16], $0xFA0  }
0xc7: {  	[sflag:s16] =	ssyncset.done $0x0  }
0xc8: {  	s12 =	simm.s32 $0x9BA0;
	[sflag:s16] =	ssyncadd.s32 $0xFFFFF060  }
0xc9: {  	[spmem:s2] =	stream.indirect.scatter.add.f32 [tilespmem:s21], [sflag:$0xC], $0x20, s12, s14, $0xb8;
	[tilespmem:$0x11B20] =	vst v63  }
0xca: {  	_ =	swait.ge [sflag:s18], $0xFA0  }
0xcb: {  	[sflag:s18] =	ssyncset.done $0x0  }
0xcc: {  	s9 =	simm.s32 $0x9C20;
	[sflag:s18] =	ssyncadd.s32 $0xFFFFF060  }
0xcd: {  	[spmem:s2] =	stream.indirect.scatter.add.f32 [tilespmem:s23], [sflag:$0xD], $0x20, s9, s14, $0xb8;
	[tilespmem:$0x11B20] =	vst v63  }
0xce: {  	_ =	swait.ge [sflag:s20], $0xFA0  }
0xcf: {  	[sflag:s20] =	ssyncset.done $0x0  }
0xd0: {  	s10 =	simm.s32 $0x9CA0;
	[sflag:s20] =	ssyncadd.s32 $0xFFFFF060  }
0xd1: {  	[spmem:s2] =	stream.indirect.scatter.add.f32 [tilespmem:s25], [sflag:$0xE], $0x20, s10, s14, $0xb8;
	[tilespmem:$0x11B20] =	vst v63  }
0xd2: {  	_ =	swait.ge [sflag:s22], $0xFA0  }
0xd3: {  	[sflag:s22] =	ssyncset.done $0x0  }
0xd4: {  	s12 =	simm.s32 $0x9D20;
	[sflag:s22] =	ssyncadd.s32 $0xFFFFF060  }
0xd5: {  	[spmem:s2] =	stream.indirect.scatter.add.f32 [tilespmem:s28], [sflag:$0xF], $0x20, s12, s14, $0xb8;
	[tilespmem:$0x11B20] =	vst v63  }
0xd6: {  	_ =	swait.ge [sflag:s24], $0xFA0  }
0xd7: {  	[sflag:s24] =	ssyncset.done $0x0  }
0xd8: {  	s9 =	simm.s32 $0x9DA0;
	[sflag:s24] =	ssyncadd.s32 $0xFFFFF060  }
0xd9: {  	[spmem:s2] =	stream.indirect.scatter.add.f32 [tilespmem:s30], [sflag:$0x10], $0x20, s9, s14, $0xb8;
	[tilespmem:$0x11B20] =	vst v63  }
0xda: {  	_ =	swait.ge [sflag:s26], $0xFA0  }
0xdb: {  	[sflag:s26] =	ssyncset.done $0x0  }
0xdc: {  	[sflag:s26] =	ssyncadd.s32 $0xFFFFF060  }
0xdd: {  	_ =	swait.ge [sflag:s29], $0xFA0  }
0xde: {  	[sflag:s29] =	ssyncset.done $0x0  }
0xdf: {  	[sflag:s29] =	ssyncadd.s32 $0xFFFFF060  }
0xe0: {  	_ =	swait.ge [sflag:s3], $0xFA0  }
0xe1: {  	[sflag:s3] =	ssyncset.done $0x0  }
0xe2: {  	[sflag:s3] =	ssyncadd.s32 $0xFFFFF060  }
0xe3: {  	_ =	swait.ge [sflag:s4], $0xFA0  }
0xe4: {  	[sflag:s4] =	ssyncset.done $0x0  }
0xe5: {  	[sflag:s4] =	ssyncadd.s32 $0xFFFFF060  }
0xe6: {  	_ =	swait.ge [sflag:s5], $0xFA0  }
0xe7: {  	[sflag:s5] =	ssyncset.done $0x0  }
0xe8: {  	[sflag:s5] =	ssyncadd.s32 $0xFFFFF060  }
0xe9: {  	_ =	swait.ge [sflag:s11], $0xFA0  }
0xea: {  	[sflag:s11] =	ssyncset.done $0x0  }
0xeb: {  	[sflag:s11] =	ssyncadd.s32 $0xFFFFF060  }
0xec: {  	_ =	swait.ge [sflag:s6], $0xFA0  }
0xed: {  	[sflag:s6] =	ssyncset.done $0x0  }
0xee: {  	[sflag:s6] =	ssyncadd.s32 $0xFFFFF060  }
0xef: {  	_ =	swait.ge [sflag:s7], $0xFA0  }
0xf0: {  	[sflag:s7] =	ssyncset.done $0x0  }
0xf1: {  	[sflag:s7] =	ssyncadd.s32 $0xFFFFF060  }
0xf2: {  	[bflag:$0x0] =	sbarrier.arrive $0xFFFF  }
0xf3: {  	s9 =	rddreg [dreg:$0x8]  }
0xf4: {  	s10 =	rddreg [dreg:$0xb]  }
0xf5: {  	s8 =	simm.s32 $0x11;
	s12 =	rddreg [dreg:$0xc]  }
0xf6: {  	[hbm:s9@s7], [sflag:s10] =	dma.strided [spmem:s12@s16], $0x9C4, s31, $0x4   }
0xf7: {  	_ =	swait.ge [sflag:s8], $0x9C4  }
0xf8: {  	s9 =	rddreg [dreg:$0xa]  }
0xf9: {  	s12 =	rddreg [dreg:$0x9];
	s10 =	sadd.s32 $0x1, s9  }
0xfa: {  	p0 =	sne.s32 s10, s12  }
.Ltmp1:
0xfb: {  	_ = 	snop;
	(pc) =	sbr.rel @p0 .LBB2_1-.Ltmp1, $3  }
0xfc: {  	_ =	sdelay $0x1  }
0xfd: {  	[sflag:s8] =	ssyncset.done $0x0  }
0xfe: {  	[sflag:s8] =	ssyncadd.s32 $0xFFFFF63C  }
0xff: {  	_ =	sfence.sel $0x180000  }
0x100: {  	[bflag:$0x0] =	sbarrier.arrive $0xFFFF  }
0x101: {  	_ =	strace $0x9000004D  }
0x102: {  	s0 =	stileid.u32;
	[bflag:$0x2] =	sbarrier.arrive $0xFFFF  }
0x103: {  	p0 =	sne.s32 s0, $0x0;
	s0 =	rddreg [dreg:$0x3]  }
0x104: {  	s0 =	sadd.s32 @!p0 $0x100000, s0  }
0x105: {  	[sflag:s0] =	ssyncadd.tile.s32 @!p0 $0x1;
	_ =	shalt  }
.Lfunc_end2:
_tile_overlayer_lowered:
.L_overlay_start_2:
0x106: {  	(tag) =	ssettag $0x2  }
0x107: {  	s0 =	rddreg [dreg:$0x0];
	s2 =	stileid.u32  }
0x108: {  	s1 =	rddreg [dreg:$0x1];
	p0 =	sne.s32 s2, $0x0  }
0x109: {  	s3 =	rddreg [dreg:$0x2];
	[bflag:$0x3] =	sbarrier.arrive $0xFFFF;
	s2 =	simm.s32 @!p0 $0x1C11  }
0x10a: {  	[timem:s3], [sflag:s2] =	dma.local @!p0 [hbm:s0], s1  }
0x10b: {  	s0 =	simm.s32 @!p0 $0x11  }
0x10c: {  	_ =	swait.ge @!p0 [sflag:s0], s1  }
0x10d: {  	s1 =	ssub.s32 @!p0 $0x0, s1;
	[sflag:s0] =	ssyncset.done @!p0 $0x0  }
0x10e: {  	[sflag:s0] =	ssyncadd.s32 @!p0 s1  }
0x10f: {  	[bflag:$0x3] =	sbarrier.arrive $0xFFFF  }
0x110: {  	_ =	shalt  }

// kernel: kernel.8.cloned.1.call-start
scs
__scs_entry_jumppad:
0x0: {  	(pc) =	sbr.rel $0x88, $3  }
0x1: {  	(tag) =	ssettag $0x0;
	lr =	simm.s32 $0x1  }
0x2: {  	[smem:$0x3F9B] =	sst lr;
	_ =	strace $0xD0000000  }
0x3: {  	_ = 	snop  }
0x4: {  	_ = 	snop  }
0x5: {  	_ = 	snop  }
0x6: {  	_ = 	snop  }
0x7: {  	_ = 	snop  }
__scs_overlays_trampoline_lowered:
0x8: {  	[smem:$0x3FAA] =	sst s0  }
0x9: {  	[smem:$0x3FAB] =	sst s1  }
0xa: {  	[smem:$0x3FAC] =	sst s2  }
0xb: {  	[smem:$0x3FAD] =	sst s3  }
0xc: {  	[smem:$0x3FAE] =	sst s4  }
0xd: {  	[smem:$0x3FAF] =	sst s5  }
0xe: {  	[smem:$0x3FB0] =	sst s6  }
0xf: {  	[smem:$0x3FB1] =	sst s7  }
0x10: {  	[smem:$0x3FB2] =	sst s8  }
0x11: {  	[smem:$0x3FB3] =	sst s9;
	s0 =	simm.s32 @!p0 $0x0  }
0x12: {  	s1 =	sld [smem:$0x3F99];
	s0 =	simm.s32 @p0 $0x1  }
0x13: {  	[smem:$0x3FB4] =	sst s0;
	s0 =	simm.s32 @!p1 $0x0  }
0x14: {  	s2 =	sld [smem:$0x3F98];
	s0 =	simm.s32 @p1 $0x1  }
0x15: {  	[smem:$0x3FB5] =	sst s0;
	s0 =	simm.s32 @!p2 $0x0  }
0x16: {  	s3 =	sld [smem:$0x3FDB];
	s0 =	simm.s32 @p2 $0x1  }
0x17: {  	s4 =	simm.s32 $0x1BF5;
	[smem:$0x3FB7] =	sst s0  }
0x18: {  	s0 =	sld [smem:$0x3F9A];
	_ =	swait.ge [sflag:s4], $0x0  }
0x19: {  	s7 =	sld [smem:$0x3F9B]  }
0x1a: {  	s8 =	sadd.s32 $0xFFFFE003, lr  }
0x1b: {  	s9 =	sadd.s32 $0xFFFFFEF7, lr;
	s5 =	simm.s32 $0xFFFFFFFF;
	p2 =	slt.u32 s8, $0xFFFFF086  }
0x1c: {  	p1 =	slt.u32 s9, $0xF7A;
	s5 =	simm.s32 @!p2 $0x0  }
0x1d: {  	s5 =	simm.s32 @p1 $0x1;
	p0 =	seq.s32 s7, s2  }
0x1e: {  	s7 =	smul.u32 @!p0 $0xF7A, s2;
	p2 =	seq.s32 @!p0 s5, $0x0  }
0x1f: {  	s9 =	smul.u32 $0xF7A, s1;
	s8 =	simm.s32 @!p0 $0x1BF5;
	p2 =	por !p2, p0  }
0x20: {  	[sflag:s8] =	ssyncset.s32 @!p0 $0xFFFFF086;
	s6 =	sadd.s32 @!p0 s3, s7;
	s7 =	simm.s32 @!p0 $0x108  }
0x21: {  	s3 =	sadd.s32 s3, s9;
	s6 =	sadd.s32 @!p0 $0x88, s6;
	s7 =	simm.s32 @p2 $0x1082  }
0x22: {  	[simem:s7], [sflag:s8] =	dma.local @!p0 [hbm:s6], $0xF7A  }
0x23: {  	s9 =	sor.u32 $0xD0000000, s2;
	s6 =	simm.s32 $0x108;
	_ =	swait.ge @!p0 [sflag:s8], $0x0  }
0x24: {  	s3 =	sadd.s32 $0x88, s3;
	s6 =	simm.s32 @!p1 $0x1082;
	[sflag:s4] =	ssyncset.s32 $0xFFFFF086  }
0x25: {  	[simem:s6], [sflag:s4] =	dma.local [hbm:s3], $0xF7A  }
0x26: {  	[smem:$0x3F9B] =	sst s1;
	(tag) =	ssettag s2;
	_ =	strace s9  }
0x27: {  	s1 =	sld [smem:$0x3FAB]  }
0x28: {  	s2 =	sld [smem:$0x3FAC]  }
0x29: {  	s4 =	sld [smem:$0x3FAE]  }
0x2a: {  	p0 =	seq.s32 s5, $0x0;
	s5 =	sld [smem:$0x3FAF]  }
0x2b: {  	s6 =	sld [smem:$0x3FB0]  }
0x2c: {  	s7 =	sld [smem:$0x3FB1]  }
0x2d: {  	s3 =	simm.s32 $0x108;
	s8 =	sld [smem:$0x3FB2]  }
0x2e: {  	s3 =	simm.s32 @!p0 $0x1082;
	s9 =	sld [smem:$0x3FB3]  }
0x2f: {  	lr =	sadd.s32 s0, s3;
	s0 =	sld [smem:$0x3FAA]  }
0x30: {  	s3 =	sld [smem:$0x3FAD]  }
0x31: {  	[smem:$0x3FB6] =	sst s10  }
0x32: {  	s10 =	sld [smem:$0x3FB4];
	_ =	sdelay $0x3  }
0x33: {  	p0 =	seq.s32 s10, $0x1;
	s10 =	sld [smem:$0x3FB6];
	_ =	sdelay $0x3  }
0x34: {  	[smem:$0x3FB6] =	sst s10  }
0x35: {  	s10 =	sld [smem:$0x3FB5];
	_ =	sdelay $0x3  }
0x36: {  	p1 =	seq.s32 s10, $0x1;
	s10 =	sld [smem:$0x3FB6];
	_ =	sdelay $0x3  }
0x37: {  	[smem:$0x3FB6] =	sst s10  }
0x38: {  	s10 =	sld [smem:$0x3FB7]  }
0x39: {  	_ = 	snop;
	(pc) =	sbr.ind lr, $3  }
0x3a: {  	_ = 	snop  }
0x3b: {  	_ = 	snop  }
0x3c: {  	p2 =	seq.s32 s10, $0x1;
	s10 =	sld [smem:$0x3FB6]  }
0x3d: {  	_ =	shalt  }
0x3e: {  	_ =	shalt  }
0x3f: {  	_ =	shalt  }
0x40: {  	_ =	shalt  }
0x41: {  	_ =	shalt  }
0x42: {  	_ =	shalt  }
0x43: {  	_ =	shalt  }
0x44: {  	_ =	shalt  }
0x45: {  	_ =	shalt  }
0x46: {  	_ =	shalt  }
0x47: {  	_ =	shalt  }
0x48: {  	_ =	shalt  }
0x49: {  	_ =	shalt  }
0x4a: {  	_ =	shalt  }
0x4b: {  	_ =	shalt  }
0x4c: {  	_ =	shalt  }
0x4d: {  	_ =	shalt  }
0x4e: {  	_ =	shalt  }
0x4f: {  	_ =	shalt  }
0x50: {  	_ =	shalt  }
0x51: {  	_ =	shalt  }
0x52: {  	_ =	shalt  }
0x53: {  	_ =	shalt  }
0x54: {  	_ =	shalt  }
0x55: {  	_ =	shalt  }
0x56: {  	_ =	shalt  }
0x57: {  	_ =	shalt  }
0x58: {  	_ =	shalt  }
0x59: {  	_ =	shalt  }
0x5a: {  	_ =	shalt  }
0x5b: {  	_ =	shalt  }
0x5c: {  	_ =	shalt  }
0x5d: {  	_ =	shalt  }
0x5e: {  	_ =	shalt  }
0x5f: {  	_ =	shalt  }
0x60: {  	_ =	shalt  }
0x61: {  	_ =	shalt  }
0x62: {  	_ =	shalt  }
0x63: {  	_ =	shalt  }
0x64: {  	_ =	shalt  }
0x65: {  	_ =	shalt  }
0x66: {  	_ =	shalt  }
0x67: {  	_ =	shalt  }
0x68: {  	_ =	shalt  }
0x69: {  	_ =	shalt  }
0x6a: {  	_ =	shalt  }
0x6b: {  	_ =	shalt  }
0x6c: {  	_ =	shalt  }
0x6d: {  	_ =	shalt  }
0x6e: {  	_ =	shalt  }
0x6f: {  	_ =	shalt  }
0x70: {  	_ =	shalt  }
0x71: {  	_ =	shalt  }
0x72: {  	_ =	shalt  }
0x73: {  	_ =	shalt  }
0x74: {  	_ =	shalt  }
0x75: {  	_ =	shalt  }
0x76: {  	_ =	shalt  }
0x77: {  	_ =	shalt  }
0x78: {  	_ =	shalt  }
0x79: {  	_ =	shalt  }
0x7a: {  	_ =	shalt  }
0x7b: {  	_ =	shalt  }
0x7c: {  	_ =	shalt  }
0x7d: {  	_ =	shalt  }
0x7e: {  	_ =	shalt  }
0x7f: {  	_ =	shalt  }
0x80: {  	_ =	shalt  }
0x81: {  	_ =	shalt  }
0x82: {  	_ =	shalt  }
0x83: {  	_ =	shalt  }
0x84: {  	_ =	shalt  }
0x85: {  	_ =	shalt  }
0x86: {  	_ =	shalt  }
0x87: {  	_ =	shalt  }
.Lfunc_end0:
.L_simem_size_0:
called_computation_lowered:
.L_overlay_start_0:
0x88: {  	s2 =	sld [smem:$0x3FD9]  }
0x89: {  	s3 =	sld [smem:$0x3FFE];
	_ =	sdelay $0x1  }
0x8a: {  	s1 =	srdreg.scid  }
0x8b: {  	s0 =	sand.u32 $0x1, s1  }
0x8c: {  	s17 =	sshll.u32 s0, $0xA;
	s2 =	sadd.s32 s3, s2  }
0x8d: {  	s2 =	sadd.s32 s2, s17  }
0x8e: {  	[smem:$0x3FC2] =	sst s2  }
0x8f: {  	_ = 	snop  }
0x90: {  	s2 =	sld [smem:$0x3FD0];
	(tm) =	ssettm $0x1  }
0x91: {  	s18 =	sld [smem:$0x3FFB];
	_ =	sdelay $0x3  }
0x92: {  	_ =	strace s18  }
0x93: {  	s3 =	sld [smem:$0x3FFC];
	_ =	sdelay $0x3  }
0x94: {  	_ =	strace s3  }
0x95: {  	s3 =	sld [smem:$0x3FFD];
	_ =	sdelay $0x3  }
0x96: {  	_ =	strace s3  }
0x97: {  	_ =	strace $0x8FFFFFFF  }
0x98: {  	s19 =	sld [smem:$0x3FDB];
	_ =	sdelay $0x1  }
0x99: {  	s4 =	simm.s32 $_scs_section_size  }
0x9a: {  	s5 =	simm.s32 $_size__tile_overlayer_lowered;
	s6 =	simm.s32 $_tile_overlayer_lowered  }
0x9b: {  	s22 =	simm.s32 $0x1BFF;
	s21 =	sshll.u32 s6, $0x1;
	s3 =	sadd.s32 s4, s19  }
0x9c: {  	s7 =	simm.s32 $0x0;
	s20 =	sshll.u32 s5, $0x1;
	s5 =	sadd.s32 s21, s3  }
0x9d: {  	[timem:s7], [sflag:s22] =	dma.local [hbm:s5], s20  }
0x9e: {  	_ =	swait.ge [sflag:s22], s20  }
0x9f: {  	s4 =	ssub.s32 $0x0, s20;
	[sflag:s22] =	ssyncset.done $0x0  }
0xa0: {  	[sflag:s22] =	ssyncadd.s32 s4;
	_ =	sdelay $0x1  }
0xa1: {  	s23 =	simm.s32 $0x1B8B  }
0xa2: {  	_ =	swait.ge [sflag:s23], $0x1  }
0xa3: {  	[sflag:s23] =	ssyncset.done $0x0  }
0xa4: {  	s25 =	simm.s32 $0x1B8E;
	s24 =	sld [smem:$0x3FFE];
	[sflag:s23] =	ssyncadd.s32 $0xFFFFFFFF  }
0xa5: {  	s26 =	simm.s32 $execute0_lowered;
	[smem:$0x3FD2] =	sst s25  }
0xa6: {  	s5 =	sshll.u32 s26, $0x1;
	_ =	strace $0x80000046;
	[dreg:$0x1] =	wrdreg $0xFFFFFFFF  }
0xa7: {  	s28 =	simm.s32 $_size_execute0_lowered;
	s3 =	sadd.s32 s3, s5;
	[dreg:$0x0] =	wrdreg $0x0  }
0xa8: {  	s5 =	sshll.u32 s28, $0x1;
	[dreg:$0x2] =	wrdreg s3  }
0xa9: {  	[dreg:$0x3] =	wrdreg s5  }
0xaa: {  	[dreg:$0x4] =	wrdreg $0xC0  }
0xab: {  	_ =	task [dreg:s7], $0x5FFFF  }
0xac: {  	[dreg:$0x1] =	wrdreg $0xFFFFFFFF  }
0xad: {  	[dreg:$0x0] =	wrdreg $0x60  }
0xae: {  	[dreg:$0x2] =	wrdreg s24  }
0xaf: {  	[dreg:$0x3] =	wrdreg s2  }
0xb0: {  	[dreg:$0x4] =	wrdreg $0x0  }
0xb1: {  	[dreg:$0x5] =	wrdreg $0x9  }
0xb2: {  	_ =	task.clear_ibuf [dreg:s7], $0x6FFFF;
	_ =	strace $0x90000046  }
0xb3: {  	s29 =	simm.s32 $0x9;
	_ =	strace $0x80000048  }
0xb4: {  	_ =	swait.ge [sflag:s29], $0x1  }
0xb5: {  	[sflag:s29] =	ssyncadd.s32 $0xFFFFFFFF  }
0xb6: {  	_ =	strace $0x90000048  }
0xb7: {  	_ =	sfence  }
0xb8: {  	s30 =	sld [smem:$0x0];
	_ =	sdelay $0x2  }
0xb9: {  	s31 =	sshll.u32 s1, $0xD;
	s1 =	sshrl.u32 s1, $0x2  }
0xba: {  	s3 =	sand.u32 $0x4000, s31;
	s1 =	sadd.s32 s1, s30  }
0xbb: {  	s0 =	sor.u32 s3, s0;
	s1 =	sshll.u32 s1, $0x11  }
0xbc: {  	s0 =	sor.u32 s1, s0  }
0xbd: {  	s0 =	sadd.s32 $0x8F2B, s0  }
0xbe: {  	[sflag:s0] =	ssyncadd.remote.s32 $0x1  }
0xbf: {  	_ =	sfence.sel $0xFFFF  }
0xc0: {  	[dreg:$0x0] =	wrdreg $0xFFFFFFFF;
	(pc) =	sbr.abs _section_cstart, $3  }
0xc1: {  	[dreg:$0x1] =	wrdreg $0xFFFFFFFF  }
0xc2: {  	_ =	task.clear_ibuf [dreg:s7], $0x2FFFF;
	_ =	strace $0x9FFFFFFF  }
0xc3: {  	(tm) =	ssettm $0x7FFFFFFF  }
tec
execute0_lowered:
.L_overlay_start_1:
0x0: {  	(tag) =	ssettag $0x1  }
0x1: {  	s6 =	rddreg [dreg:$0x0]  }
0x2: {  	s1 =	srdreg.scid;
	s2 =	rddreg [dreg:$0x1]  }
0x3: {  	s0 =	stileid.u32;
	s3 =	rddreg [dreg:$0x2]  }
0x4: {  	s4 =	simm.s32 $0x0;
	s12 =	simm.s32 $0x1388;
	s13 =	simm.s32 $0x1  }
0x5: {  	s14 =	simm.s32 $0x7D;
	s15 =	simm.s32 $0x1408;
	s16 =	simm.s32 $0x1488  }
0x6: {  	s17 =	simm.s32 $0x1508;
	s19 =	simm.s32 $0x10;
	s20 =	simm.s32 $0x2  }
0x7: {  	s21 =	simm.s32 $0x0;
	s7 =	sand.u32 $0x1, s1;
	s1 =	rddreg [dreg:$0x3]  }
0x8: {  	s29 =	sshll.u32 s0, $0x1;
	[smem:$0x7FF] =	sst s4;
	s10 =	smul.u32 $0x4E20, s0  }
0x9: {  	s11 =	smul.u32 $0x2710, s0;
	s18 =	sshll.u32 s0, $0x6;
	s5 =	sor.u32 s7, s29  }
0xa: {  	_ =	strace $0x80000047;
	s9 =	ssub.s32 $0x2, s7;
	s7 =	sadd.s32 s7, s6  }
0xb: {  	s5 =	smul.u32 $0x500, s5;
	s30 =	sshrl.u32 s9, $0x1;
	s31 =	sshrl.u32 s10, $0x2  }
0xc: {  	s11 =	sadd.s32 s11, s7;
	s9 =	ssub.s32 s9, s30;
	s10 =	sadd.s32 s31, s3  }
0xd: {  	s8 =	sadd.s32 s5, s6;
	s5 =	sadd.s32 $0xC600, s6;
	s6 =	sor.u32 $0x1C01, s18  }
0xe: {  	s9 =	smax.u32 s9, $0x1;
	s10 =	sshrl.u32 s10, $0x3;
	s18 =	sor.u32 $0x1C02, s18  }
0xf: {  	s7 =	sadd.s32 $0x2600, s8;
	s8 =	sadd.s32 $0xC800, s11;
	s11 =	simm.s32 $0x3B88  }
.LBB2_1:
0x10: {  	[spmem:s10], [sflag:s6] =	dma.local [hbm:s2], $0x271  }
0x11: {  	[tilespmem:s11], [sflag:$0x1] =	stream.linear.gather [hbm4b:s5+s4], $0x3E8, $0x38;
	[tilespmem:$0x3F70] =	vst v63  }
0x12: {  	_ = 	snop  }
0x13: {  	[tilespmem:s12], [sflag:$0x1] =	stream.linear.gather [hbm4b:s7+s4], $0x2800, $0x38;
	[tilespmem:$0x3F70] =	vst v63  }
0x14: {  	_ =	swait.ge [sflag:s13], $0x271  }
0x15: {  	[sflag:s13] =	ssyncset.done $0x0  }
0x16: {  	[sflag:s13] =	ssyncadd.s32 $0xFFFFFD8F  }
0x17: {  	_ =	swait.ge [sflag:s13], $0x3E8  }
0x18: {  	[sflag:s13] =	ssyncset.done $0x0  }
0x19: {  	[sflag:s13] =	ssyncadd.s32 $0xFFFFFC18  }
0x1a: {  	_ =	swait.ge [sflag:s13], $0x2800  }
0x1b: {  	[sflag:s13] =	ssyncset.done $0x0  }
0x1c: {  	[sflag:s13] =	ssyncadd.s32 $0xFFFFD800  }
0x1d: {  	[bflag:$0x0] =	sbarrier.arrive $0xFFFF  }
0x1e: {  	[spmem:s3] =	stream.indirect.scatter.add.f32 [tilespmem:s11], [sflag:$0x1], $0x8, s12, s14, $0xb8;
	[tilespmem:$0x3F70] =	vst v63  }
0x1f: {  	_ = 	snop  }
0x20: {  	[spmem:s3] =	stream.indirect.scatter.add.f32 [tilespmem:s11], [sflag:$0x1], $0x8, s15, s14, $0xb8;
	[tilespmem:$0x3F70] =	vst v63  }
0x21: {  	_ = 	snop  }
0x22: {  	[spmem:s3] =	stream.indirect.scatter.add.f32 [tilespmem:s11], [sflag:$0x1], $0x8, s16, s14, $0xb8;
	[tilespmem:$0x3F70] =	vst v63  }
0x23: {  	_ = 	snop  }
0x24: {  	[spmem:s3] =	stream.indirect.scatter.add.f32 [tilespmem:s11], [sflag:$0x1], $0x8, s17, s14, $0xb8;
	[tilespmem:$0x3F70] =	vst v63  }
0x25: {  	s22 =	simm.s32 $0x1588  }
0x26: {  	[spmem:s3] =	stream.indirect.scatter.add.f32 [tilespmem:s11], [sflag:$0x1], $0x8, s22, s14, $0xb8;
	[tilespmem:$0x3F70] =	vst v63  }
0x27: {  	s22 =	simm.s32 $0xA00;
	_ =	swait.ge [sflag:s13], $0x3E8  }
.LBB2_2:
0x28: {  	s23 =	sshra.s32 s22, $0x2;
	[sflag:s13] =	ssyncset.done $0x0;
	p0 =	sne.s32 s22, $0x9E00  }
.Ltmp0:
0x29: {  	s23 =	sadd.s32 $0x1388, s23;
	[sflag:s13] =	ssyncadd.s32 $0xFFFFFC18;
	(pc) =	sbr.rel @p0 .LBB2_2-.Ltmp0, $3  }
0x2a: {  	[spmem:s3] =	stream.indirect.scatter.add.f32 [tilespmem:s11], [sflag:$0x1], $0x8, s23, s14, $0xb8;
	[tilespmem:$0x3F70] =	vst v63  }
0x2b: {  	s22 =	sadd.s32 $0x200, s22;
	_ =	sdelay $0x1  }
0x2c: {  	_ =	swait.ge [sflag:s13], $0x3E8  }
0x2d: {  	[sflag:s13] =	ssyncset.done $0x0  }
0x2e: {  	[sflag:s13] =	ssyncadd.s32 $0xFFFFFC18  }
0x2f: {  	_ =	swait.ge [sflag:s13], $0x3E8  }
0x30: {  	[sflag:s13] =	ssyncset.done $0x0  }
0x31: {  	[sflag:s13] =	ssyncadd.s32 $0xFFFFFC18  }
0x32: {  	_ =	swait.ge [sflag:s13], $0x3E8  }
0x33: {  	[sflag:s13] =	ssyncset.done $0x0  }
0x34: {  	[sflag:s13] =	ssyncadd.s32 $0xFFFFFC18  }
0x35: {  	_ =	swait.ge [sflag:s13], $0x3E8  }
0x36: {  	[sflag:s13] =	ssyncset.done $0x0  }
0x37: {  	[sflag:s13] =	ssyncadd.s32 $0xFFFFFC18  }
0x38: {  	_ =	swait.ge [sflag:s13], $0x3E8  }
0x39: {  	s21 =	sadd.s32 $0x1, s21;
	[sflag:s13] =	ssyncset.done $0x0  }
0x3a: {  	p0 =	sne.s32 s21, s9;
	[sflag:s13] =	ssyncadd.s32 $0xFFFFFC18  }
.Ltmp1:
0x3b: {  	[bflag:$0x0] =	sbarrier.arrive $0xFFFF;
	(pc) =	sbr.rel @p0 .LBB2_1-.Ltmp1, $4  }
0x3c: {  	[hbm:s8@s19], [sflag:s18] =	dma.strided [spmem:s10@s13], $0x271, s13, $0x1   }
0x3d: {  	_ =	swait.ge [sflag:s20], $0x271  }
0x3e: {  	[sflag:s20] =	ssyncset.done $0x0  }
0x3f: {  	[sflag:s20] =	ssyncadd.s32 $0xFFFFFD8F  }
0x40: {  	_ =	sfence.sel $0x180000  }
0x41: {  	[bflag:$0x0] =	sbarrier.arrive $0xFFFF  }
0x42: {  	p0 =	sne.s32 s0, $0x0;
	_ =	strace $0x90000047  }
0x43: {  	s0 =	sadd.s32 @!p0 $0x100000, s1;
	[bflag:$0x2] =	sbarrier.arrive $0xFFFF  }
0x44: {  	[sflag:s0] =	ssyncadd.tile.s32 @!p0 $0x1;
	_ =	shalt  }
.Lfunc_end2:
_tile_overlayer_lowered:
.L_overlay_start_2:
0x45: {  	(tag) =	ssettag $0x2  }
0x46: {  	s0 =	rddreg [dreg:$0x0];
	s2 =	stileid.u32  }
0x47: {  	s1 =	rddreg [dreg:$0x1];
	p0 =	sne.s32 s2, $0x0  }
0x48: {  	s3 =	rddreg [dreg:$0x2];
	[bflag:$0x3] =	sbarrier.arrive $0xFFFF;
	s2 =	simm.s32 @!p0 $0x1C02  }
0x49: {  	[timem:s3], [sflag:s2] =	dma.local @!p0 [hbm:s0], s1  }
0x4a: {  	s0 =	simm.s32 @!p0 $0x2  }
0x4b: {  	_ =	swait.ge @!p0 [sflag:s0], s1  }
0x4c: {  	s1 =	ssub.s32 @!p0 $0x0, s1;
	[sflag:s0] =	ssyncset.done @!p0 $0x0  }
0x4d: {  	[sflag:s0] =	ssyncadd.s32 @!p0 s1  }
0x4e: {  	[bflag:$0x3] =	sbarrier.arrive $0xFFFF  }
0x4f: {  	_ =	shalt  }

</sc_bundles>
